<compile_context>
chip_gen: v7x
topology: tpu7x:2x2x1
jax: 0.10.2.dev20260603
libtpu: 0.0.44.dev20260713+nightly
codegen_flags: <defaults>
</compile_context>

<pallas_src>
import functools

import jax
import jax.numpy as jnp
from jax import lax
from jax.experimental import pallas as pl
from jax.experimental.pallas import tpu as pltpu
from jax.experimental.pallas import tpu_sc as plsc

N_NODES = 10000
N_EDGES = 320000
D_FEAT = 128

NC = 2
NS = 16
L = 16

HD = D_FEAT // NC
CHUNK = 128
NBUF = 2
BLOCK = 18
_RAW_CHUNKS = -(-(N_EDGES // NS) // CHUNK)
N_CHUNKS = ((_RAW_CHUNKS + BLOCK - 1) // BLOCK) * BLOCK
T_EDGES = N_CHUNKS * CHUNK
E_PAD = T_EDGES * NS
SR = N_NODES // NS
MRING = 2 * BLOCK


def _sc_spmm(embeds, col3, row3, val3):
    mesh = plsc.VectorSubcoreMesh(core_axis_name="c", subcore_axis_name="s")

    @functools.partial(
        pl.kernel,
        out_type=jax.ShapeDtypeStruct((N_NODES, D_FEAT), jnp.float32),
        mesh=mesh,
        scratch_types=[
            pltpu.VMEM((MRING, CHUNK), jnp.int32),
            pltpu.VMEM((MRING, CHUNK), jnp.int32),
            pltpu.VMEM((MRING, CHUNK), jnp.float32),
            [pltpu.VMEM((CHUNK, HD), jnp.float32) for _ in range(NBUF)],
            [pltpu.VMEM((CHUNK, HD), jnp.float32) for _ in range(NBUF)],
            pltpu.VMEM_SHARED((N_NODES, HD), jnp.float32),
            pltpu.VMEM_SHARED((N_NODES, HD), jnp.float32),
            [pltpu.SemaphoreType.DMA for _ in range(NBUF)],
            [pltpu.SemaphoreType.DMA for _ in range(NBUF)],
            pltpu.SemaphoreType.DMA,
        ],
        compiler_params=pltpu.CompilerParams(use_tc_tiling_on_sc=False),
    )
    def spmm(emb_hbm, col_hbm, row_hbm, val_hbm, out_hbm,
             colv, rowv, valv, gbuf, sbuf, acc, embv, semg, sems, semm):
        c = lax.axis_index("c")
        s = lax.axis_index("s")

        pltpu.async_copy(emb_hbm.at[pl.ds(s * SR, SR), pl.ds(c * HD, HD)],
                         embv.at[pl.ds(s * SR, SR)], semg[0])

        pltpu.sync_copy(col_hbm.at[s, pl.ds(0, MRING)], colv)
        pltpu.sync_copy(row_hbm.at[s, pl.ds(0, MRING)], rowv)
        pltpu.sync_copy(val_hbm.at[s, pl.ds(0, MRING)], valv)

        zeros = jnp.zeros((L,), jnp.float32)

        @pl.loop(0, CHUNK)
        def _(i):
            for j in range(HD // L):
                sbuf[0][i, pl.ds(j * L, L)] = zeros

        for i in range(SR // CHUNK):
            pltpu.sync_copy(sbuf[0], acc.at[pl.ds(s * SR + i * CHUNK, CHUNK)])
        rem = SR % CHUNK
        if rem:
            pltpu.sync_copy(sbuf[0].at[pl.ds(0, rem)],
                            acc.at[pl.ds(s * SR + (SR // CHUNK) * CHUNK, rem)])
        pltpu.make_async_copy(emb_hbm.at[pl.ds(0, SR), pl.ds(0, HD)],
                              embv.at[pl.ds(0, SR)], semg[0]).wait()
        plsc.subcore_barrier()

        for b in range(NBUF):
            pltpu.async_copy(embv.at[colv.at[b]], gbuf[b], semg[b])

        @pl.loop(0, N_CHUNKS, step=NBUF)
        def _(g):
            blk = g // BLOCK

            @pl.when(jnp.logical_and(g % BLOCK == NBUF,
                                     jnp.logical_and(g > NBUF,
                                                     g < N_CHUNKS - BLOCK + NBUF)))
            def _():
                nxt = blk + 1
                half = (nxt % 2) * BLOCK
                src = pl.ds(nxt * BLOCK, BLOCK)
                dst = pl.ds(half, BLOCK)
                pltpu.async_copy(col_hbm.at[s, src], colv.at[dst], semm)
                pltpu.async_copy(row_hbm.at[s, src], rowv.at[dst], semm)
                pltpu.async_copy(val_hbm.at[s, src], valv.at[dst], semm)

            _WOFF = ((BLOCK // 2) // NBUF + 1) * NBUF

            @pl.when(jnp.logical_and(
                g % BLOCK == _WOFF,
                jnp.logical_and(g > _WOFF, g < N_CHUNKS - BLOCK + _WOFF)))
            def _():
                half = pl.ds(0, BLOCK)
                pltpu.make_async_copy(col_hbm.at[s, half], colv.at[half], semm).wait()
                pltpu.make_async_copy(row_hbm.at[s, half], rowv.at[half], semm).wait()
                pltpu.make_async_copy(val_hbm.at[s, half], valv.at[half], semm).wait()

            for b in range(NBUF):
                gg = g + b
                r = gg % MRING
                pltpu.make_async_copy(embv.at[colv.at[0]], gbuf[b], semg[b]).wait()

                @pl.when(g != 0)
                def _():
                    pltpu.make_async_copy(sbuf[b], acc.at[rowv.at[0]], sems[b]).wait()

                @pl.loop(0, CHUNK, step=L)
                def _(e0):
                    vvec = valv[r, pl.ds(e0, L)]
                    for k in range(L):
                        v = vvec[k]
                        for j in range(HD // L):
                            sl = pl.ds(j * L, L)
                            sbuf[b][e0 + k, sl] = gbuf[b][e0 + k, sl] * v

                pltpu.async_copy(sbuf[b], acc.at[rowv.at[r]], sems[b], add=True)

                @pl.when(g < N_CHUNKS - NBUF)
                def _():
                    rn = (gg + NBUF) % MRING
                    pltpu.async_copy(embv.at[colv.at[rn]], gbuf[b], semg[b])

        for b in range(NBUF):
            pltpu.make_async_copy(sbuf[b], acc.at[rowv.at[0]], sems[b]).wait()

        plsc.subcore_barrier()
        pltpu.sync_copy(acc.at[pl.ds(s * SR, SR)],
                        out_hbm.at[pl.ds(s * SR, SR), pl.ds(c * HD, HD)])

    return spmm(embeds, col3, row3, val3)


def kernel(edge_index, edge_values, embeds):
    row = edge_index[0]
    col = edge_index[1]
    pad = E_PAD - N_EDGES
    row_p = jnp.pad(row, (0, pad))
    col_p = jnp.pad(col, (0, pad))
    val_p = jnp.pad(edge_values, (0, pad))
    col3 = col_p.reshape(NS, N_CHUNKS, CHUNK)
    row3 = row_p.reshape(NS, N_CHUNKS, CHUNK)
    val3 = val_p.reshape(NS, N_CHUNKS, CHUNK)
    return _sc_spmm(embeds, col3, row3, val3)

# --- scband reference (transcript-rebuilt; emitter-appended) ---
"""Pipeline reference for scband-gcnlayer-51419348468394 (READ-ONLY COPY).

The authoritative reference and input builder live on the scoring server;
editing this copy changes nothing except your own understanding.
"""

import jax, jax.numpy as jnp
import numpy as np

N_NODES = 10000
N_EDGES = 320000
D_FEAT = 128


def setup_inputs(seed: int = 0) -> dict:
    key = jax.random.key(seed)
    k1, k2, k3 = jax.random.split(key, 3)
    edge_index = jax.random.randint(k1, (2, N_EDGES), 0, N_NODES, dtype=jnp.int64 if jax.config.jax_enable_x64 else jnp.int32).astype(jnp.int32)
    edge_values = jax.random.uniform(k2, (N_EDGES,), dtype=jnp.float32)
    embeds = jax.random.normal(k3, (N_NODES, D_FEAT), dtype=jnp.float32)
    return {"edge_index": edge_index, "edge_values": edge_values, "embeds": embeds}


def reference(edge_index, edge_values, embeds):
    # torch.spmm(adj, embeds) where adj is sparse COO [N, N]:
    # out[r] = sum over edges e with row r of adj_val[e] * embeds[col[e]]
    row = edge_index[0]
    col = edge_index[1]
    gathered = jnp.take(embeds, col, axis=0)  # [E, D]
    weighted = gathered * edge_values[:, None]  # [E, D]
    out = jax.ops.segment_sum(weighted, row, num_segments=embeds.shape[0])  # [N, D]
    return out

if __name__ == "__main__":
    import jax
    _d = setup_inputs()
    print(jax.jit(kernel)(*tuple(_d.values())))

</pallas_src>

<mosaic_0001>
#map = affine_map<(d0, d1) -> (0, 0)>
#map1 = affine_map<(d0, d1) -> (0, 0, 0)>
module attributes {stable_mosaic.version = 14 : i64} {
  func.func @spmm(%arg0: i32, %arg1: i32, %arg2: memref<10000x128xf32, #tpu.memory_space<hbm>>, %arg3: memref<16x162x128xi32, #tpu.memory_space<hbm>>, %arg4: memref<16x162x128xi32, #tpu.memory_space<hbm>>, %arg5: memref<16x162x128xf32, #tpu.memory_space<hbm>>, %arg6: memref<10000x128xf32, #tpu.memory_space<hbm>>, %arg7: memref<36x128xi32, #tpu.memory_space<vmem>>, %arg8: memref<36x128xi32, #tpu.memory_space<vmem>>, %arg9: memref<36x128xf32, #tpu.memory_space<vmem>>, %arg10: memref<128x64xf32, #tpu.memory_space<vmem>>, %arg11: memref<128x64xf32, #tpu.memory_space<vmem>>, %arg12: memref<128x64xf32, #tpu.memory_space<vmem>>, %arg13: memref<128x64xf32, #tpu.memory_space<vmem>>, %arg14: memref<10000x64xf32, #tpu.memory_space<vmem_shared>>, %arg15: memref<10000x64xf32, #tpu.memory_space<vmem_shared>>, %arg16: memref<!tpu.dma_semaphore, #tpu.memory_space<semaphore_mem>>, %arg17: memref<!tpu.dma_semaphore, #tpu.memory_space<semaphore_mem>>, %arg18: memref<!tpu.dma_semaphore, #tpu.memory_space<semaphore_mem>>, %arg19: memref<!tpu.dma_semaphore, #tpu.memory_space<semaphore_mem>>, %arg20: memref<!tpu.dma_semaphore, #tpu.memory_space<semaphore_mem>>) attributes {dimension_semantics = [#tpu.dimension_semantics<core_parallel>, #tpu.dimension_semantics<subcore_parallel>], iteration_bounds = array<i64: 2, 16>, scalar_prefetch = 0 : i64, scratch_operands = 14 : i64, tpu.core_type = #tpu.core_type<sc_vector_subcore>, window_params = [{transform_indices = #map}, {transform_indices = #map1}, {transform_indices = #map1}, {transform_indices = #map1}, {transform_indices = #map}]} {
    %mul3A = arith.constant 625 : i32
    %mul3A_0 = arith.muli %arg1, %mul3A : i32
    %mul3A_1 = arith.constant 64 : i32
    %mul3A_2 = arith.muli %arg0, %mul3A_1 : i32
    %mul3A_3 = arith.constant 625 : i32
    %mul3A_4 = arith.muli %arg1, %mul3A_3 : i32
    %dma_start3A = arith.constant 0 : i32
    %dma_start3A_5 = tpu.memref_slice %arg15[%mul3A_4, %dma_start3A] : memref<10000x64xf32, #tpu.memory_space<vmem_shared>> -> memref<625x64xf32, #tpu.memory_space<vmem_shared>>
    %dma_start3A_6 = tpu.memref_slice %arg2[%mul3A_0, %mul3A_2] : memref<10000x128xf32, #tpu.memory_space<hbm>> -> memref<625x64xf32, #tpu.memory_space<hbm>>
    tpu.enqueue_dma source(%dma_start3A_6 : memref<625x64xf32, #tpu.memory_space<hbm>>) target(%dma_start3A_5 : memref<625x64xf32, #tpu.memory_space<vmem_shared>>) target_semaphore(%arg16 : memref<!tpu.dma_semaphore, #tpu.memory_space<semaphore_mem>>)
    "tpu.region"() ({
      %run_scoped3A = tpu.sem_alloc : memref<!tpu.dma_semaphore, #tpu.memory_space<semaphore_mem>>
      %dma_start3A_76 = arith.constant 0 : i32
      %dma_start3A_77 = arith.constant 0 : i32
      %dma_start3A_78 = tpu.memref_slice %arg3[%arg1, %dma_start3A_76, %dma_start3A_77] : memref<16x162x128xi32, #tpu.memory_space<hbm>> -> memref<1x36x128xi32, #tpu.memory_space<hbm>>
      %dma_start3A_79 = tpu.memref_squeeze %dma_start3A_78 : memref<1x36x128xi32, #tpu.memory_space<hbm>> -> memref<36x128xi32, #tpu.memory_space<hbm>>
      %dma_start3A_80 = arith.constant 0 : i32
      %dma_start3A_81 = arith.constant 0 : i32
      %dma_start3A_82 = tpu.memref_slice %arg3[%arg1, %dma_start3A_80, %dma_start3A_81] : memref<16x162x128xi32, #tpu.memory_space<hbm>> -> memref<1x36x128xi32, #tpu.memory_space<hbm>>
      %dma_start3A_83 = tpu.memref_squeeze %dma_start3A_82 : memref<1x36x128xi32, #tpu.memory_space<hbm>> -> memref<36x128xi32, #tpu.memory_space<hbm>>
      tpu.enqueue_dma source(%dma_start3A_83 : memref<36x128xi32, #tpu.memory_space<hbm>>) target(%arg7 : memref<36x128xi32, #tpu.memory_space<vmem>>) target_semaphore(%run_scoped3A : memref<!tpu.dma_semaphore, #tpu.memory_space<semaphore_mem>>)
      %dma_wait3A_84 = arith.constant 0 : i32
      %dma_wait3A_85 = arith.constant 0 : i32
      %dma_wait3A_86 = tpu.memref_slice %arg3[%arg1, %dma_wait3A_84, %dma_wait3A_85] : memref<16x162x128xi32, #tpu.memory_space<hbm>> -> memref<1x36x128xi32, #tpu.memory_space<hbm>>
      %dma_wait3A_87 = tpu.memref_squeeze %dma_wait3A_86 : memref<1x36x128xi32, #tpu.memory_space<hbm>> -> memref<36x128xi32, #tpu.memory_space<hbm>>
      %dma_wait3A_88 = arith.constant 0 : i32
      %dma_wait3A_89 = arith.constant 0 : i32
      %dma_wait3A_90 = tpu.memref_slice %arg3[%arg1, %dma_wait3A_88, %dma_wait3A_89] : memref<16x162x128xi32, #tpu.memory_space<hbm>> -> memref<1x36x128xi32, #tpu.memory_space<hbm>>
      %dma_wait3A_91 = tpu.memref_squeeze %dma_wait3A_90 : memref<1x36x128xi32, #tpu.memory_space<hbm>> -> memref<36x128xi32, #tpu.memory_space<hbm>>
      tpu.wait_dma2 semaphore(%run_scoped3A : memref<!tpu.dma_semaphore, #tpu.memory_space<semaphore_mem>>) src(%dma_wait3A_91 : memref<36x128xi32, #tpu.memory_space<hbm>>) dst(%arg7 : memref<36x128xi32, #tpu.memory_space<vmem>>)
      tpu.yield
    }) : () -> ()
    "tpu.region"() ({
      %run_scoped3A = tpu.sem_alloc : memref<!tpu.dma_semaphore, #tpu.memory_space<semaphore_mem>>
      %dma_start3A_76 = arith.constant 0 : i32
      %dma_start3A_77 = arith.constant 0 : i32
      %dma_start3A_78 = tpu.memref_slice %arg4[%arg1, %dma_start3A_76, %dma_start3A_77] : memref<16x162x128xi32, #tpu.memory_space<hbm>> -> memref<1x36x128xi32, #tpu.memory_space<hbm>>
      %dma_start3A_79 = tpu.memref_squeeze %dma_start3A_78 : memref<1x36x128xi32, #tpu.memory_space<hbm>> -> memref<36x128xi32, #tpu.memory_space<hbm>>
      %dma_start3A_80 = arith.constant 0 : i32
      %dma_start3A_81 = arith.constant 0 : i32
      %dma_start3A_82 = tpu.memref_slice %arg4[%arg1, %dma_start3A_80, %dma_start3A_81] : memref<16x162x128xi32, #tpu.memory_space<hbm>> -> memref<1x36x128xi32, #tpu.memory_space<hbm>>
      %dma_start3A_83 = tpu.memref_squeeze %dma_start3A_82 : memref<1x36x128xi32, #tpu.memory_space<hbm>> -> memref<36x128xi32, #tpu.memory_space<hbm>>
      tpu.enqueue_dma source(%dma_start3A_83 : memref<36x128xi32, #tpu.memory_space<hbm>>) target(%arg8 : memref<36x128xi32, #tpu.memory_space<vmem>>) target_semaphore(%run_scoped3A : memref<!tpu.dma_semaphore, #tpu.memory_space<semaphore_mem>>)
      %dma_wait3A_84 = arith.constant 0 : i32
      %dma_wait3A_85 = arith.constant 0 : i32
      %dma_wait3A_86 = tpu.memref_slice %arg4[%arg1, %dma_wait3A_84, %dma_wait3A_85] : memref<16x162x128xi32, #tpu.memory_space<hbm>> -> memref<1x36x128xi32, #tpu.memory_space<hbm>>
      %dma_wait3A_87 = tpu.memref_squeeze %dma_wait3A_86 : memref<1x36x128xi32, #tpu.memory_space<hbm>> -> memref<36x128xi32, #tpu.memory_space<hbm>>
      %dma_wait3A_88 = arith.constant 0 : i32
      %dma_wait3A_89 = arith.constant 0 : i32
      %dma_wait3A_90 = tpu.memref_slice %arg4[%arg1, %dma_wait3A_88, %dma_wait3A_89] : memref<16x162x128xi32, #tpu.memory_space<hbm>> -> memref<1x36x128xi32, #tpu.memory_space<hbm>>
      %dma_wait3A_91 = tpu.memref_squeeze %dma_wait3A_90 : memref<1x36x128xi32, #tpu.memory_space<hbm>> -> memref<36x128xi32, #tpu.memory_space<hbm>>
      tpu.wait_dma2 semaphore(%run_scoped3A : memref<!tpu.dma_semaphore, #tpu.memory_space<semaphore_mem>>) src(%dma_wait3A_91 : memref<36x128xi32, #tpu.memory_space<hbm>>) dst(%arg8 : memref<36x128xi32, #tpu.memory_space<vmem>>)
      tpu.yield
    }) : () -> ()
    "tpu.region"() ({
      %run_scoped3A = tpu.sem_alloc : memref<!tpu.dma_semaphore, #tpu.memory_space<semaphore_mem>>
      %dma_start3A_76 = arith.constant 0 : i32
      %dma_start3A_77 = arith.constant 0 : i32
      %dma_start3A_78 = tpu.memref_slice %arg5[%arg1, %dma_start3A_76, %dma_start3A_77] : memref<16x162x128xf32, #tpu.memory_space<hbm>> -> memref<1x36x128xf32, #tpu.memory_space<hbm>>
      %dma_start3A_79 = tpu.memref_squeeze %dma_start3A_78 : memref<1x36x128xf32, #tpu.memory_space<hbm>> -> memref<36x128xf32, #tpu.memory_space<hbm>>
      %dma_start3A_80 = arith.constant 0 : i32
      %dma_start3A_81 = arith.constant 0 : i32
      %dma_start3A_82 = tpu.memref_slice %arg5[%arg1, %dma_start3A_80, %dma_start3A_81] : memref<16x162x128xf32, #tpu.memory_space<hbm>> -> memref<1x36x128xf32, #tpu.memory_space<hbm>>
      %dma_start3A_83 = tpu.memref_squeeze %dma_start3A_82 : memref<1x36x128xf32, #tpu.memory_space<hbm>> -> memref<36x128xf32, #tpu.memory_space<hbm>>
      tpu.enqueue_dma source(%dma_start3A_83 : memref<36x128xf32, #tpu.memory_space<hbm>>) target(%arg9 : memref<36x128xf32, #tpu.memory_space<vmem>>) target_semaphore(%run_scoped3A : memref<!tpu.dma_semaphore, #tpu.memory_space<semaphore_mem>>)
      %dma_wait3A_84 = arith.constant 0 : i32
      %dma_wait3A_85 = arith.constant 0 : i32
      %dma_wait3A_86 = tpu.memref_slice %arg5[%arg1, %dma_wait3A_84, %dma_wait3A_85] : memref<16x162x128xf32, #tpu.memory_space<hbm>> -> memref<1x36x128xf32, #tpu.memory_space<hbm>>
      %dma_wait3A_87 = tpu.memref_squeeze %dma_wait3A_86 : memref<1x36x128xf32, #tpu.memory_space<hbm>> -> memref<36x128xf32, #tpu.memory_space<hbm>>
      %dma_wait3A_88 = arith.constant 0 : i32
      %dma_wait3A_89 = arith.constant 0 : i32
      %dma_wait3A_90 = tpu.memref_slice %arg5[%arg1, %dma_wait3A_88, %dma_wait3A_89] : memref<16x162x128xf32, #tpu.memory_space<hbm>> -> memref<1x36x128xf32, #tpu.memory_space<hbm>>
      %dma_wait3A_91 = tpu.memref_squeeze %dma_wait3A_90 : memref<1x36x128xf32, #tpu.memory_space<hbm>> -> memref<36x128xf32, #tpu.memory_space<hbm>>
      tpu.wait_dma2 semaphore(%run_scoped3A : memref<!tpu.dma_semaphore, #tpu.memory_space<semaphore_mem>>) src(%dma_wait3A_91 : memref<36x128xf32, #tpu.memory_space<hbm>>) dst(%arg9 : memref<36x128xf32, #tpu.memory_space<vmem>>)
      tpu.yield
    }) : () -> ()
    %broadcast_in_dim3A = arith.constant 0.000000e+00 : f32
    %broadcast_in_dim3A_7 = vector.broadcast %broadcast_in_dim3A : f32 to vector<16xf32>
    %scan3A = arith.constant 0 : i32
    %scan3A_8 = arith.constant 128 : i32
    %scan3A_9 = arith.addi %scan3A, %scan3A_8 : i32
    %scan3A_10 = arith.constant 1 : i32
    scf.for %scan3A_76 = %scan3A to %scan3A_9 step %scan3A_10  : i32 {
      %mul3A_77 = arith.constant 1 : i32
      %mul3A_78 = arith.muli %scan3A_76, %mul3A_77 : i32
      %add3A_79 = arith.constant 0 : i32
      %add3A_80 = arith.addi %add3A_79, %mul3A_78 : i32
      %swap3A = arith.index_cast %add3A_80 : i32 to index
      %swap3A_81 = arith.constant 0 : index
      %swap3A_82 = tpu.vector_load %arg12[%swap3A, %swap3A_81] {strides = array<i32>} : memref<128x64xf32, #tpu.memory_space<vmem>>, vector<1x16xf32>,
      %swap3A_83 = vector.shape_cast %swap3A_82 : vector<1x16xf32> to vector<16xf32>
      %swap3A_84 = vector.shape_cast %broadcast_in_dim3A_7 : vector<16xf32> to vector<1x16xf32>
      tpu.vector_store %arg12[%swap3A, %swap3A_81], %swap3A_84 {strides = array<i32>} : memref<128x64xf32, #tpu.memory_space<vmem>>, vector<1x16xf32>,
      %swap3A_85 = arith.index_cast %add3A_80 : i32 to index
      %swap3A_86 = arith.constant 16 : index
      %swap3A_87 = tpu.vector_load %arg12[%swap3A_85, %swap3A_86] {strides = array<i32>} : memref<128x64xf32, #tpu.memory_space<vmem>>, vector<1x16xf32>,
      %swap3A_88 = vector.shape_cast %swap3A_87 : vector<1x16xf32> to vector<16xf32>
      %swap3A_89 = vector.shape_cast %broadcast_in_dim3A_7 : vector<16xf32> to vector<1x16xf32>
      tpu.vector_store %arg12[%swap3A_85, %swap3A_86], %swap3A_89 {strides = array<i32>} : memref<128x64xf32, #tpu.memory_space<vmem>>, vector<1x16xf32>,
      %swap3A_90 = arith.index_cast %add3A_80 : i32 to index
      %swap3A_91 = arith.constant 32 : index
      %swap3A_92 = tpu.vector_load %arg12[%swap3A_90, %swap3A_91] {strides = array<i32>} : memref<128x64xf32, #tpu.memory_space<vmem>>, vector<1x16xf32>,
      %swap3A_93 = vector.shape_cast %swap3A_92 : vector<1x16xf32> to vector<16xf32>
      %swap3A_94 = vector.shape_cast %broadcast_in_dim3A_7 : vector<16xf32> to vector<1x16xf32>
      tpu.vector_store %arg12[%swap3A_90, %swap3A_91], %swap3A_94 {strides = array<i32>} : memref<128x64xf32, #tpu.memory_space<vmem>>, vector<1x16xf32>,
      %swap3A_95 = arith.index_cast %add3A_80 : i32 to index
      %swap3A_96 = arith.constant 48 : index
      %swap3A_97 = tpu.vector_load %arg12[%swap3A_95, %swap3A_96] {strides = array<i32>} : memref<128x64xf32, #tpu.memory_space<vmem>>, vector<1x16xf32>,
      %swap3A_98 = vector.shape_cast %swap3A_97 : vector<1x16xf32> to vector<16xf32>
      %swap3A_99 = vector.shape_cast %broadcast_in_dim3A_7 : vector<16xf32> to vector<1x16xf32>
      tpu.vector_store %arg12[%swap3A_95, %swap3A_96], %swap3A_99 {strides = array<i32>} : memref<128x64xf32, #tpu.memory_space<vmem>>, vector<1x16xf32>,
    }
    %scan3A_11 = arith.constant 128 : i32
    %mul3A_12 = arith.constant 625 : i32
    %mul3A_13 = arith.muli %arg1, %mul3A_12 : i32
    %add3A = arith.constant 0 : i32
    %add3A_14 = arith.addi %mul3A_13, %add3A : i32
    "tpu.region"() ({
      %run_scoped3A = tpu.sem_alloc : memref<!tpu.dma_semaphore, #tpu.memory_space<semaphore_mem>>
      %dma_start3A_76 = arith.constant 0 : i32
      %dma_start3A_77 = tpu.memref_slice %arg14[%add3A_14, %dma_start3A_76] : memref<10000x64xf32, #tpu.memory_space<vmem_shared>> -> memref<128x64xf32, #tpu.memory_space<vmem_shared>>
      %dma_start3A_78 = arith.constant 0 : i32
      %dma_start3A_79 = tpu.memref_slice %arg14[%add3A_14, %dma_start3A_78] : memref<10000x64xf32, #tpu.memory_space<vmem_shared>> -> memref<128x64xf32, #tpu.memory_space<vmem_shared>>
      tpu.enqueue_dma source(%arg12 : memref<128x64xf32, #tpu.memory_space<vmem>>) target(%dma_start3A_79 : memref<128x64xf32, #tpu.memory_space<vmem_shared>>) target_semaphore(%run_scoped3A : memref<!tpu.dma_semaphore, #tpu.memory_space<semaphore_mem>>)
      %dma_wait3A_80 = arith.constant 0 : i32
      %dma_wait3A_81 = tpu.memref_slice %arg14[%add3A_14, %dma_wait3A_80] : memref<10000x64xf32, #tpu.memory_space<vmem_shared>> -> memref<128x64xf32, #tpu.memory_space<vmem_shared>>
      %dma_wait3A_82 = arith.constant 0 : i32
      %dma_wait3A_83 = tpu.memref_slice %arg14[%add3A_14, %dma_wait3A_82] : memref<10000x64xf32, #tpu.memory_space<vmem_shared>> -> memref<128x64xf32, #tpu.memory_space<vmem_shared>>
      tpu.wait_dma2 semaphore(%run_scoped3A : memref<!tpu.dma_semaphore, #tpu.memory_space<semaphore_mem>>) src(%arg12 : memref<128x64xf32, #tpu.memory_space<vmem>>) dst(%dma_wait3A_83 : memref<128x64xf32, #tpu.memory_space<vmem_shared>>)
      tpu.yield
    }) : () -> ()
    %mul3A_15 = arith.constant 625 : i32
    %mul3A_16 = arith.muli %arg1, %mul3A_15 : i32
    %add3A_17 = arith.constant 128 : i32
    %add3A_18 = arith.addi %mul3A_16, %add3A_17 : i32
    "tpu.region"() ({
      %run_scoped3A = tpu.sem_alloc : memref<!tpu.dma_semaphore, #tpu.memory_space<semaphore_mem>>
      %dma_start3A_76 = arith.constant 0 : i32
      %dma_start3A_77 = tpu.memref_slice %arg14[%add3A_18, %dma_start3A_76] : memref<10000x64xf32, #tpu.memory_space<vmem_shared>> -> memref<128x64xf32, #tpu.memory_space<vmem_shared>>
      %dma_start3A_78 = arith.constant 0 : i32
      %dma_start3A_79 = tpu.memref_slice %arg14[%add3A_18, %dma_start3A_78] : memref<10000x64xf32, #tpu.memory_space<vmem_shared>> -> memref<128x64xf32, #tpu.memory_space<vmem_shared>>
      tpu.enqueue_dma source(%arg12 : memref<128x64xf32, #tpu.memory_space<vmem>>) target(%dma_start3A_79 : memref<128x64xf32, #tpu.memory_space<vmem_shared>>) target_semaphore(%run_scoped3A : memref<!tpu.dma_semaphore, #tpu.memory_space<semaphore_mem>>)
      %dma_wait3A_80 = arith.constant 0 : i32
      %dma_wait3A_81 = tpu.memref_slice %arg14[%add3A_18, %dma_wait3A_80] : memref<10000x64xf32, #tpu.memory_space<vmem_shared>> -> memref<128x64xf32, #tpu.memory_space<vmem_shared>>
      %dma_wait3A_82 = arith.constant 0 : i32
      %dma_wait3A_83 = tpu.memref_slice %arg14[%add3A_18, %dma_wait3A_82] : memref<10000x64xf32, #tpu.memory_space<vmem_shared>> -> memref<128x64xf32, #tpu.memory_space<vmem_shared>>
      tpu.wait_dma2 semaphore(%run_scoped3A : memref<!tpu.dma_semaphore, #tpu.memory_space<semaphore_mem>>) src(%arg12 : memref<128x64xf32, #tpu.memory_space<vmem>>) dst(%dma_wait3A_83 : memref<128x64xf32, #tpu.memory_space<vmem_shared>>)
      tpu.yield
    }) : () -> ()
    %mul3A_19 = arith.constant 625 : i32
    %mul3A_20 = arith.muli %arg1, %mul3A_19 : i32
    %add3A_21 = arith.constant 256 : i32
    %add3A_22 = arith.addi %mul3A_20, %add3A_21 : i32
    "tpu.region"() ({
      %run_scoped3A = tpu.sem_alloc : memref<!tpu.dma_semaphore, #tpu.memory_space<semaphore_mem>>
      %dma_start3A_76 = arith.constant 0 : i32
      %dma_start3A_77 = tpu.memref_slice %arg14[%add3A_22, %dma_start3A_76] : memref<10000x64xf32, #tpu.memory_space<vmem_shared>> -> memref<128x64xf32, #tpu.memory_space<vmem_shared>>
      %dma_start3A_78 = arith.constant 0 : i32
      %dma_start3A_79 = tpu.memref_slice %arg14[%add3A_22, %dma_start3A_78] : memref<10000x64xf32, #tpu.memory_space<vmem_shared>> -> memref<128x64xf32, #tpu.memory_space<vmem_shared>>
      tpu.enqueue_dma source(%arg12 : memref<128x64xf32, #tpu.memory_space<vmem>>) target(%dma_start3A_79 : memref<128x64xf32, #tpu.memory_space<vmem_shared>>) target_semaphore(%run_scoped3A : memref<!tpu.dma_semaphore, #tpu.memory_space<semaphore_mem>>)
      %dma_wait3A_80 = arith.constant 0 : i32
      %dma_wait3A_81 = tpu.memref_slice %arg14[%add3A_22, %dma_wait3A_80] : memref<10000x64xf32, #tpu.memory_space<vmem_shared>> -> memref<128x64xf32, #tpu.memory_space<vmem_shared>>
      %dma_wait3A_82 = arith.constant 0 : i32
      %dma_wait3A_83 = tpu.memref_slice %arg14[%add3A_22, %dma_wait3A_82] : memref<10000x64xf32, #tpu.memory_space<vmem_shared>> -> memref<128x64xf32, #tpu.memory_space<vmem_shared>>
      tpu.wait_dma2 semaphore(%run_scoped3A : memref<!tpu.dma_semaphore, #tpu.memory_space<semaphore_mem>>) src(%arg12 : memref<128x64xf32, #tpu.memory_space<vmem>>) dst(%dma_wait3A_83 : memref<128x64xf32, #tpu.memory_space<vmem_shared>>)
      tpu.yield
    }) : () -> ()
    %mul3A_23 = arith.constant 625 : i32
    %mul3A_24 = arith.muli %arg1, %mul3A_23 : i32
    %add3A_25 = arith.constant 384 : i32
    %add3A_26 = arith.addi %mul3A_24, %add3A_25 : i32
    "tpu.region"() ({
      %run_scoped3A = tpu.sem_alloc : memref<!tpu.dma_semaphore, #tpu.memory_space<semaphore_mem>>
      %dma_start3A_76 = arith.constant 0 : i32
      %dma_start3A_77 = tpu.memref_slice %arg14[%add3A_26, %dma_start3A_76] : memref<10000x64xf32, #tpu.memory_space<vmem_shared>> -> memref<128x64xf32, #tpu.memory_space<vmem_shared>>
      %dma_start3A_78 = arith.constant 0 : i32
      %dma_start3A_79 = tpu.memref_slice %arg14[%add3A_26, %dma_start3A_78] : memref<10000x64xf32, #tpu.memory_space<vmem_shared>> -> memref<128x64xf32, #tpu.memory_space<vmem_shared>>
      tpu.enqueue_dma source(%arg12 : memref<128x64xf32, #tpu.memory_space<vmem>>) target(%dma_start3A_79 : memref<128x64xf32, #tpu.memory_space<vmem_shared>>) target_semaphore(%run_scoped3A : memref<!tpu.dma_semaphore, #tpu.memory_space<semaphore_mem>>)
      %dma_wait3A_80 = arith.constant 0 : i32
      %dma_wait3A_81 = tpu.memref_slice %arg14[%add3A_26, %dma_wait3A_80] : memref<10000x64xf32, #tpu.memory_space<vmem_shared>> -> memref<128x64xf32, #tpu.memory_space<vmem_shared>>
      %dma_wait3A_82 = arith.constant 0 : i32
      %dma_wait3A_83 = tpu.memref_slice %arg14[%add3A_26, %dma_wait3A_82] : memref<10000x64xf32, #tpu.memory_space<vmem_shared>> -> memref<128x64xf32, #tpu.memory_space<vmem_shared>>
      tpu.wait_dma2 semaphore(%run_scoped3A : memref<!tpu.dma_semaphore, #tpu.memory_space<semaphore_mem>>) src(%arg12 : memref<128x64xf32, #tpu.memory_space<vmem>>) dst(%dma_wait3A_83 : memref<128x64xf32, #tpu.memory_space<vmem_shared>>)
      tpu.yield
    }) : () -> ()
    %mul3A_27 = arith.constant 625 : i32
    %mul3A_28 = arith.muli %arg1, %mul3A_27 : i32
    %add3A_29 = arith.constant 512 : i32
    %add3A_30 = arith.addi %mul3A_28, %add3A_29 : i32
    "tpu.region"() ({
      %run_scoped3A = tpu.sem_alloc : memref<!tpu.dma_semaphore, #tpu.memory_space<semaphore_mem>>
      %dma_start3A_76 = arith.constant 0 : i32
      %dma_start3A_77 = arith.constant 0 : i32
      %dma_start3A_78 = tpu.memref_slice %arg12[%dma_start3A_76, %dma_start3A_77] : memref<128x64xf32, #tpu.memory_space<vmem>> -> memref<113x64xf32, #tpu.memory_space<vmem>>
      %dma_start3A_79 = arith.constant 0 : i32
      %dma_start3A_80 = tpu.memref_slice %arg14[%add3A_30, %dma_start3A_79] : memref<10000x64xf32, #tpu.memory_space<vmem_shared>> -> memref<113x64xf32, #tpu.memory_space<vmem_shared>>
      %dma_start3A_81 = arith.constant 0 : i32
      %dma_start3A_82 = tpu.memref_slice %arg14[%add3A_30, %dma_start3A_81] : memref<10000x64xf32, #tpu.memory_space<vmem_shared>> -> memref<113x64xf32, #tpu.memory_space<vmem_shared>>
      %dma_start3A_83 = arith.constant 0 : i32
      %dma_start3A_84 = arith.constant 0 : i32
      %dma_start3A_85 = tpu.memref_slice %arg12[%dma_start3A_83, %dma_start3A_84] : memref<128x64xf32, #tpu.memory_space<vmem>> -> memref<113x64xf32, #tpu.memory_space<vmem>>
      tpu.enqueue_dma source(%dma_start3A_85 : memref<113x64xf32, #tpu.memory_space<vmem>>) target(%dma_start3A_82 : memref<113x64xf32, #tpu.memory_space<vmem_shared>>) target_semaphore(%run_scoped3A : memref<!tpu.dma_semaphore, #tpu.memory_space<semaphore_mem>>)
      %dma_wait3A_86 = arith.constant 0 : i32
      %dma_wait3A_87 = arith.constant 0 : i32
      %dma_wait3A_88 = tpu.memref_slice %arg12[%dma_wait3A_86, %dma_wait3A_87] : memref<128x64xf32, #tpu.memory_space<vmem>> -> memref<113x64xf32, #tpu.memory_space<vmem>>
      %dma_wait3A_89 = arith.constant 0 : i32
      %dma_wait3A_90 = tpu.memref_slice %arg14[%add3A_30, %dma_wait3A_89] : memref<10000x64xf32, #tpu.memory_space<vmem_shared>> -> memref<113x64xf32, #tpu.memory_space<vmem_shared>>
      %dma_wait3A_91 = arith.constant 0 : i32
      %dma_wait3A_92 = tpu.memref_slice %arg14[%add3A_30, %dma_wait3A_91] : memref<10000x64xf32, #tpu.memory_space<vmem_shared>> -> memref<113x64xf32, #tpu.memory_space<vmem_shared>>
      %dma_wait3A_93 = arith.constant 0 : i32
      %dma_wait3A_94 = arith.constant 0 : i32
      %dma_wait3A_95 = tpu.memref_slice %arg12[%dma_wait3A_93, %dma_wait3A_94] : memref<128x64xf32, #tpu.memory_space<vmem>> -> memref<113x64xf32, #tpu.memory_space<vmem>>
      tpu.wait_dma2 semaphore(%run_scoped3A : memref<!tpu.dma_semaphore, #tpu.memory_space<semaphore_mem>>) src(%dma_wait3A_95 : memref<113x64xf32, #tpu.memory_space<vmem>>) dst(%dma_wait3A_92 : memref<113x64xf32, #tpu.memory_space<vmem_shared>>)
      tpu.yield
    }) : () -> ()
    %dma_wait3A = arith.constant 0 : i32
    %dma_wait3A_31 = arith.constant 0 : i32
    %dma_wait3A_32 = tpu.memref_slice %arg15[%dma_wait3A, %dma_wait3A_31] : memref<10000x64xf32, #tpu.memory_space<vmem_shared>> -> memref<625x64xf32, #tpu.memory_space<vmem_shared>>
    %dma_wait3A_33 = arith.constant 0 : i32
    %dma_wait3A_34 = arith.constant 0 : i32
    %dma_wait3A_35 = tpu.memref_slice %arg2[%dma_wait3A_33, %dma_wait3A_34] : memref<10000x128xf32, #tpu.memory_space<hbm>> -> memref<625x64xf32, #tpu.memory_space<hbm>>
    tpu.wait_dma2 semaphore(%arg16 : memref<!tpu.dma_semaphore, #tpu.memory_space<semaphore_mem>>) src(%dma_wait3A_35 : memref<625x64xf32, #tpu.memory_space<hbm>>) dst(%dma_wait3A_32 : memref<625x64xf32, #tpu.memory_space<vmem_shared>>)
    %barrier3A = arith.constant 0 : index
    tpu.barrier barrier_id(%barrier3A)
    %dma_start3A_36 = arith.constant 0 : i32
    %dma_start3A_37 = arith.constant 0 : i32
    %dma_start3A_38 = tpu.memref_slice %arg7[%dma_start3A_36, %dma_start3A_37] : memref<36x128xi32, #tpu.memory_space<vmem>> -> memref<1x128xi32, #tpu.memory_space<vmem>>
    %dma_start3A_39 = tpu.memref_squeeze %dma_start3A_38 : memref<1x128xi32, #tpu.memory_space<vmem>> -> memref<128xi32, #tpu.memory_space<vmem>>
    %dma_start3A_40 = arith.constant 0 : i32
    %dma_start3A_41 = arith.constant 0 : i32
    %dma_start3A_42 = tpu.memref_slice %arg15[%dma_start3A_40, %dma_start3A_41] : memref<10000x64xf32, #tpu.memory_space<vmem_shared>> -> memref<10000x64xf32, #tpu.memory_space<vmem_shared>>
    tpu.enqueue_indirect_dma source(%dma_start3A_42 : memref<10000x64xf32, #tpu.memory_space<vmem_shared>>) target(%arg10 : memref<128x64xf32, #tpu.memory_space<vmem>>) offsets(%dma_start3A_39 : memref<128xi32, #tpu.memory_space<vmem>>) semaphore(%arg16 : memref<!tpu.dma_semaphore, #tpu.memory_space<semaphore_mem>>)
    %dma_start3A_43 = arith.constant 1 : i32
    %dma_start3A_44 = arith.constant 0 : i32
    %dma_start3A_45 = tpu.memref_slice %arg7[%dma_start3A_43, %dma_start3A_44] : memref<36x128xi32, #tpu.memory_space<vmem>> -> memref<1x128xi32, #tpu.memory_space<vmem>>
    %dma_start3A_46 = tpu.memref_squeeze %dma_start3A_45 : memref<1x128xi32, #tpu.memory_space<vmem>> -> memref<128xi32, #tpu.memory_space<vmem>>
    %dma_start3A_47 = arith.constant 0 : i32
    %dma_start3A_48 = arith.constant 0 : i32
    %dma_start3A_49 = tpu.memref_slice %arg15[%dma_start3A_47, %dma_start3A_48] : memref<10000x64xf32, #tpu.memory_space<vmem_shared>> -> memref<10000x64xf32, #tpu.memory_space<vmem_shared>>
    tpu.enqueue_indirect_dma source(%dma_start3A_49 : memref<10000x64xf32, #tpu.memory_space<vmem_shared>>) target(%arg11 : memref<128x64xf32, #tpu.memory_space<vmem>>) offsets(%dma_start3A_46 : memref<128xi32, #tpu.memory_space<vmem>>) semaphore(%arg17 : memref<!tpu.dma_semaphore, #tpu.memory_space<semaphore_mem>>)
    %scan3A_50 = arith.constant 0 : i32
    %scan3A_51 = arith.constant 81 : i32
    %scan3A_52 = arith.addi %scan3A_50, %scan3A_51 : i32
    %scan3A_53 = arith.constant 1 : i32
    scf.for %scan3A_76 = %scan3A_50 to %scan3A_52 step %scan3A_53  : i32 {
      %mul3A_77 = arith.constant 2 : i32
      %mul3A_78 = arith.muli %scan3A_76, %mul3A_77 : i32
      %add3A_79 = arith.constant 0 : i32
      %add3A_80 = arith.addi %add3A_79, %mul3A_78 : i32
      %jit3A = arith.constant 18 : i32
      %div3A = arith.divsi %add3A_80, %jit3A : i32
      %sign3A = arith.constant 0 : i32
      %sign3A_81 = arith.cmpi sgt, %add3A_80, %sign3A : i32
      %sign3A_82 = arith.extui %sign3A_81 : i1 to i32
      %sign3A_83 = arith.constant 0 : i32
      %sign3A_84 = arith.cmpi slt, %add3A_80, %sign3A_83 : i32
      %sign3A_85 = arith.extui %sign3A_84 : i1 to i32
      %sign3A_86 = arith.subi %sign3A_82, %sign3A_85 : i32
      %sign3A_87 = arith.constant 0 : i32
      %sign3A_88 = arith.cmpi sgt, %jit3A, %sign3A_87 : i32
      %sign3A_89 = arith.extui %sign3A_88 : i1 to i32
      %sign3A_90 = arith.constant 0 : i32
      %sign3A_91 = arith.cmpi slt, %jit3A, %sign3A_90 : i32
      %sign3A_92 = arith.extui %sign3A_91 : i1 to i32
      %sign3A_93 = arith.subi %sign3A_89, %sign3A_92 : i32
      %ne3A = arith.cmpi ne, %sign3A_86, %sign3A_93 : i32
      %rem3A = arith.remsi %add3A_80, %jit3A : i32
      %ne3A_94 = arith.constant 0 : i32
      %ne3A_95 = arith.cmpi ne, %rem3A, %ne3A_94 : i32
      %and3A = arith.andi %ne3A, %ne3A_95 : i1
      %sub3A = arith.constant 1 : i32
      %sub3A_96 = arith.subi %div3A, %sub3A : i32
      %select_n3A = arith.select %and3A, %sub3A_96, %div3A : i32
      %jit3A_97 = arith.constant 18 : i32
      %eq3A = arith.constant 0 : i32
      %eq3A_98 = arith.cmpi eq, %jit3A_97, %eq3A : i32
      %jit3A_99 = arith.constant 1 : i32
      %select_n3A_100 = arith.select %eq3A_98, %jit3A_99, %jit3A_97 : i32
      %rem3A_101 = arith.remsi %add3A_80, %select_n3A_100 : i32
      %ne3A_102 = arith.constant 0 : i32
      %ne3A_103 = arith.cmpi ne, %rem3A_101, %ne3A_102 : i32
      %lt3A = arith.constant 0 : i32
      %lt3A_104 = arith.cmpi slt, %rem3A_101, %lt3A : i32
      %lt3A_105 = arith.constant 0 : i32
      %lt3A_106 = arith.cmpi slt, %select_n3A_100, %lt3A_105 : i32
      %ne3A_107 = arith.xori %lt3A_104, %lt3A_106 : i1
      %and3A_108 = arith.andi %ne3A_107, %ne3A_103 : i1
      %add3A_109 = arith.addi %rem3A_101, %select_n3A_100 : i32
      %select_n3A_110 = arith.select %and3A_108, %add3A_109, %rem3A_101 : i32
      %eq3A_111 = arith.constant 2 : i32
      %eq3A_112 = arith.cmpi eq, %select_n3A_110, %eq3A_111 : i32
      %gt3A = arith.constant 2 : i32
      %gt3A_113 = arith.cmpi sgt, %add3A_80, %gt3A : i32
      %lt3A_114 = arith.constant 146 : i32
      %lt3A_115 = arith.cmpi slt, %add3A_80, %lt3A_114 : i32
      %and3A_116 = arith.andi %gt3A_113, %lt3A_115 : i1
      %and3A_117 = arith.andi %eq3A_112, %and3A_116 : i1
      %convert_element_type3A = arith.extui %and3A_117 : i1 to i32
      %cond3A = arith.constant 0 : i32
      %cond3A_118 = arith.cmpi ne, %convert_element_type3A, %cond3A : i32
      scf.if %cond3A_118 {
        %add3A_238 = arith.constant 1 : i32
        %add3A_239 = arith.addi %select_n3A, %add3A_238 : i32
        %jit3A_240 = arith.constant 2 : i32
        %eq3A_241 = arith.constant 0 : i32
        %eq3A_242 = arith.cmpi eq, %jit3A_240, %eq3A_241 : i32
        %jit3A_243 = arith.constant 1 : i32
        %select_n3A_244 = arith.select %eq3A_242, %jit3A_243, %jit3A_240 : i32
        %rem3A_245 = arith.remsi %add3A_239, %select_n3A_244 : i32
        %ne3A_246 = arith.constant 0 : i32
        %ne3A_247 = arith.cmpi ne, %rem3A_245, %ne3A_246 : i32
        %lt3A_248 = arith.constant 0 : i32
        %lt3A_249 = arith.cmpi slt, %rem3A_245, %lt3A_248 : i32
        %lt3A_250 = arith.constant 0 : i32
        %lt3A_251 = arith.cmpi slt, %select_n3A_244, %lt3A_250 : i32
        %ne3A_252 = arith.xori %lt3A_249, %lt3A_251 : i1
        %and3A_253 = arith.andi %ne3A_252, %ne3A_247 : i1
        %add3A_254 = arith.addi %rem3A_245, %select_n3A_244 : i32
        %select_n3A_255 = arith.select %and3A_253, %add3A_254, %rem3A_245 : i32
        %mul3A_256 = arith.constant 18 : i32
        %mul3A_257 = arith.muli %select_n3A_255, %mul3A_256 : i32
        %mul3A_258 = arith.constant 18 : i32
        %mul3A_259 = arith.muli %add3A_239, %mul3A_258 : i32
        %dma_start3A_260 = arith.constant 0 : i32
        %dma_start3A_261 = tpu.memref_slice %arg7[%mul3A_257, %dma_start3A_260] : memref<36x128xi32, #tpu.memory_space<vmem>> -> memref<18x128xi32, #tpu.memory_space<vmem>>
        %dma_start3A_262 = arith.constant 0 : i32
        %dma_start3A_263 = tpu.memref_slice %arg3[%arg1, %mul3A_259, %dma_start3A_262] : memref<16x162x128xi32, #tpu.memory_space<hbm>> -> memref<1x18x128xi32, #tpu.memory_space<hbm>>
        %dma_start3A_264 = tpu.memref_squeeze %dma_start3A_263 : memref<1x18x128xi32, #tpu.memory_space<hbm>> -> memref<18x128xi32, #tpu.memory_space<hbm>>
        %dma_start3A_265 = arith.constant 0 : i32
        %dma_start3A_266 = tpu.memref_slice %arg7[%mul3A_257, %dma_start3A_265] : memref<36x128xi32, #tpu.memory_space<vmem>> -> memref<18x128xi32, #tpu.memory_space<vmem>>
        %dma_start3A_267 = arith.constant 0 : i32
        %dma_start3A_268 = tpu.memref_slice %arg3[%arg1, %mul3A_259, %dma_start3A_267] : memref<16x162x128xi32, #tpu.memory_space<hbm>> -> memref<1x18x128xi32, #tpu.memory_space<hbm>>
        %dma_start3A_269 = tpu.memref_squeeze %dma_start3A_268 : memref<1x18x128xi32, #tpu.memory_space<hbm>> -> memref<18x128xi32, #tpu.memory_space<hbm>>
        tpu.enqueue_dma source(%dma_start3A_269 : memref<18x128xi32, #tpu.memory_space<hbm>>) target(%dma_start3A_266 : memref<18x128xi32, #tpu.memory_space<vmem>>) target_semaphore(%arg20 : memref<!tpu.dma_semaphore, #tpu.memory_space<semaphore_mem>>)
        %dma_start3A_270 = arith.constant 0 : i32
        %dma_start3A_271 = tpu.memref_slice %arg8[%mul3A_257, %dma_start3A_270] : memref<36x128xi32, #tpu.memory_space<vmem>> -> memref<18x128xi32, #tpu.memory_space<vmem>>
        %dma_start3A_272 = arith.constant 0 : i32
        %dma_start3A_273 = tpu.memref_slice %arg4[%arg1, %mul3A_259, %dma_start3A_272] : memref<16x162x128xi32, #tpu.memory_space<hbm>> -> memref<1x18x128xi32, #tpu.memory_space<hbm>>
        %dma_start3A_274 = tpu.memref_squeeze %dma_start3A_273 : memref<1x18x128xi32, #tpu.memory_space<hbm>> -> memref<18x128xi32, #tpu.memory_space<hbm>>
        %dma_start3A_275 = arith.constant 0 : i32
        %dma_start3A_276 = tpu.memref_slice %arg8[%mul3A_257, %dma_start3A_275] : memref<36x128xi32, #tpu.memory_space<vmem>> -> memref<18x128xi32, #tpu.memory_space<vmem>>
        %dma_start3A_277 = arith.constant 0 : i32
        %dma_start3A_278 = tpu.memref_slice %arg4[%arg1, %mul3A_259, %dma_start3A_277] : memref<16x162x128xi32, #tpu.memory_space<hbm>> -> memref<1x18x128xi32, #tpu.memory_space<hbm>>
        %dma_start3A_279 = tpu.memref_squeeze %dma_start3A_278 : memref<1x18x128xi32, #tpu.memory_space<hbm>> -> memref<18x128xi32, #tpu.memory_space<hbm>>
        tpu.enqueue_dma source(%dma_start3A_279 : memref<18x128xi32, #tpu.memory_space<hbm>>) target(%dma_start3A_276 : memref<18x128xi32, #tpu.memory_space<vmem>>) target_semaphore(%arg20 : memref<!tpu.dma_semaphore, #tpu.memory_space<semaphore_mem>>)
        %dma_start3A_280 = arith.constant 0 : i32
        %dma_start3A_281 = tpu.memref_slice %arg9[%mul3A_257, %dma_start3A_280] : memref<36x128xf32, #tpu.memory_space<vmem>> -> memref<18x128xf32, #tpu.memory_space<vmem>>
        %dma_start3A_282 = arith.constant 0 : i32
        %dma_start3A_283 = tpu.memref_slice %arg5[%arg1, %mul3A_259, %dma_start3A_282] : memref<16x162x128xf32, #tpu.memory_space<hbm>> -> memref<1x18x128xf32, #tpu.memory_space<hbm>>
        %dma_start3A_284 = tpu.memref_squeeze %dma_start3A_283 : memref<1x18x128xf32, #tpu.memory_space<hbm>> -> memref<18x128xf32, #tpu.memory_space<hbm>>
        %dma_start3A_285 = arith.constant 0 : i32
        %dma_start3A_286 = tpu.memref_slice %arg9[%mul3A_257, %dma_start3A_285] : memref<36x128xf32, #tpu.memory_space<vmem>> -> memref<18x128xf32, #tpu.memory_space<vmem>>
        %dma_start3A_287 = arith.constant 0 : i32
        %dma_start3A_288 = tpu.memref_slice %arg5[%arg1, %mul3A_259, %dma_start3A_287] : memref<16x162x128xf32, #tpu.memory_space<hbm>> -> memref<1x18x128xf32, #tpu.memory_space<hbm>>
        %dma_start3A_289 = tpu.memref_squeeze %dma_start3A_288 : memref<1x18x128xf32, #tpu.memory_space<hbm>> -> memref<18x128xf32, #tpu.memory_space<hbm>>
        tpu.enqueue_dma source(%dma_start3A_289 : memref<18x128xf32, #tpu.memory_space<hbm>>) target(%dma_start3A_286 : memref<18x128xf32, #tpu.memory_space<vmem>>) target_semaphore(%arg20 : memref<!tpu.dma_semaphore, #tpu.memory_space<semaphore_mem>>)
      } else {
      }
      %jit3A_119 = arith.constant 18 : i32
      %eq3A_120 = arith.constant 0 : i32
      %eq3A_121 = arith.cmpi eq, %jit3A_119, %eq3A_120 : i32
      %jit3A_122 = arith.constant 1 : i32
      %select_n3A_123 = arith.select %eq3A_121, %jit3A_122, %jit3A_119 : i32
      %rem3A_124 = arith.remsi %add3A_80, %select_n3A_123 : i32
      %ne3A_125 = arith.constant 0 : i32
      %ne3A_126 = arith.cmpi ne, %rem3A_124, %ne3A_125 : i32
      %lt3A_127 = arith.constant 0 : i32
      %lt3A_128 = arith.cmpi slt, %rem3A_124, %lt3A_127 : i32
      %lt3A_129 = arith.constant 0 : i32
      %lt3A_130 = arith.cmpi slt, %select_n3A_123, %lt3A_129 : i32
      %ne3A_131 = arith.xori %lt3A_128, %lt3A_130 : i1
      %and3A_132 = arith.andi %ne3A_131, %ne3A_126 : i1
      %add3A_133 = arith.addi %rem3A_124, %select_n3A_123 : i32
      %select_n3A_134 = arith.select %and3A_132, %add3A_133, %rem3A_124 : i32
      %eq3A_135 = arith.constant 10 : i32
      %eq3A_136 = arith.cmpi eq, %select_n3A_134, %eq3A_135 : i32
      %gt3A_137 = arith.constant 10 : i32
      %gt3A_138 = arith.cmpi sgt, %add3A_80, %gt3A_137 : i32
      %lt3A_139 = arith.constant 154 : i32
      %lt3A_140 = arith.cmpi slt, %add3A_80, %lt3A_139 : i32
      %and3A_141 = arith.andi %gt3A_138, %lt3A_140 : i1
      %and3A_142 = arith.andi %eq3A_136, %and3A_141 : i1
      %convert_element_type3A_143 = arith.extui %and3A_142 : i1 to i32
      %cond3A_144 = arith.constant 0 : i32
      %cond3A_145 = arith.cmpi ne, %convert_element_type3A_143, %cond3A_144 : i32
      scf.if %cond3A_145 {
        %dma_wait3A_238 = arith.constant 0 : i32
        %dma_wait3A_239 = arith.constant 0 : i32
        %dma_wait3A_240 = tpu.memref_slice %arg7[%dma_wait3A_238, %dma_wait3A_239] : memref<36x128xi32, #tpu.memory_space<vmem>> -> memref<18x128xi32, #tpu.memory_space<vmem>>
        %dma_wait3A_241 = arith.constant 0 : i32
        %dma_wait3A_242 = arith.constant 0 : i32
        %dma_wait3A_243 = tpu.memref_slice %arg3[%arg1, %dma_wait3A_241, %dma_wait3A_242] : memref<16x162x128xi32, #tpu.memory_space<hbm>> -> memref<1x18x128xi32, #tpu.memory_space<hbm>>
        %dma_wait3A_244 = tpu.memref_squeeze %dma_wait3A_243 : memref<1x18x128xi32, #tpu.memory_space<hbm>> -> memref<18x128xi32, #tpu.memory_space<hbm>>
        %dma_wait3A_245 = arith.constant 0 : i32
        %dma_wait3A_246 = arith.constant 0 : i32
        %dma_wait3A_247 = tpu.memref_slice %arg7[%dma_wait3A_245, %dma_wait3A_246] : memref<36x128xi32, #tpu.memory_space<vmem>> -> memref<18x128xi32, #tpu.memory_space<vmem>>
        %dma_wait3A_248 = arith.constant 0 : i32
        %dma_wait3A_249 = arith.constant 0 : i32
        %dma_wait3A_250 = tpu.memref_slice %arg3[%arg1, %dma_wait3A_248, %dma_wait3A_249] : memref<16x162x128xi32, #tpu.memory_space<hbm>> -> memref<1x18x128xi32, #tpu.memory_space<hbm>>
        %dma_wait3A_251 = tpu.memref_squeeze %dma_wait3A_250 : memref<1x18x128xi32, #tpu.memory_space<hbm>> -> memref<18x128xi32, #tpu.memory_space<hbm>>
        tpu.wait_dma2 semaphore(%arg20 : memref<!tpu.dma_semaphore, #tpu.memory_space<semaphore_mem>>) src(%dma_wait3A_251 : memref<18x128xi32, #tpu.memory_space<hbm>>) dst(%dma_wait3A_247 : memref<18x128xi32, #tpu.memory_space<vmem>>)
        %dma_wait3A_252 = arith.constant 0 : i32
        %dma_wait3A_253 = arith.constant 0 : i32
        %dma_wait3A_254 = tpu.memref_slice %arg8[%dma_wait3A_252, %dma_wait3A_253] : memref<36x128xi32, #tpu.memory_space<vmem>> -> memref<18x128xi32, #tpu.memory_space<vmem>>
        %dma_wait3A_255 = arith.constant 0 : i32
        %dma_wait3A_256 = arith.constant 0 : i32
        %dma_wait3A_257 = tpu.memref_slice %arg4[%arg1, %dma_wait3A_255, %dma_wait3A_256] : memref<16x162x128xi32, #tpu.memory_space<hbm>> -> memref<1x18x128xi32, #tpu.memory_space<hbm>>
        %dma_wait3A_258 = tpu.memref_squeeze %dma_wait3A_257 : memref<1x18x128xi32, #tpu.memory_space<hbm>> -> memref<18x128xi32, #tpu.memory_space<hbm>>
        %dma_wait3A_259 = arith.constant 0 : i32
        %dma_wait3A_260 = arith.constant 0 : i32
        %dma_wait3A_261 = tpu.memref_slice %arg8[%dma_wait3A_259, %dma_wait3A_260] : memref<36x128xi32, #tpu.memory_space<vmem>> -> memref<18x128xi32, #tpu.memory_space<vmem>>
        %dma_wait3A_262 = arith.constant 0 : i32
        %dma_wait3A_263 = arith.constant 0 : i32
        %dma_wait3A_264 = tpu.memref_slice %arg4[%arg1, %dma_wait3A_262, %dma_wait3A_263] : memref<16x162x128xi32, #tpu.memory_space<hbm>> -> memref<1x18x128xi32, #tpu.memory_space<hbm>>
        %dma_wait3A_265 = tpu.memref_squeeze %dma_wait3A_264 : memref<1x18x128xi32, #tpu.memory_space<hbm>> -> memref<18x128xi32, #tpu.memory_space<hbm>>
        tpu.wait_dma2 semaphore(%arg20 : memref<!tpu.dma_semaphore, #tpu.memory_space<semaphore_mem>>) src(%dma_wait3A_265 : memref<18x128xi32, #tpu.memory_space<hbm>>) dst(%dma_wait3A_261 : memref<18x128xi32, #tpu.memory_space<vmem>>)
        %dma_wait3A_266 = arith.constant 0 : i32
        %dma_wait3A_267 = arith.constant 0 : i32
        %dma_wait3A_268 = tpu.memref_slice %arg9[%dma_wait3A_266, %dma_wait3A_267] : memref<36x128xf32, #tpu.memory_space<vmem>> -> memref<18x128xf32, #tpu.memory_space<vmem>>
        %dma_wait3A_269 = arith.constant 0 : i32
        %dma_wait3A_270 = arith.constant 0 : i32
        %dma_wait3A_271 = tpu.memref_slice %arg5[%arg1, %dma_wait3A_269, %dma_wait3A_270] : memref<16x162x128xf32, #tpu.memory_space<hbm>> -> memref<1x18x128xf32, #tpu.memory_space<hbm>>
        %dma_wait3A_272 = tpu.memref_squeeze %dma_wait3A_271 : memref<1x18x128xf32, #tpu.memory_space<hbm>> -> memref<18x128xf32, #tpu.memory_space<hbm>>
        %dma_wait3A_273 = arith.constant 0 : i32
        %dma_wait3A_274 = arith.constant 0 : i32
        %dma_wait3A_275 = tpu.memref_slice %arg9[%dma_wait3A_273, %dma_wait3A_274] : memref<36x128xf32, #tpu.memory_space<vmem>> -> memref<18x128xf32, #tpu.memory_space<vmem>>
        %dma_wait3A_276 = arith.constant 0 : i32
        %dma_wait3A_277 = arith.constant 0 : i32
        %dma_wait3A_278 = tpu.memref_slice %arg5[%arg1, %dma_wait3A_276, %dma_wait3A_277] : memref<16x162x128xf32, #tpu.memory_space<hbm>> -> memref<1x18x128xf32, #tpu.memory_space<hbm>>
        %dma_wait3A_279 = tpu.memref_squeeze %dma_wait3A_278 : memref<1x18x128xf32, #tpu.memory_space<hbm>> -> memref<18x128xf32, #tpu.memory_space<hbm>>
        tpu.wait_dma2 semaphore(%arg20 : memref<!tpu.dma_semaphore, #tpu.memory_space<semaphore_mem>>) src(%dma_wait3A_279 : memref<18x128xf32, #tpu.memory_space<hbm>>) dst(%dma_wait3A_275 : memref<18x128xf32, #tpu.memory_space<vmem>>)
      } else {
      }
      %add3A_146 = arith.constant 0 : i32
      %add3A_147 = arith.addi %add3A_80, %add3A_146 : i32
      %jit3A_148 = arith.constant 36 : i32
      %eq3A_149 = arith.constant 0 : i32
      %eq3A_150 = arith.cmpi eq, %jit3A_148, %eq3A_149 : i32
      %jit3A_151 = arith.constant 1 : i32
      %select_n3A_152 = arith.select %eq3A_150, %jit3A_151, %jit3A_148 : i32
      %rem3A_153 = arith.remsi %add3A_147, %select_n3A_152 : i32
      %ne3A_154 = arith.constant 0 : i32
      %ne3A_155 = arith.cmpi ne, %rem3A_153, %ne3A_154 : i32
      %lt3A_156 = arith.constant 0 : i32
      %lt3A_157 = arith.cmpi slt, %rem3A_153, %lt3A_156 : i32
      %lt3A_158 = arith.constant 0 : i32
      %lt3A_159 = arith.cmpi slt, %select_n3A_152, %lt3A_158 : i32
      %ne3A_160 = arith.xori %lt3A_157, %lt3A_159 : i1
      %and3A_161 = arith.andi %ne3A_160, %ne3A_155 : i1
      %add3A_162 = arith.addi %rem3A_153, %select_n3A_152 : i32
      %select_n3A_163 = arith.select %and3A_161, %add3A_162, %rem3A_153 : i32
      %dma_wait3A_164 = arith.constant 0 : i32
      %dma_wait3A_165 = arith.constant 0 : i32
      %dma_wait3A_166 = tpu.memref_slice %arg7[%dma_wait3A_164, %dma_wait3A_165] : memref<36x128xi32, #tpu.memory_space<vmem>> -> memref<1x128xi32, #tpu.memory_space<vmem>>
      %dma_wait3A_167 = tpu.memref_squeeze %dma_wait3A_166 : memref<1x128xi32, #tpu.memory_space<vmem>> -> memref<128xi32, #tpu.memory_space<vmem>>
      %dma_wait3A_168 = arith.constant 0 : i32
      %dma_wait3A_169 = arith.constant 0 : i32
      %dma_wait3A_170 = tpu.memref_slice %arg15[%dma_wait3A_168, %dma_wait3A_169] : memref<10000x64xf32, #tpu.memory_space<vmem_shared>> -> memref<10000x64xf32, #tpu.memory_space<vmem_shared>>
      tpu.wait_indirect_dma semaphore(%arg16 : memref<!tpu.dma_semaphore, #tpu.memory_space<semaphore_mem>>) src(%dma_wait3A_170 : memref<10000x64xf32, #tpu.memory_space<vmem_shared>>) dst(%arg10 : memref<128x64xf32, #tpu.memory_space<vmem>>)
      %ne3A_171 = arith.constant 0 : i32
      %ne3A_172 = arith.cmpi ne, %add3A_80, %ne3A_171 : i32
      %convert_element_type3A_173 = arith.extui %ne3A_172 : i1 to i32
      %cond3A_174 = arith.constant 0 : i32
      %cond3A_175 = arith.cmpi ne, %convert_element_type3A_173, %cond3A_174 : i32
      scf.if %cond3A_175 {
        %dma_wait3A_238 = arith.constant 0 : i32
        %dma_wait3A_239 = arith.constant 0 : i32
        %dma_wait3A_240 = tpu.memref_slice %arg8[%dma_wait3A_238, %dma_wait3A_239] : memref<36x128xi32, #tpu.memory_space<vmem>> -> memref<1x128xi32, #tpu.memory_space<vmem>>
        %dma_wait3A_241 = tpu.memref_squeeze %dma_wait3A_240 : memref<1x128xi32, #tpu.memory_space<vmem>> -> memref<128xi32, #tpu.memory_space<vmem>>
        %dma_wait3A_242 = arith.constant 0 : i32
        %dma_wait3A_243 = arith.constant 0 : i32
        %dma_wait3A_244 = tpu.memref_slice %arg14[%dma_wait3A_242, %dma_wait3A_243] : memref<10000x64xf32, #tpu.memory_space<vmem_shared>> -> memref<10000x64xf32, #tpu.memory_space<vmem_shared>>
        tpu.wait_indirect_dma semaphore(%arg18 : memref<!tpu.dma_semaphore, #tpu.memory_space<semaphore_mem>>) src(%arg12 : memref<128x64xf32, #tpu.memory_space<vmem>>) dst(%dma_wait3A_244 : memref<10000x64xf32, #tpu.memory_space<vmem_shared>>)
      } else {
      }
      %scan3A_176 = arith.constant 0 : i32
      %scan3A_177 = arith.constant 8 : i32
      %scan3A_178 = arith.addi %scan3A_176, %scan3A_177 : i32
      %scan3A_179 = arith.constant 1 : i32
      scf.for %scan3A_238 = %scan3A_176 to %scan3A_178 step %scan3A_179  : i32 {
        %mul3A_239 = arith.constant 16 : i32
        %mul3A_240 = arith.muli %scan3A_238, %mul3A_239 : i32
        %add3A_241 = arith.constant 0 : i32
        %add3A_242 = arith.addi %add3A_241, %mul3A_240 : i32
        %get3A = arith.index_cast %select_n3A_163 : i32 to index
        %get3A_243 = arith.index_cast %add3A_242 : i32 to index
        %get3A_244 = tpu.vector_load %arg9[%get3A, %get3A_243] {strides = array<i32>} : memref<36x128xf32, #tpu.memory_space<vmem>>, vector<1x16xf32>,
        %get3A_245 = vector.shape_cast %get3A_244 : vector<1x16xf32> to vector<16xf32>
        %slice3A = vector.extract_strided_slice %get3A_245 {offsets = [0], sizes = [1], strides = [1]} : vector<16xf32> to vector<1xf32>
        %squeeze3A = vector.extract %slice3A[0] : f32 from vector<1xf32>
        %add3A_246 = arith.constant 0 : i32
        %add3A_247 = arith.addi %add3A_242, %add3A_246 : i32
        %get3A_248 = arith.index_cast %add3A_247 : i32 to index
        %get3A_249 = arith.constant 0 : index
        %get3A_250 = tpu.vector_load %arg10[%get3A_248, %get3A_249] {strides = array<i32>} : memref<128x64xf32, #tpu.memory_space<vmem>>, vector<1x16xf32>,
        %get3A_251 = vector.shape_cast %get3A_250 : vector<1x16xf32> to vector<16xf32>
        %mul3A_252 = vector.broadcast %squeeze3A : f32 to vector<16xf32>
        %mul3A_253 = arith.mulf %get3A_251, %mul3A_252 : vector<16xf32>
        %add3A_254 = arith.constant 0 : i32
        %add3A_255 = arith.addi %add3A_242, %add3A_254 : i32
        %swap3A = arith.index_cast %add3A_255 : i32 to index
        %swap3A_256 = arith.constant 0 : index
        %swap3A_257 = tpu.vector_load %arg12[%swap3A, %swap3A_256] {strides = array<i32>} : memref<128x64xf32, #tpu.memory_space<vmem>>, vector<1x16xf32>,
        %swap3A_258 = vector.shape_cast %swap3A_257 : vector<1x16xf32> to vector<16xf32>
        %swap3A_259 = vector.shape_cast %mul3A_253 : vector<16xf32> to vector<1x16xf32>
        tpu.vector_store %arg12[%swap3A, %swap3A_256], %swap3A_259 {strides = array<i32>} : memref<128x64xf32, #tpu.memory_space<vmem>>, vector<1x16xf32>,
        %add3A_260 = arith.constant 0 : i32
        %add3A_261 = arith.addi %add3A_242, %add3A_260 : i32
        %get3A_262 = arith.index_cast %add3A_261 : i32 to index
        %get3A_263 = arith.constant 16 : index
        %get3A_264 = tpu.vector_load %arg10[%get3A_262, %get3A_263] {strides = array<i32>} : memref<128x64xf32, #tpu.memory_space<vmem>>, vector<1x16xf32>,
        %get3A_265 = vector.shape_cast %get3A_264 : vector<1x16xf32> to vector<16xf32>
        %mul3A_266 = vector.broadcast %squeeze3A : f32 to vector<16xf32>
        %mul3A_267 = arith.mulf %get3A_265, %mul3A_266 : vector<16xf32>
        %add3A_268 = arith.constant 0 : i32
        %add3A_269 = arith.addi %add3A_242, %add3A_268 : i32
        %swap3A_270 = arith.index_cast %add3A_269 : i32 to index
        %swap3A_271 = arith.constant 16 : index
        %swap3A_272 = tpu.vector_load %arg12[%swap3A_270, %swap3A_271] {strides = array<i32>} : memref<128x64xf32, #tpu.memory_space<vmem>>, vector<1x16xf32>,
        %swap3A_273 = vector.shape_cast %swap3A_272 : vector<1x16xf32> to vector<16xf32>
        %swap3A_274 = vector.shape_cast %mul3A_267 : vector<16xf32> to vector<1x16xf32>
        tpu.vector_store %arg12[%swap3A_270, %swap3A_271], %swap3A_274 {strides = array<i32>} : memref<128x64xf32, #tpu.memory_space<vmem>>, vector<1x16xf32>,
        %add3A_275 = arith.constant 0 : i32
        %add3A_276 = arith.addi %add3A_242, %add3A_275 : i32
        %get3A_277 = arith.index_cast %add3A_276 : i32 to index
        %get3A_278 = arith.constant 32 : index
        %get3A_279 = tpu.vector_load %arg10[%get3A_277, %get3A_278] {strides = array<i32>} : memref<128x64xf32, #tpu.memory_space<vmem>>, vector<1x16xf32>,
        %get3A_280 = vector.shape_cast %get3A_279 : vector<1x16xf32> to vector<16xf32>
        %mul3A_281 = vector.broadcast %squeeze3A : f32 to vector<16xf32>
        %mul3A_282 = arith.mulf %get3A_280, %mul3A_281 : vector<16xf32>
        %add3A_283 = arith.constant 0 : i32
        %add3A_284 = arith.addi %add3A_242, %add3A_283 : i32
        %swap3A_285 = arith.index_cast %add3A_284 : i32 to index
        %swap3A_286 = arith.constant 32 : index
        %swap3A_287 = tpu.vector_load %arg12[%swap3A_285, %swap3A_286] {strides = array<i32>} : memref<128x64xf32, #tpu.memory_space<vmem>>, vector<1x16xf32>,
        %swap3A_288 = vector.shape_cast %swap3A_287 : vector<1x16xf32> to vector<16xf32>
        %swap3A_289 = vector.shape_cast %mul3A_282 : vector<16xf32> to vector<1x16xf32>
        tpu.vector_store %arg12[%swap3A_285, %swap3A_286], %swap3A_289 {strides = array<i32>} : memref<128x64xf32, #tpu.memory_space<vmem>>, vector<1x16xf32>,
        %add3A_290 = arith.constant 0 : i32
        %add3A_291 = arith.addi %add3A_242, %add3A_290 : i32
        %get3A_292 = arith.index_cast %add3A_291 : i32 to index
        %get3A_293 = arith.constant 48 : index
        %get3A_294 = tpu.vector_load %arg10[%get3A_292, %get3A_293] {strides = array<i32>} : memref<128x64xf32, #tpu.memory_space<vmem>>, vector<1x16xf32>,
        %get3A_295 = vector.shape_cast %get3A_294 : vector<1x16xf32> to vector<16xf32>
        %mul3A_296 = vector.broadcast %squeeze3A : f32 to vector<16xf32>
        %mul3A_297 = arith.mulf %get3A_295, %mul3A_296 : vector<16xf32>
        %add3A_298 = arith.constant 0 : i32
        %add3A_299 = arith.addi %add3A_242, %add3A_298 : i32
        %swap3A_300 = arith.index_cast %add3A_299 : i32 to index
        %swap3A_301 = arith.constant 48 : index
        %swap3A_302 = tpu.vector_load %arg12[%swap3A_300, %swap3A_301] {strides = array<i32>} : memref<128x64xf32, #tpu.memory_space<vmem>>, vector<1x16xf32>,
        %swap3A_303 = vector.shape_cast %swap3A_302 : vector<1x16xf32> to vector<16xf32>
        %swap3A_304 = vector.shape_cast %mul3A_297 : vector<16xf32> to vector<1x16xf32>
        tpu.vector_store %arg12[%swap3A_300, %swap3A_301], %swap3A_304 {strides = array<i32>} : memref<128x64xf32, #tpu.memory_space<vmem>>, vector<1x16xf32>,
        %slice3A_305 = vector.extract_strided_slice %get3A_245 {offsets = [1], sizes = [1], strides = [1]} : vector<16xf32> to vector<1xf32>
        %squeeze3A_306 = vector.extract %slice3A_305[0] : f32 from vector<1xf32>
        %add3A_307 = arith.constant 1 : i32
        %add3A_308 = arith.addi %add3A_242, %add3A_307 : i32
        %get3A_309 = arith.index_cast %add3A_308 : i32 to index
        %get3A_310 = arith.constant 0 : index
        %get3A_311 = tpu.vector_load %arg10[%get3A_309, %get3A_310] {strides = array<i32>} : memref<128x64xf32, #tpu.memory_space<vmem>>, vector<1x16xf32>,
        %get3A_312 = vector.shape_cast %get3A_311 : vector<1x16xf32> to vector<16xf32>
        %mul3A_313 = vector.broadcast %squeeze3A_306 : f32 to vector<16xf32>
        %mul3A_314 = arith.mulf %get3A_312, %mul3A_313 : vector<16xf32>
        %add3A_315 = arith.constant 1 : i32
        %add3A_316 = arith.addi %add3A_242, %add3A_315 : i32
        %swap3A_317 = arith.index_cast %add3A_316 : i32 to index
        %swap3A_318 = arith.constant 0 : index
        %swap3A_319 = tpu.vector_load %arg12[%swap3A_317, %swap3A_318] {strides = array<i32>} : memref<128x64xf32, #tpu.memory_space<vmem>>, vector<1x16xf32>,
        %swap3A_320 = vector.shape_cast %swap3A_319 : vector<1x16xf32> to vector<16xf32>
        %swap3A_321 = vector.shape_cast %mul3A_314 : vector<16xf32> to vector<1x16xf32>
        tpu.vector_store %arg12[%swap3A_317, %swap3A_318], %swap3A_321 {strides = array<i32>} : memref<128x64xf32, #tpu.memory_space<vmem>>, vector<1x16xf32>,
        %add3A_322 = arith.constant 1 : i32
        %add3A_323 = arith.addi %add3A_242, %add3A_322 : i32
        %get3A_324 = arith.index_cast %add3A_323 : i32 to index
        %get3A_325 = arith.constant 16 : index
        %get3A_326 = tpu.vector_load %arg10[%get3A_324, %get3A_325] {strides = array<i32>} : memref<128x64xf32, #tpu.memory_space<vmem>>, vector<1x16xf32>,
        %get3A_327 = vector.shape_cast %get3A_326 : vector<1x16xf32> to vector<16xf32>
        %mul3A_328 = vector.broadcast %squeeze3A_306 : f32 to vector<16xf32>
        %mul3A_329 = arith.mulf %get3A_327, %mul3A_328 : vector<16xf32>
        %add3A_330 = arith.constant 1 : i32
        %add3A_331 = arith.addi %add3A_242, %add3A_330 : i32
        %swap3A_332 = arith.index_cast %add3A_331 : i32 to index
        %swap3A_333 = arith.constant 16 : index
        %swap3A_334 = tpu.vector_load %arg12[%swap3A_332, %swap3A_333] {strides = array<i32>} : memref<128x64xf32, #tpu.memory_space<vmem>>, vector<1x16xf32>,
        %swap3A_335 = vector.shape_cast %swap3A_334 : vector<1x16xf32> to vector<16xf32>
        %swap3A_336 = vector.shape_cast %mul3A_329 : vector<16xf32> to vector<1x16xf32>
        tpu.vector_store %arg12[%swap3A_332, %swap3A_333], %swap3A_336 {strides = array<i32>} : memref<128x64xf32, #tpu.memory_space<vmem>>, vector<1x16xf32>,
        %add3A_337 = arith.constant 1 : i32
        %add3A_338 = arith.addi %add3A_242, %add3A_337 : i32
        %get3A_339 = arith.index_cast %add3A_338 : i32 to index
        %get3A_340 = arith.constant 32 : index
        %get3A_341 = tpu.vector_load %arg10[%get3A_339, %get3A_340] {strides = array<i32>} : memref<128x64xf32, #tpu.memory_space<vmem>>, vector<1x16xf32>,
        %get3A_342 = vector.shape_cast %get3A_341 : vector<1x16xf32> to vector<16xf32>
        %mul3A_343 = vector.broadcast %squeeze3A_306 : f32 to vector<16xf32>
        %mul3A_344 = arith.mulf %get3A_342, %mul3A_343 : vector<16xf32>
        %add3A_345 = arith.constant 1 : i32
        %add3A_346 = arith.addi %add3A_242, %add3A_345 : i32
        %swap3A_347 = arith.index_cast %add3A_346 : i32 to index
        %swap3A_348 = arith.constant 32 : index
        %swap3A_349 = tpu.vector_load %arg12[%swap3A_347, %swap3A_348] {strides = array<i32>} : memref<128x64xf32, #tpu.memory_space<vmem>>, vector<1x16xf32>,
        %swap3A_350 = vector.shape_cast %swap3A_349 : vector<1x16xf32> to vector<16xf32>
        %swap3A_351 = vector.shape_cast %mul3A_344 : vector<16xf32> to vector<1x16xf32>
        tpu.vector_store %arg12[%swap3A_347, %swap3A_348], %swap3A_351 {strides = array<i32>} : memref<128x64xf32, #tpu.memory_space<vmem>>, vector<1x16xf32>,
        %add3A_352 = arith.constant 1 : i32
        %add3A_353 = arith.addi %add3A_242, %add3A_352 : i32
        %get3A_354 = arith.index_cast %add3A_353 : i32 to index
        %get3A_355 = arith.constant 48 : index
        %get3A_356 = tpu.vector_load %arg10[%get3A_354, %get3A_355] {strides = array<i32>} : memref<128x64xf32, #tpu.memory_space<vmem>>, vector<1x16xf32>,
        %get3A_357 = vector.shape_cast %get3A_356 : vector<1x16xf32> to vector<16xf32>
        %mul3A_358 = vector.broadcast %squeeze3A_306 : f32 to vector<16xf32>
        %mul3A_359 = arith.mulf %get3A_357, %mul3A_358 : vector<16xf32>
        %add3A_360 = arith.constant 1 : i32
        %add3A_361 = arith.addi %add3A_242, %add3A_360 : i32
        %swap3A_362 = arith.index_cast %add3A_361 : i32 to index
        %swap3A_363 = arith.constant 48 : index
        %swap3A_364 = tpu.vector_load %arg12[%swap3A_362, %swap3A_363] {strides = array<i32>} : memref<128x64xf32, #tpu.memory_space<vmem>>, vector<1x16xf32>,
        %swap3A_365 = vector.shape_cast %swap3A_364 : vector<1x16xf32> to vector<16xf32>
        %swap3A_366 = vector.shape_cast %mul3A_359 : vector<16xf32> to vector<1x16xf32>
        tpu.vector_store %arg12[%swap3A_362, %swap3A_363], %swap3A_366 {strides = array<i32>} : memref<128x64xf32, #tpu.memory_space<vmem>>, vector<1x16xf32>,
        %slice3A_367 = vector.extract_strided_slice %get3A_245 {offsets = [2], sizes = [1], strides = [1]} : vector<16xf32> to vector<1xf32>
        %squeeze3A_368 = vector.extract %slice3A_367[0] : f32 from vector<1xf32>
        %add3A_369 = arith.constant 2 : i32
        %add3A_370 = arith.addi %add3A_242, %add3A_369 : i32
        %get3A_371 = arith.index_cast %add3A_370 : i32 to index
        %get3A_372 = arith.constant 0 : index
        %get3A_373 = tpu.vector_load %arg10[%get3A_371, %get3A_372] {strides = array<i32>} : memref<128x64xf32, #tpu.memory_space<vmem>>, vector<1x16xf32>,
        %get3A_374 = vector.shape_cast %get3A_373 : vector<1x16xf32> to vector<16xf32>
        %mul3A_375 = vector.broadcast %squeeze3A_368 : f32 to vector<16xf32>
        %mul3A_376 = arith.mulf %get3A_374, %mul3A_375 : vector<16xf32>
        %add3A_377 = arith.constant 2 : i32
        %add3A_378 = arith.addi %add3A_242, %add3A_377 : i32
        %swap3A_379 = arith.index_cast %add3A_378 : i32 to index
        %swap3A_380 = arith.constant 0 : index
        %swap3A_381 = tpu.vector_load %arg12[%swap3A_379, %swap3A_380] {strides = array<i32>} : memref<128x64xf32, #tpu.memory_space<vmem>>, vector<1x16xf32>,
        %swap3A_382 = vector.shape_cast %swap3A_381 : vector<1x16xf32> to vector<16xf32>
        %swap3A_383 = vector.shape_cast %mul3A_376 : vector<16xf32> to vector<1x16xf32>
        tpu.vector_store %arg12[%swap3A_379, %swap3A_380], %swap3A_383 {strides = array<i32>} : memref<128x64xf32, #tpu.memory_space<vmem>>, vector<1x16xf32>,
        %add3A_384 = arith.constant 2 : i32
        %add3A_385 = arith.addi %add3A_242, %add3A_384 : i32
        %get3A_386 = arith.index_cast %add3A_385 : i32 to index
        %get3A_387 = arith.constant 16 : index
        %get3A_388 = tpu.vector_load %arg10[%get3A_386, %get3A_387] {strides = array<i32>} : memref<128x64xf32, #tpu.memory_space<vmem>>, vector<1x16xf32>,
        %get3A_389 = vector.shape_cast %get3A_388 : vector<1x16xf32> to vector<16xf32>
        %mul3A_390 = vector.broadcast %squeeze3A_368 : f32 to vector<16xf32>
        %mul3A_391 = arith.mulf %get3A_389, %mul3A_390 : vector<16xf32>
        %add3A_392 = arith.constant 2 : i32
        %add3A_393 = arith.addi %add3A_242, %add3A_392 : i32
        %swap3A_394 = arith.index_cast %add3A_393 : i32 to index
        %swap3A_395 = arith.constant 16 : index
        %swap3A_396 = tpu.vector_load %arg12[%swap3A_394, %swap3A_395] {strides = array<i32>} : memref<128x64xf32, #tpu.memory_space<vmem>>, vector<1x16xf32>,
        %swap3A_397 = vector.shape_cast %swap3A_396 : vector<1x16xf32> to vector<16xf32>
        %swap3A_398 = vector.shape_cast %mul3A_391 : vector<16xf32> to vector<1x16xf32>
        tpu.vector_store %arg12[%swap3A_394, %swap3A_395], %swap3A_398 {strides = array<i32>} : memref<128x64xf32, #tpu.memory_space<vmem>>, vector<1x16xf32>,
        %add3A_399 = arith.constant 2 : i32
        %add3A_400 = arith.addi %add3A_242, %add3A_399 : i32
        %get3A_401 = arith.index_cast %add3A_400 : i32 to index
        %get3A_402 = arith.constant 32 : index
        %get3A_403 = tpu.vector_load %arg10[%get3A_401, %get3A_402] {strides = array<i32>} : memref<128x64xf32, #tpu.memory_space<vmem>>, vector<1x16xf32>,
        %get3A_404 = vector.shape_cast %get3A_403 : vector<1x16xf32> to vector<16xf32>
        %mul3A_405 = vector.broadcast %squeeze3A_368 : f32 to vector<16xf32>
        %mul3A_406 = arith.mulf %get3A_404, %mul3A_405 : vector<16xf32>
        %add3A_407 = arith.constant 2 : i32
        %add3A_408 = arith.addi %add3A_242, %add3A_407 : i32
        %swap3A_409 = arith.index_cast %add3A_408 : i32 to index
        %swap3A_410 = arith.constant 32 : index
        %swap3A_411 = tpu.vector_load %arg12[%swap3A_409, %swap3A_410] {strides = array<i32>} : memref<128x64xf32, #tpu.memory_space<vmem>>, vector<1x16xf32>,
        %swap3A_412 = vector.shape_cast %swap3A_411 : vector<1x16xf32> to vector<16xf32>
        %swap3A_413 = vector.shape_cast %mul3A_406 : vector<16xf32> to vector<1x16xf32>
        tpu.vector_store %arg12[%swap3A_409, %swap3A_410], %swap3A_413 {strides = array<i32>} : memref<128x64xf32, #tpu.memory_space<vmem>>, vector<1x16xf32>,
        %add3A_414 = arith.constant 2 : i32
        %add3A_415 = arith.addi %add3A_242, %add3A_414 : i32
        %get3A_416 = arith.index_cast %add3A_415 : i32 to index
        %get3A_417 = arith.constant 48 : index
        %get3A_418 = tpu.vector_load %arg10[%get3A_416, %get3A_417] {strides = array<i32>} : memref<128x64xf32, #tpu.memory_space<vmem>>, vector<1x16xf32>,
        %get3A_419 = vector.shape_cast %get3A_418 : vector<1x16xf32> to vector<16xf32>
        %mul3A_420 = vector.broadcast %squeeze3A_368 : f32 to vector<16xf32>
        %mul3A_421 = arith.mulf %get3A_419, %mul3A_420 : vector<16xf32>
        %add3A_422 = arith.constant 2 : i32
        %add3A_423 = arith.addi %add3A_242, %add3A_422 : i32
        %swap3A_424 = arith.index_cast %add3A_423 : i32 to index
        %swap3A_425 = arith.constant 48 : index
        %swap3A_426 = tpu.vector_load %arg12[%swap3A_424, %swap3A_425] {strides = array<i32>} : memref<128x64xf32, #tpu.memory_space<vmem>>, vector<1x16xf32>,
        %swap3A_427 = vector.shape_cast %swap3A_426 : vector<1x16xf32> to vector<16xf32>
        %swap3A_428 = vector.shape_cast %mul3A_421 : vector<16xf32> to vector<1x16xf32>
        tpu.vector_store %arg12[%swap3A_424, %swap3A_425], %swap3A_428 {strides = array<i32>} : memref<128x64xf32, #tpu.memory_space<vmem>>, vector<1x16xf32>,
        %slice3A_429 = vector.extract_strided_slice %get3A_245 {offsets = [3], sizes = [1], strides = [1]} : vector<16xf32> to vector<1xf32>
        %squeeze3A_430 = vector.extract %slice3A_429[0] : f32 from vector<1xf32>
        %add3A_431 = arith.constant 3 : i32
        %add3A_432 = arith.addi %add3A_242, %add3A_431 : i32
        %get3A_433 = arith.index_cast %add3A_432 : i32 to index
        %get3A_434 = arith.constant 0 : index
        %get3A_435 = tpu.vector_load %arg10[%get3A_433, %get3A_434] {strides = array<i32>} : memref<128x64xf32, #tpu.memory_space<vmem>>, vector<1x16xf32>,
        %get3A_436 = vector.shape_cast %get3A_435 : vector<1x16xf32> to vector<16xf32>
        %mul3A_437 = vector.broadcast %squeeze3A_430 : f32 to vector<16xf32>
        %mul3A_438 = arith.mulf %get3A_436, %mul3A_437 : vector<16xf32>
        %add3A_439 = arith.constant 3 : i32
        %add3A_440 = arith.addi %add3A_242, %add3A_439 : i32
        %swap3A_441 = arith.index_cast %add3A_440 : i32 to index
        %swap3A_442 = arith.constant 0 : index
        %swap3A_443 = tpu.vector_load %arg12[%swap3A_441, %swap3A_442] {strides = array<i32>} : memref<128x64xf32, #tpu.memory_space<vmem>>, vector<1x16xf32>,
        %swap3A_444 = vector.shape_cast %swap3A_443 : vector<1x16xf32> to vector<16xf32>
        %swap3A_445 = vector.shape_cast %mul3A_438 : vector<16xf32> to vector<1x16xf32>
        tpu.vector_store %arg12[%swap3A_441, %swap3A_442], %swap3A_445 {strides = array<i32>} : memref<128x64xf32, #tpu.memory_space<vmem>>, vector<1x16xf32>,
        %add3A_446 = arith.constant 3 : i32
        %add3A_447 = arith.addi %add3A_242, %add3A_446 : i32
        %get3A_448 = arith.index_cast %add3A_447 : i32 to index
        %get3A_449 = arith.constant 16 : index
        %get3A_450 = tpu.vector_load %arg10[%get3A_448, %get3A_449] {strides = array<i32>} : memref<128x64xf32, #tpu.memory_space<vmem>>, vector<1x16xf32>,
        %get3A_451 = vector.shape_cast %get3A_450 : vector<1x16xf32> to vector<16xf32>
        %mul3A_452 = vector.broadcast %squeeze3A_430 : f32 to vector<16xf32>
        %mul3A_453 = arith.mulf %get3A_451, %mul3A_452 : vector<16xf32>
        %add3A_454 = arith.constant 3 : i32
        %add3A_455 = arith.addi %add3A_242, %add3A_454 : i32
        %swap3A_456 = arith.index_cast %add3A_455 : i32 to index
        %swap3A_457 = arith.constant 16 : index
        %swap3A_458 = tpu.vector_load %arg12[%swap3A_456, %swap3A_457] {strides = array<i32>} : memref<128x64xf32, #tpu.memory_space<vmem>>, vector<1x16xf32>,
        %swap3A_459 = vector.shape_cast %swap3A_458 : vector<1x16xf32> to vector<16xf32>
        %swap3A_460 = vector.shape_cast %mul3A_453 : vector<16xf32> to vector<1x16xf32>
        tpu.vector_store %arg12[%swap3A_456, %swap3A_457], %swap3A_460 {strides = array<i32>} : memref<128x64xf32, #tpu.memory_space<vmem>>, vector<1x16xf32>,
        %add3A_461 = arith.constant 3 : i32
        %add3A_462 = arith.addi %add3A_242, %add3A_461 : i32
        %get3A_463 = arith.index_cast %add3A_462 : i32 to index
        %get3A_464 = arith.constant 32 : index
        %get3A_465 = tpu.vector_load %arg10[%get3A_463, %get3A_464] {strides = array<i32>} : memref<128x64xf32, #tpu.memory_space<vmem>>, vector<1x16xf32>,
        %get3A_466 = vector.shape_cast %get3A_465 : vector<1x16xf32> to vector<16xf32>
        %mul3A_467 = vector.broadcast %squeeze3A_430 : f32 to vector<16xf32>
        %mul3A_468 = arith.mulf %get3A_466, %mul3A_467 : vector<16xf32>
        %add3A_469 = arith.constant 3 : i32
        %add3A_470 = arith.addi %add3A_242, %add3A_469 : i32
        %swap3A_471 = arith.index_cast %add3A_470 : i32 to index
        %swap3A_472 = arith.constant 32 : index
        %swap3A_473 = tpu.vector_load %arg12[%swap3A_471, %swap3A_472] {strides = array<i32>} : memref<128x64xf32, #tpu.memory_space<vmem>>, vector<1x16xf32>,
        %swap3A_474 = vector.shape_cast %swap3A_473 : vector<1x16xf32> to vector<16xf32>
        %swap3A_475 = vector.shape_cast %mul3A_468 : vector<16xf32> to vector<1x16xf32>
        tpu.vector_store %arg12[%swap3A_471, %swap3A_472], %swap3A_475 {strides = array<i32>} : memref<128x64xf32, #tpu.memory_space<vmem>>, vector<1x16xf32>,
        %add3A_476 = arith.constant 3 : i32
        %add3A_477 = arith.addi %add3A_242, %add3A_476 : i32
        %get3A_478 = arith.index_cast %add3A_477 : i32 to index
        %get3A_479 = arith.constant 48 : index
        %get3A_480 = tpu.vector_load %arg10[%get3A_478, %get3A_479] {strides = array<i32>} : memref<128x64xf32, #tpu.memory_space<vmem>>, vector<1x16xf32>,
        %get3A_481 = vector.shape_cast %get3A_480 : vector<1x16xf32> to vector<16xf32>
        %mul3A_482 = vector.broadcast %squeeze3A_430 : f32 to vector<16xf32>
        %mul3A_483 = arith.mulf %get3A_481, %mul3A_482 : vector<16xf32>
        %add3A_484 = arith.constant 3 : i32
        %add3A_485 = arith.addi %add3A_242, %add3A_484 : i32
        %swap3A_486 = arith.index_cast %add3A_485 : i32 to index
        %swap3A_487 = arith.constant 48 : index
        %swap3A_488 = tpu.vector_load %arg12[%swap3A_486, %swap3A_487] {strides = array<i32>} : memref<128x64xf32, #tpu.memory_space<vmem>>, vector<1x16xf32>,
        %swap3A_489 = vector.shape_cast %swap3A_488 : vector<1x16xf32> to vector<16xf32>
        %swap3A_490 = vector.shape_cast %mul3A_483 : vector<16xf32> to vector<1x16xf32>
        tpu.vector_store %arg12[%swap3A_486, %swap3A_487], %swap3A_490 {strides = array<i32>} : memref<128x64xf32, #tpu.memory_space<vmem>>, vector<1x16xf32>,
        %slice3A_491 = vector.extract_strided_slice %get3A_245 {offsets = [4], sizes = [1], strides = [1]} : vector<16xf32> to vector<1xf32>
        %squeeze3A_492 = vector.extract %slice3A_491[0] : f32 from vector<1xf32>
        %add3A_493 = arith.constant 4 : i32
        %add3A_494 = arith.addi %add3A_242, %add3A_493 : i32
        %get3A_495 = arith.index_cast %add3A_494 : i32 to index
        %get3A_496 = arith.constant 0 : index
        %get3A_497 = tpu.vector_load %arg10[%get3A_495, %get3A_496] {strides = array<i32>} : memref<128x64xf32, #tpu.memory_space<vmem>>, vector<1x16xf32>,
        %get3A_498 = vector.shape_cast %get3A_497 : vector<1x16xf32> to vector<16xf32>
        %mul3A_499 = vector.broadcast %squeeze3A_492 : f32 to vector<16xf32>
        %mul3A_500 = arith.mulf %get3A_498, %mul3A_499 : vector<16xf32>
        %add3A_501 = arith.constant 4 : i32
        %add3A_502 = arith.addi %add3A_242, %add3A_501 : i32
        %swap3A_503 = arith.index_cast %add3A_502 : i32 to index
        %swap3A_504 = arith.constant 0 : index
        %swap3A_505 = tpu.vector_load %arg12[%swap3A_503, %swap3A_504] {strides = array<i32>} : memref<128x64xf32, #tpu.memory_space<vmem>>, vector<1x16xf32>,
        %swap3A_506 = vector.shape_cast %swap3A_505 : vector<1x16xf32> to vector<16xf32>
        %swap3A_507 = vector.shape_cast %mul3A_500 : vector<16xf32> to vector<1x16xf32>
        tpu.vector_store %arg12[%swap3A_503, %swap3A_504], %swap3A_507 {strides = array<i32>} : memref<128x64xf32, #tpu.memory_space<vmem>>, vector<1x16xf32>,
        %add3A_508 = arith.constant 4 : i32
        %add3A_509 = arith.addi %add3A_242, %add3A_508 : i32
        %get3A_510 = arith.index_cast %add3A_509 : i32 to index
        %get3A_511 = arith.constant 16 : index
        %get3A_512 = tpu.vector_load %arg10[%get3A_510, %get3A_511] {strides = array<i32>} : memref<128x64xf32, #tpu.memory_space<vmem>>, vector<1x16xf32>,
        %get3A_513 = vector.shape_cast %get3A_512 : vector<1x16xf32> to vector<16xf32>
        %mul3A_514 = vector.broadcast %squeeze3A_492 : f32 to vector<16xf32>
        %mul3A_515 = arith.mulf %get3A_513, %mul3A_514 : vector<16xf32>
        %add3A_516 = arith.constant 4 : i32
        %add3A_517 = arith.addi %add3A_242, %add3A_516 : i32
        %swap3A_518 = arith.index_cast %add3A_517 : i32 to index
        %swap3A_519 = arith.constant 16 : index
        %swap3A_520 = tpu.vector_load %arg12[%swap3A_518, %swap3A_519] {strides = array<i32>} : memref<128x64xf32, #tpu.memory_space<vmem>>, vector<1x16xf32>,
        %swap3A_521 = vector.shape_cast %swap3A_520 : vector<1x16xf32> to vector<16xf32>
        %swap3A_522 = vector.shape_cast %mul3A_515 : vector<16xf32> to vector<1x16xf32>
        tpu.vector_store %arg12[%swap3A_518, %swap3A_519], %swap3A_522 {strides = array<i32>} : memref<128x64xf32, #tpu.memory_space<vmem>>, vector<1x16xf32>,
        %add3A_523 = arith.constant 4 : i32
        %add3A_524 = arith.addi %add3A_242, %add3A_523 : i32
        %get3A_525 = arith.index_cast %add3A_524 : i32 to index
        %get3A_526 = arith.constant 32 : index
        %get3A_527 = tpu.vector_load %arg10[%get3A_525, %get3A_526] {strides = array<i32>} : memref<128x64xf32, #tpu.memory_space<vmem>>, vector<1x16xf32>,
        %get3A_528 = vector.shape_cast %get3A_527 : vector<1x16xf32> to vector<16xf32>
        %mul3A_529 = vector.broadcast %squeeze3A_492 : f32 to vector<16xf32>
        %mul3A_530 = arith.mulf %get3A_528, %mul3A_529 : vector<16xf32>
        %add3A_531 = arith.constant 4 : i32
        %add3A_532 = arith.addi %add3A_242, %add3A_531 : i32
        %swap3A_533 = arith.index_cast %add3A_532 : i32 to index
        %swap3A_534 = arith.constant 32 : index
        %swap3A_535 = tpu.vector_load %arg12[%swap3A_533, %swap3A_534] {strides = array<i32>} : memref<128x64xf32, #tpu.memory_space<vmem>>, vector<1x16xf32>,
        %swap3A_536 = vector.shape_cast %swap3A_535 : vector<1x16xf32> to vector<16xf32>
        %swap3A_537 = vector.shape_cast %mul3A_530 : vector<16xf32> to vector<1x16xf32>
        tpu.vector_store %arg12[%swap3A_533, %swap3A_534], %swap3A_537 {strides = array<i32>} : memref<128x64xf32, #tpu.memory_space<vmem>>, vector<1x16xf32>,
        %add3A_538 = arith.constant 4 : i32
        %add3A_539 = arith.addi %add3A_242, %add3A_538 : i32
        %get3A_540 = arith.index_cast %add3A_539 : i32 to index
        %get3A_541 = arith.constant 48 : index
        %get3A_542 = tpu.vector_load %arg10[%get3A_540, %get3A_541] {strides = array<i32>} : memref<128x64xf32, #tpu.memory_space<vmem>>, vector<1x16xf32>,
        %get3A_543 = vector.shape_cast %get3A_542 : vector<1x16xf32> to vector<16xf32>
        %mul3A_544 = vector.broadcast %squeeze3A_492 : f32 to vector<16xf32>
        %mul3A_545 = arith.mulf %get3A_543, %mul3A_544 : vector<16xf32>
        %add3A_546 = arith.constant 4 : i32
        %add3A_547 = arith.addi %add3A_242, %add3A_546 : i32
        %swap3A_548 = arith.index_cast %add3A_547 : i32 to index
        %swap3A_549 = arith.constant 48 : index
        %swap3A_550 = tpu.vector_load %arg12[%swap3A_548, %swap3A_549] {strides = array<i32>} : memref<128x64xf32, #tpu.memory_space<vmem>>, vector<1x16xf32>,
        %swap3A_551 = vector.shape_cast %swap3A_550 : vector<1x16xf32> to vector<16xf32>
        %swap3A_552 = vector.shape_cast %mul3A_545 : vector<16xf32> to vector<1x16xf32>
        tpu.vector_store %arg12[%swap3A_548, %swap3A_549], %swap3A_552 {strides = array<i32>} : memref<128x64xf32, #tpu.memory_space<vmem>>, vector<1x16xf32>,
        %slice3A_553 = vector.extract_strided_slice %get3A_245 {offsets = [5], sizes = [1], strides = [1]} : vector<16xf32> to vector<1xf32>
        %squeeze3A_554 = vector.extract %slice3A_553[0] : f32 from vector<1xf32>
        %add3A_555 = arith.constant 5 : i32
        %add3A_556 = arith.addi %add3A_242, %add3A_555 : i32
        %get3A_557 = arith.index_cast %add3A_556 : i32 to index
        %get3A_558 = arith.constant 0 : index
        %get3A_559 = tpu.vector_load %arg10[%get3A_557, %get3A_558] {strides = array<i32>} : memref<128x64xf32, #tpu.memory_space<vmem>>, vector<1x16xf32>,
        %get3A_560 = vector.shape_cast %get3A_559 : vector<1x16xf32> to vector<16xf32>
        %mul3A_561 = vector.broadcast %squeeze3A_554 : f32 to vector<16xf32>
        %mul3A_562 = arith.mulf %get3A_560, %mul3A_561 : vector<16xf32>
        %add3A_563 = arith.constant 5 : i32
        %add3A_564 = arith.addi %add3A_242, %add3A_563 : i32
        %swap3A_565 = arith.index_cast %add3A_564 : i32 to index
        %swap3A_566 = arith.constant 0 : index
        %swap3A_567 = tpu.vector_load %arg12[%swap3A_565, %swap3A_566] {strides = array<i32>} : memref<128x64xf32, #tpu.memory_space<vmem>>, vector<1x16xf32>,
        %swap3A_568 = vector.shape_cast %swap3A_567 : vector<1x16xf32> to vector<16xf32>
        %swap3A_569 = vector.shape_cast %mul3A_562 : vector<16xf32> to vector<1x16xf32>
        tpu.vector_store %arg12[%swap3A_565, %swap3A_566], %swap3A_569 {strides = array<i32>} : memref<128x64xf32, #tpu.memory_space<vmem>>, vector<1x16xf32>,
        %add3A_570 = arith.constant 5 : i32
        %add3A_571 = arith.addi %add3A_242, %add3A_570 : i32
        %get3A_572 = arith.index_cast %add3A_571 : i32 to index
        %get3A_573 = arith.constant 16 : index
        %get3A_574 = tpu.vector_load %arg10[%get3A_572, %get3A_573] {strides = array<i32>} : memref<128x64xf32, #tpu.memory_space<vmem>>, vector<1x16xf32>,
        %get3A_575 = vector.shape_cast %get3A_574 : vector<1x16xf32> to vector<16xf32>
        %mul3A_576 = vector.broadcast %squeeze3A_554 : f32 to vector<16xf32>
        %mul3A_577 = arith.mulf %get3A_575, %mul3A_576 : vector<16xf32>
        %add3A_578 = arith.constant 5 : i32
        %add3A_579 = arith.addi %add3A_242, %add3A_578 : i32
        %swap3A_580 = arith.index_cast %add3A_579 : i32 to index
        %swap3A_581 = arith.constant 16 : index
        %swap3A_582 = tpu.vector_load %arg12[%swap3A_580, %swap3A_581] {strides = array<i32>} : memref<128x64xf32, #tpu.memory_space<vmem>>, vector<1x16xf32>,
        %swap3A_583 = vector.shape_cast %swap3A_582 : vector<1x16xf32> to vector<16xf32>
        %swap3A_584 = vector.shape_cast %mul3A_577 : vector<16xf32> to vector<1x16xf32>
        tpu.vector_store %arg12[%swap3A_580, %swap3A_581], %swap3A_584 {strides = array<i32>} : memref<128x64xf32, #tpu.memory_space<vmem>>, vector<1x16xf32>,
        %add3A_585 = arith.constant 5 : i32
        %add3A_586 = arith.addi %add3A_242, %add3A_585 : i32
        %get3A_587 = arith.index_cast %add3A_586 : i32 to index
        %get3A_588 = arith.constant 32 : index
        %get3A_589 = tpu.vector_load %arg10[%get3A_587, %get3A_588] {strides = array<i32>} : memref<128x64xf32, #tpu.memory_space<vmem>>, vector<1x16xf32>,
        %get3A_590 = vector.shape_cast %get3A_589 : vector<1x16xf32> to vector<16xf32>
        %mul3A_591 = vector.broadcast %squeeze3A_554 : f32 to vector<16xf32>
        %mul3A_592 = arith.mulf %get3A_590, %mul3A_591 : vector<16xf32>
        %add3A_593 = arith.constant 5 : i32
        %add3A_594 = arith.addi %add3A_242, %add3A_593 : i32
        %swap3A_595 = arith.index_cast %add3A_594 : i32 to index
        %swap3A_596 = arith.constant 32 : index
        %swap3A_597 = tpu.vector_load %arg12[%swap3A_595, %swap3A_596] {strides = array<i32>} : memref<128x64xf32, #tpu.memory_space<vmem>>, vector<1x16xf32>,
        %swap3A_598 = vector.shape_cast %swap3A_597 : vector<1x16xf32> to vector<16xf32>
        %swap3A_599 = vector.shape_cast %mul3A_592 : vector<16xf32> to vector<1x16xf32>
        tpu.vector_store %arg12[%swap3A_595, %swap3A_596], %swap3A_599 {strides = array<i32>} : memref<128x64xf32, #tpu.memory_space<vmem>>, vector<1x16xf32>,
        %add3A_600 = arith.constant 5 : i32
        %add3A_601 = arith.addi %add3A_242, %add3A_600 : i32
        %get3A_602 = arith.index_cast %add3A_601 : i32 to index
        %get3A_603 = arith.constant 48 : index
        %get3A_604 = tpu.vector_load %arg10[%get3A_602, %get3A_603] {strides = array<i32>} : memref<128x64xf32, #tpu.memory_space<vmem>>, vector<1x16xf32>,
        %get3A_605 = vector.shape_cast %get3A_604 : vector<1x16xf32> to vector<16xf32>
        %mul3A_606 = vector.broadcast %squeeze3A_554 : f32 to vector<16xf32>
        %mul3A_607 = arith.mulf %get3A_605, %mul3A_606 : vector<16xf32>
        %add3A_608 = arith.constant 5 : i32
        %add3A_609 = arith.addi %add3A_242, %add3A_608 : i32
        %swap3A_610 = arith.index_cast %add3A_609 : i32 to index
        %swap3A_611 = arith.constant 48 : index
        %swap3A_612 = tpu.vector_load %arg12[%swap3A_610, %swap3A_611] {strides = array<i32>} : memref<128x64xf32, #tpu.memory_space<vmem>>, vector<1x16xf32>,
        %swap3A_613 = vector.shape_cast %swap3A_612 : vector<1x16xf32> to vector<16xf32>
        %swap3A_614 = vector.shape_cast %mul3A_607 : vector<16xf32> to vector<1x16xf32>
        tpu.vector_store %arg12[%swap3A_610, %swap3A_611], %swap3A_614 {strides = array<i32>} : memref<128x64xf32, #tpu.memory_space<vmem>>, vector<1x16xf32>,
        %slice3A_615 = vector.extract_strided_slice %get3A_245 {offsets = [6], sizes = [1], strides = [1]} : vector<16xf32> to vector<1xf32>
        %squeeze3A_616 = vector.extract %slice3A_615[0] : f32 from vector<1xf32>
        %add3A_617 = arith.constant 6 : i32
        %add3A_618 = arith.addi %add3A_242, %add3A_617 : i32
        %get3A_619 = arith.index_cast %add3A_618 : i32 to index
        %get3A_620 = arith.constant 0 : index
        %get3A_621 = tpu.vector_load %arg10[%get3A_619, %get3A_620] {strides = array<i32>} : memref<128x64xf32, #tpu.memory_space<vmem>>, vector<1x16xf32>,
        %get3A_622 = vector.shape_cast %get3A_621 : vector<1x16xf32> to vector<16xf32>
        %mul3A_623 = vector.broadcast %squeeze3A_616 : f32 to vector<16xf32>
        %mul3A_624 = arith.mulf %get3A_622, %mul3A_623 : vector<16xf32>
        %add3A_625 = arith.constant 6 : i32
        %add3A_626 = arith.addi %add3A_242, %add3A_625 : i32
        %swap3A_627 = arith.index_cast %add3A_626 : i32 to index
        %swap3A_628 = arith.constant 0 : index
        %swap3A_629 = tpu.vector_load %arg12[%swap3A_627, %swap3A_628] {strides = array<i32>} : memref<128x64xf32, #tpu.memory_space<vmem>>, vector<1x16xf32>,
        %swap3A_630 = vector.shape_cast %swap3A_629 : vector<1x16xf32> to vector<16xf32>
        %swap3A_631 = vector.shape_cast %mul3A_624 : vector<16xf32> to vector<1x16xf32>
        tpu.vector_store %arg12[%swap3A_627, %swap3A_628], %swap3A_631 {strides = array<i32>} : memref<128x64xf32, #tpu.memory_space<vmem>>, vector<1x16xf32>,
        %add3A_632 = arith.constant 6 : i32
        %add3A_633 = arith.addi %add3A_242, %add3A_632 : i32
        %get3A_634 = arith.index_cast %add3A_633 : i32 to index
        %get3A_635 = arith.constant 16 : index
        %get3A_636 = tpu.vector_load %arg10[%get3A_634, %get3A_635] {strides = array<i32>} : memref<128x64xf32, #tpu.memory_space<vmem>>, vector<1x16xf32>,
        %get3A_637 = vector.shape_cast %get3A_636 : vector<1x16xf32> to vector<16xf32>
        %mul3A_638 = vector.broadcast %squeeze3A_616 : f32 to vector<16xf32>
        %mul3A_639 = arith.mulf %get3A_637, %mul3A_638 : vector<16xf32>
        %add3A_640 = arith.constant 6 : i32
        %add3A_641 = arith.addi %add3A_242, %add3A_640 : i32
        %swap3A_642 = arith.index_cast %add3A_641 : i32 to index
        %swap3A_643 = arith.constant 16 : index
        %swap3A_644 = tpu.vector_load %arg12[%swap3A_642, %swap3A_643] {strides = array<i32>} : memref<128x64xf32, #tpu.memory_space<vmem>>, vector<1x16xf32>,
        %swap3A_645 = vector.shape_cast %swap3A_644 : vector<1x16xf32> to vector<16xf32>
        %swap3A_646 = vector.shape_cast %mul3A_639 : vector<16xf32> to vector<1x16xf32>
        tpu.vector_store %arg12[%swap3A_642, %swap3A_643], %swap3A_646 {strides = array<i32>} : memref<128x64xf32, #tpu.memory_space<vmem>>, vector<1x16xf32>,
        %add3A_647 = arith.constant 6 : i32
        %add3A_648 = arith.addi %add3A_242, %add3A_647 : i32
        %get3A_649 = arith.index_cast %add3A_648 : i32 to index
        %get3A_650 = arith.constant 32 : index
        %get3A_651 = tpu.vector_load %arg10[%get3A_649, %get3A_650] {strides = array<i32>} : memref<128x64xf32, #tpu.memory_space<vmem>>, vector<1x16xf32>,
        %get3A_652 = vector.shape_cast %get3A_651 : vector<1x16xf32> to vector<16xf32>
        %mul3A_653 = vector.broadcast %squeeze3A_616 : f32 to vector<16xf32>
        %mul3A_654 = arith.mulf %get3A_652, %mul3A_653 : vector<16xf32>
        %add3A_655 = arith.constant 6 : i32
        %add3A_656 = arith.addi %add3A_242, %add3A_655 : i32
        %swap3A_657 = arith.index_cast %add3A_656 : i32 to index
        %swap3A_658 = arith.constant 32 : index
        %swap3A_659 = tpu.vector_load %arg12[%swap3A_657, %swap3A_658] {strides = array<i32>} : memref<128x64xf32, #tpu.memory_space<vmem>>, vector<1x16xf32>,
        %swap3A_660 = vector.shape_cast %swap3A_659 : vector<1x16xf32> to vector<16xf32>
        %swap3A_661 = vector.shape_cast %mul3A_654 : vector<16xf32> to vector<1x16xf32>
        tpu.vector_store %arg12[%swap3A_657, %swap3A_658], %swap3A_661 {strides = array<i32>} : memref<128x64xf32, #tpu.memory_space<vmem>>, vector<1x16xf32>,
        %add3A_662 = arith.constant 6 : i32
        %add3A_663 = arith.addi %add3A_242, %add3A_662 : i32
        %get3A_664 = arith.index_cast %add3A_663 : i32 to index
        %get3A_665 = arith.constant 48 : index
        %get3A_666 = tpu.vector_load %arg10[%get3A_664, %get3A_665] {strides = array<i32>} : memref<128x64xf32, #tpu.memory_space<vmem>>, vector<1x16xf32>,
        %get3A_667 = vector.shape_cast %get3A_666 : vector<1x16xf32> to vector<16xf32>
        %mul3A_668 = vector.broadcast %squeeze3A_616 : f32 to vector<16xf32>
        %mul3A_669 = arith.mulf %get3A_667, %mul3A_668 : vector<16xf32>
        %add3A_670 = arith.constant 6 : i32
        %add3A_671 = arith.addi %add3A_242, %add3A_670 : i32
        %swap3A_672 = arith.index_cast %add3A_671 : i32 to index
        %swap3A_673 = arith.constant 48 : index
        %swap3A_674 = tpu.vector_load %arg12[%swap3A_672, %swap3A_673] {strides = array<i32>} : memref<128x64xf32, #tpu.memory_space<vmem>>, vector<1x16xf32>,
        %swap3A_675 = vector.shape_cast %swap3A_674 : vector<1x16xf32> to vector<16xf32>
        %swap3A_676 = vector.shape_cast %mul3A_669 : vector<16xf32> to vector<1x16xf32>
        tpu.vector_store %arg12[%swap3A_672, %swap3A_673], %swap3A_676 {strides = array<i32>} : memref<128x64xf32, #tpu.memory_space<vmem>>, vector<1x16xf32>,
        %slice3A_677 = vector.extract_strided_slice %get3A_245 {offsets = [7], sizes = [1], strides = [1]} : vector<16xf32> to vector<1xf32>
        %squeeze3A_678 = vector.extract %slice3A_677[0] : f32 from vector<1xf32>
        %add3A_679 = arith.constant 7 : i32
        %add3A_680 = arith.addi %add3A_242, %add3A_679 : i32
        %get3A_681 = arith.index_cast %add3A_680 : i32 to index
        %get3A_682 = arith.constant 0 : index
        %get3A_683 = tpu.vector_load %arg10[%get3A_681, %get3A_682] {strides = array<i32>} : memref<128x64xf32, #tpu.memory_space<vmem>>, vector<1x16xf32>,
        %get3A_684 = vector.shape_cast %get3A_683 : vector<1x16xf32> to vector<16xf32>
        %mul3A_685 = vector.broadcast %squeeze3A_678 : f32 to vector<16xf32>
        %mul3A_686 = arith.mulf %get3A_684, %mul3A_685 : vector<16xf32>
        %add3A_687 = arith.constant 7 : i32
        %add3A_688 = arith.addi %add3A_242, %add3A_687 : i32
        %swap3A_689 = arith.index_cast %add3A_688 : i32 to index
        %swap3A_690 = arith.constant 0 : index
        %swap3A_691 = tpu.vector_load %arg12[%swap3A_689, %swap3A_690] {strides = array<i32>} : memref<128x64xf32, #tpu.memory_space<vmem>>, vector<1x16xf32>,
        %swap3A_692 = vector.shape_cast %swap3A_691 : vector<1x16xf32> to vector<16xf32>
        %swap3A_693 = vector.shape_cast %mul3A_686 : vector<16xf32> to vector<1x16xf32>
        tpu.vector_store %arg12[%swap3A_689, %swap3A_690], %swap3A_693 {strides = array<i32>} : memref<128x64xf32, #tpu.memory_space<vmem>>, vector<1x16xf32>,
        %add3A_694 = arith.constant 7 : i32
        %add3A_695 = arith.addi %add3A_242, %add3A_694 : i32
        %get3A_696 = arith.index_cast %add3A_695 : i32 to index
        %get3A_697 = arith.constant 16 : index
        %get3A_698 = tpu.vector_load %arg10[%get3A_696, %get3A_697] {strides = array<i32>} : memref<128x64xf32, #tpu.memory_space<vmem>>, vector<1x16xf32>,
        %get3A_699 = vector.shape_cast %get3A_698 : vector<1x16xf32> to vector<16xf32>
        %mul3A_700 = vector.broadcast %squeeze3A_678 : f32 to vector<16xf32>
        %mul3A_701 = arith.mulf %get3A_699, %mul3A_700 : vector<16xf32>
        %add3A_702 = arith.constant 7 : i32
        %add3A_703 = arith.addi %add3A_242, %add3A_702 : i32
        %swap3A_704 = arith.index_cast %add3A_703 : i32 to index
        %swap3A_705 = arith.constant 16 : index
        %swap3A_706 = tpu.vector_load %arg12[%swap3A_704, %swap3A_705] {strides = array<i32>} : memref<128x64xf32, #tpu.memory_space<vmem>>, vector<1x16xf32>,
        %swap3A_707 = vector.shape_cast %swap3A_706 : vector<1x16xf32> to vector<16xf32>
        %swap3A_708 = vector.shape_cast %mul3A_701 : vector<16xf32> to vector<1x16xf32>
        tpu.vector_store %arg12[%swap3A_704, %swap3A_705], %swap3A_708 {strides = array<i32>} : memref<128x64xf32, #tpu.memory_space<vmem>>, vector<1x16xf32>,
        %add3A_709 = arith.constant 7 : i32
        %add3A_710 = arith.addi %add3A_242, %add3A_709 : i32
        %get3A_711 = arith.index_cast %add3A_710 : i32 to index
        %get3A_712 = arith.constant 32 : index
        %get3A_713 = tpu.vector_load %arg10[%get3A_711, %get3A_712] {strides = array<i32>} : memref<128x64xf32, #tpu.memory_space<vmem>>, vector<1x16xf32>,
        %get3A_714 = vector.shape_cast %get3A_713 : vector<1x16xf32> to vector<16xf32>
        %mul3A_715 = vector.broadcast %squeeze3A_678 : f32 to vector<16xf32>
        %mul3A_716 = arith.mulf %get3A_714, %mul3A_715 : vector<16xf32>
        %add3A_717 = arith.constant 7 : i32
        %add3A_718 = arith.addi %add3A_242, %add3A_717 : i32
        %swap3A_719 = arith.index_cast %add3A_718 : i32 to index
        %swap3A_720 = arith.constant 32 : index
        %swap3A_721 = tpu.vector_load %arg12[%swap3A_719, %swap3A_720] {strides = array<i32>} : memref<128x64xf32, #tpu.memory_space<vmem>>, vector<1x16xf32>,
        %swap3A_722 = vector.shape_cast %swap3A_721 : vector<1x16xf32> to vector<16xf32>
        %swap3A_723 = vector.shape_cast %mul3A_716 : vector<16xf32> to vector<1x16xf32>
        tpu.vector_store %arg12[%swap3A_719, %swap3A_720], %swap3A_723 {strides = array<i32>} : memref<128x64xf32, #tpu.memory_space<vmem>>, vector<1x16xf32>,
        %add3A_724 = arith.constant 7 : i32
        %add3A_725 = arith.addi %add3A_242, %add3A_724 : i32
        %get3A_726 = arith.index_cast %add3A_725 : i32 to index
        %get3A_727 = arith.constant 48 : index
        %get3A_728 = tpu.vector_load %arg10[%get3A_726, %get3A_727] {strides = array<i32>} : memref<128x64xf32, #tpu.memory_space<vmem>>, vector<1x16xf32>,
        %get3A_729 = vector.shape_cast %get3A_728 : vector<1x16xf32> to vector<16xf32>
        %mul3A_730 = vector.broadcast %squeeze3A_678 : f32 to vector<16xf32>
        %mul3A_731 = arith.mulf %get3A_729, %mul3A_730 : vector<16xf32>
        %add3A_732 = arith.constant 7 : i32
        %add3A_733 = arith.addi %add3A_242, %add3A_732 : i32
        %swap3A_734 = arith.index_cast %add3A_733 : i32 to index
        %swap3A_735 = arith.constant 48 : index
        %swap3A_736 = tpu.vector_load %arg12[%swap3A_734, %swap3A_735] {strides = array<i32>} : memref<128x64xf32, #tpu.memory_space<vmem>>, vector<1x16xf32>,
        %swap3A_737 = vector.shape_cast %swap3A_736 : vector<1x16xf32> to vector<16xf32>
        %swap3A_738 = vector.shape_cast %mul3A_731 : vector<16xf32> to vector<1x16xf32>
        tpu.vector_store %arg12[%swap3A_734, %swap3A_735], %swap3A_738 {strides = array<i32>} : memref<128x64xf32, #tpu.memory_space<vmem>>, vector<1x16xf32>,
        %slice3A_739 = vector.extract_strided_slice %get3A_245 {offsets = [8], sizes = [1], strides = [1]} : vector<16xf32> to vector<1xf32>
        %squeeze3A_740 = vector.extract %slice3A_739[0] : f32 from vector<1xf32>
        %add3A_741 = arith.constant 8 : i32
        %add3A_742 = arith.addi %add3A_242, %add3A_741 : i32
        %get3A_743 = arith.index_cast %add3A_742 : i32 to index
        %get3A_744 = arith.constant 0 : index
        %get3A_745 = tpu.vector_load %arg10[%get3A_743, %get3A_744] {strides = array<i32>} : memref<128x64xf32, #tpu.memory_space<vmem>>, vector<1x16xf32>,
        %get3A_746 = vector.shape_cast %get3A_745 : vector<1x16xf32> to vector<16xf32>
        %mul3A_747 = vector.broadcast %squeeze3A_740 : f32 to vector<16xf32>
        %mul3A_748 = arith.mulf %get3A_746, %mul3A_747 : vector<16xf32>
        %add3A_749 = arith.constant 8 : i32
        %add3A_750 = arith.addi %add3A_242, %add3A_749 : i32
        %swap3A_751 = arith.index_cast %add3A_750 : i32 to index
        %swap3A_752 = arith.constant 0 : index
        %swap3A_753 = tpu.vector_load %arg12[%swap3A_751, %swap3A_752] {strides = array<i32>} : memref<128x64xf32, #tpu.memory_space<vmem>>, vector<1x16xf32>,
        %swap3A_754 = vector.shape_cast %swap3A_753 : vector<1x16xf32> to vector<16xf32>
        %swap3A_755 = vector.shape_cast %mul3A_748 : vector<16xf32> to vector<1x16xf32>
        tpu.vector_store %arg12[%swap3A_751, %swap3A_752], %swap3A_755 {strides = array<i32>} : memref<128x64xf32, #tpu.memory_space<vmem>>, vector<1x16xf32>,
        %add3A_756 = arith.constant 8 : i32
        %add3A_757 = arith.addi %add3A_242, %add3A_756 : i32
        %get3A_758 = arith.index_cast %add3A_757 : i32 to index
        %get3A_759 = arith.constant 16 : index
        %get3A_760 = tpu.vector_load %arg10[%get3A_758, %get3A_759] {strides = array<i32>} : memref<128x64xf32, #tpu.memory_space<vmem>>, vector<1x16xf32>,
        %get3A_761 = vector.shape_cast %get3A_760 : vector<1x16xf32> to vector<16xf32>
        %mul3A_762 = vector.broadcast %squeeze3A_740 : f32 to vector<16xf32>
        %mul3A_763 = arith.mulf %get3A_761, %mul3A_762 : vector<16xf32>
        %add3A_764 = arith.constant 8 : i32
        %add3A_765 = arith.addi %add3A_242, %add3A_764 : i32
        %swap3A_766 = arith.index_cast %add3A_765 : i32 to index
        %swap3A_767 = arith.constant 16 : index
        %swap3A_768 = tpu.vector_load %arg12[%swap3A_766, %swap3A_767] {strides = array<i32>} : memref<128x64xf32, #tpu.memory_space<vmem>>, vector<1x16xf32>,
        %swap3A_769 = vector.shape_cast %swap3A_768 : vector<1x16xf32> to vector<16xf32>
        %swap3A_770 = vector.shape_cast %mul3A_763 : vector<16xf32> to vector<1x16xf32>
        tpu.vector_store %arg12[%swap3A_766, %swap3A_767], %swap3A_770 {strides = array<i32>} : memref<128x64xf32, #tpu.memory_space<vmem>>, vector<1x16xf32>,
        %add3A_771 = arith.constant 8 : i32
        %add3A_772 = arith.addi %add3A_242, %add3A_771 : i32
        %get3A_773 = arith.index_cast %add3A_772 : i32 to index
        %get3A_774 = arith.constant 32 : index
        %get3A_775 = tpu.vector_load %arg10[%get3A_773, %get3A_774] {strides = array<i32>} : memref<128x64xf32, #tpu.memory_space<vmem>>, vector<1x16xf32>,
        %get3A_776 = vector.shape_cast %get3A_775 : vector<1x16xf32> to vector<16xf32>
        %mul3A_777 = vector.broadcast %squeeze3A_740 : f32 to vector<16xf32>
        %mul3A_778 = arith.mulf %get3A_776, %mul3A_777 : vector<16xf32>
        %add3A_779 = arith.constant 8 : i32
        %add3A_780 = arith.addi %add3A_242, %add3A_779 : i32
        %swap3A_781 = arith.index_cast %add3A_780 : i32 to index
        %swap3A_782 = arith.constant 32 : index
        %swap3A_783 = tpu.vector_load %arg12[%swap3A_781, %swap3A_782] {strides = array<i32>} : memref<128x64xf32, #tpu.memory_space<vmem>>, vector<1x16xf32>,
        %swap3A_784 = vector.shape_cast %swap3A_783 : vector<1x16xf32> to vector<16xf32>
        %swap3A_785 = vector.shape_cast %mul3A_778 : vector<16xf32> to vector<1x16xf32>
        tpu.vector_store %arg12[%swap3A_781, %swap3A_782], %swap3A_785 {strides = array<i32>} : memref<128x64xf32, #tpu.memory_space<vmem>>, vector<1x16xf32>,
        %add3A_786 = arith.constant 8 : i32
        %add3A_787 = arith.addi %add3A_242, %add3A_786 : i32
        %get3A_788 = arith.index_cast %add3A_787 : i32 to index
        %get3A_789 = arith.constant 48 : index
        %get3A_790 = tpu.vector_load %arg10[%get3A_788, %get3A_789] {strides = array<i32>} : memref<128x64xf32, #tpu.memory_space<vmem>>, vector<1x16xf32>,
        %get3A_791 = vector.shape_cast %get3A_790 : vector<1x16xf32> to vector<16xf32>
        %mul3A_792 = vector.broadcast %squeeze3A_740 : f32 to vector<16xf32>
        %mul3A_793 = arith.mulf %get3A_791, %mul3A_792 : vector<16xf32>
        %add3A_794 = arith.constant 8 : i32
        %add3A_795 = arith.addi %add3A_242, %add3A_794 : i32
        %swap3A_796 = arith.index_cast %add3A_795 : i32 to index
        %swap3A_797 = arith.constant 48 : index
        %swap3A_798 = tpu.vector_load %arg12[%swap3A_796, %swap3A_797] {strides = array<i32>} : memref<128x64xf32, #tpu.memory_space<vmem>>, vector<1x16xf32>,
        %swap3A_799 = vector.shape_cast %swap3A_798 : vector<1x16xf32> to vector<16xf32>
        %swap3A_800 = vector.shape_cast %mul3A_793 : vector<16xf32> to vector<1x16xf32>
        tpu.vector_store %arg12[%swap3A_796, %swap3A_797], %swap3A_800 {strides = array<i32>} : memref<128x64xf32, #tpu.memory_space<vmem>>, vector<1x16xf32>,
        %slice3A_801 = vector.extract_strided_slice %get3A_245 {offsets = [9], sizes = [1], strides = [1]} : vector<16xf32> to vector<1xf32>
        %squeeze3A_802 = vector.extract %slice3A_801[0] : f32 from vector<1xf32>
        %add3A_803 = arith.constant 9 : i32
        %add3A_804 = arith.addi %add3A_242, %add3A_803 : i32
        %get3A_805 = arith.index_cast %add3A_804 : i32 to index
        %get3A_806 = arith.constant 0 : index
        %get3A_807 = tpu.vector_load %arg10[%get3A_805, %get3A_806] {strides = array<i32>} : memref<128x64xf32, #tpu.memory_space<vmem>>, vector<1x16xf32>,
        %get3A_808 = vector.shape_cast %get3A_807 : vector<1x16xf32> to vector<16xf32>
        %mul3A_809 = vector.broadcast %squeeze3A_802 : f32 to vector<16xf32>
        %mul3A_810 = arith.mulf %get3A_808, %mul3A_809 : vector<16xf32>
        %add3A_811 = arith.constant 9 : i32
        %add3A_812 = arith.addi %add3A_242, %add3A_811 : i32
        %swap3A_813 = arith.index_cast %add3A_812 : i32 to index
        %swap3A_814 = arith.constant 0 : index
        %swap3A_815 = tpu.vector_load %arg12[%swap3A_813, %swap3A_814] {strides = array<i32>} : memref<128x64xf32, #tpu.memory_space<vmem>>, vector<1x16xf32>,
        %swap3A_816 = vector.shape_cast %swap3A_815 : vector<1x16xf32> to vector<16xf32>
        %swap3A_817 = vector.shape_cast %mul3A_810 : vector<16xf32> to vector<1x16xf32>
        tpu.vector_store %arg12[%swap3A_813, %swap3A_814], %swap3A_817 {strides = array<i32>} : memref<128x64xf32, #tpu.memory_space<vmem>>, vector<1x16xf32>,
        %add3A_818 = arith.constant 9 : i32
        %add3A_819 = arith.addi %add3A_242, %add3A_818 : i32
        %get3A_820 = arith.index_cast %add3A_819 : i32 to index
        %get3A_821 = arith.constant 16 : index
        %get3A_822 = tpu.vector_load %arg10[%get3A_820, %get3A_821] {strides = array<i32>} : memref<128x64xf32, #tpu.memory_space<vmem>>, vector<1x16xf32>,
        %get3A_823 = vector.shape_cast %get3A_822 : vector<1x16xf32> to vector<16xf32>
        %mul3A_824 = vector.broadcast %squeeze3A_802 : f32 to vector<16xf32>
        %mul3A_825 = arith.mulf %get3A_823, %mul3A_824 : vector<16xf32>
        %add3A_826 = arith.constant 9 : i32
        %add3A_827 = arith.addi %add3A_242, %add3A_826 : i32
        %swap3A_828 = arith.index_cast %add3A_827 : i32 to index
        %swap3A_829 = arith.constant 16 : index
        %swap3A_830 = tpu.vector_load %arg12[%swap3A_828, %swap3A_829] {strides = array<i32>} : memref<128x64xf32, #tpu.memory_space<vmem>>, vector<1x16xf32>,
        %swap3A_831 = vector.shape_cast %swap3A_830 : vector<1x16xf32> to vector<16xf32>
        %swap3A_832 = vector.shape_cast %mul3A_825 : vector<16xf32> to vector<1x16xf32>
        tpu.vector_store %arg12[%swap3A_828, %swap3A_829], %swap3A_832 {strides = array<i32>} : memref<128x64xf32, #tpu.memory_space<vmem>>, vector<1x16xf32>,
        %add3A_833 = arith.constant 9 : i32
        %add3A_834 = arith.addi %add3A_242, %add3A_833 : i32
        %get3A_835 = arith.index_cast %add3A_834 : i32 to index
        %get3A_836 = arith.constant 32 : index
        %get3A_837 = tpu.vector_load %arg10[%get3A_835, %get3A_836] {strides = array<i32>} : memref<128x64xf32, #tpu.memory_space<vmem>>, vector<1x16xf32>,
        %get3A_838 = vector.shape_cast %get3A_837 : vector<1x16xf32> to vector<16xf32>
        %mul3A_839 = vector.broadcast %squeeze3A_802 : f32 to vector<16xf32>
        %mul3A_840 = arith.mulf %get3A_838, %mul3A_839 : vector<16xf32>
        %add3A_841 = arith.constant 9 : i32
        %add3A_842 = arith.addi %add3A_242, %add3A_841 : i32
        %swap3A_843 = arith.index_cast %add3A_842 : i32 to index
        %swap3A_844 = arith.constant 32 : index
        %swap3A_845 = tpu.vector_load %arg12[%swap3A_843, %swap3A_844] {strides = array<i32>} : memref<128x64xf32, #tpu.memory_space<vmem>>, vector<1x16xf32>,
        %swap3A_846 = vector.shape_cast %swap3A_845 : vector<1x16xf32> to vector<16xf32>
        %swap3A_847 = vector.shape_cast %mul3A_840 : vector<16xf32> to vector<1x16xf32>
        tpu.vector_store %arg12[%swap3A_843, %swap3A_844], %swap3A_847 {strides = array<i32>} : memref<128x64xf32, #tpu.memory_space<vmem>>, vector<1x16xf32>,
        %add3A_848 = arith.constant 9 : i32
        %add3A_849 = arith.addi %add3A_242, %add3A_848 : i32
        %get3A_850 = arith.index_cast %add3A_849 : i32 to index
        %get3A_851 = arith.constant 48 : index
        %get3A_852 = tpu.vector_load %arg10[%get3A_850, %get3A_851] {strides = array<i32>} : memref<128x64xf32, #tpu.memory_space<vmem>>, vector<1x16xf32>,
        %get3A_853 = vector.shape_cast %get3A_852 : vector<1x16xf32> to vector<16xf32>
        %mul3A_854 = vector.broadcast %squeeze3A_802 : f32 to vector<16xf32>
        %mul3A_855 = arith.mulf %get3A_853, %mul3A_854 : vector<16xf32>
        %add3A_856 = arith.constant 9 : i32
        %add3A_857 = arith.addi %add3A_242, %add3A_856 : i32
        %swap3A_858 = arith.index_cast %add3A_857 : i32 to index
        %swap3A_859 = arith.constant 48 : index
        %swap3A_860 = tpu.vector_load %arg12[%swap3A_858, %swap3A_859] {strides = array<i32>} : memref<128x64xf32, #tpu.memory_space<vmem>>, vector<1x16xf32>,
        %swap3A_861 = vector.shape_cast %swap3A_860 : vector<1x16xf32> to vector<16xf32>
        %swap3A_862 = vector.shape_cast %mul3A_855 : vector<16xf32> to vector<1x16xf32>
        tpu.vector_store %arg12[%swap3A_858, %swap3A_859], %swap3A_862 {strides = array<i32>} : memref<128x64xf32, #tpu.memory_space<vmem>>, vector<1x16xf32>,
        %slice3A_863 = vector.extract_strided_slice %get3A_245 {offsets = [10], sizes = [1], strides = [1]} : vector<16xf32> to vector<1xf32>
        %squeeze3A_864 = vector.extract %slice3A_863[0] : f32 from vector<1xf32>
        %add3A_865 = arith.constant 10 : i32
        %add3A_866 = arith.addi %add3A_242, %add3A_865 : i32
        %get3A_867 = arith.index_cast %add3A_866 : i32 to index
        %get3A_868 = arith.constant 0 : index
        %get3A_869 = tpu.vector_load %arg10[%get3A_867, %get3A_868] {strides = array<i32>} : memref<128x64xf32, #tpu.memory_space<vmem>>, vector<1x16xf32>,
        %get3A_870 = vector.shape_cast %get3A_869 : vector<1x16xf32> to vector<16xf32>
        %mul3A_871 = vector.broadcast %squeeze3A_864 : f32 to vector<16xf32>
        %mul3A_872 = arith.mulf %get3A_870, %mul3A_871 : vector<16xf32>
        %add3A_873 = arith.constant 10 : i32
        %add3A_874 = arith.addi %add3A_242, %add3A_873 : i32
        %swap3A_875 = arith.index_cast %add3A_874 : i32 to index
        %swap3A_876 = arith.constant 0 : index
        %swap3A_877 = tpu.vector_load %arg12[%swap3A_875, %swap3A_876] {strides = array<i32>} : memref<128x64xf32, #tpu.memory_space<vmem>>, vector<1x16xf32>,
        %swap3A_878 = vector.shape_cast %swap3A_877 : vector<1x16xf32> to vector<16xf32>
        %swap3A_879 = vector.shape_cast %mul3A_872 : vector<16xf32> to vector<1x16xf32>
        tpu.vector_store %arg12[%swap3A_875, %swap3A_876], %swap3A_879 {strides = array<i32>} : memref<128x64xf32, #tpu.memory_space<vmem>>, vector<1x16xf32>,
        %add3A_880 = arith.constant 10 : i32
        %add3A_881 = arith.addi %add3A_242, %add3A_880 : i32
        %get3A_882 = arith.index_cast %add3A_881 : i32 to index
        %get3A_883 = arith.constant 16 : index
        %get3A_884 = tpu.vector_load %arg10[%get3A_882, %get3A_883] {strides = array<i32>} : memref<128x64xf32, #tpu.memory_space<vmem>>, vector<1x16xf32>,
        %get3A_885 = vector.shape_cast %get3A_884 : vector<1x16xf32> to vector<16xf32>
        %mul3A_886 = vector.broadcast %squeeze3A_864 : f32 to vector<16xf32>
        %mul3A_887 = arith.mulf %get3A_885, %mul3A_886 : vector<16xf32>
        %add3A_888 = arith.constant 10 : i32
        %add3A_889 = arith.addi %add3A_242, %add3A_888 : i32
        %swap3A_890 = arith.index_cast %add3A_889 : i32 to index
        %swap3A_891 = arith.constant 16 : index
        %swap3A_892 = tpu.vector_load %arg12[%swap3A_890, %swap3A_891] {strides = array<i32>} : memref<128x64xf32, #tpu.memory_space<vmem>>, vector<1x16xf32>,
        %swap3A_893 = vector.shape_cast %swap3A_892 : vector<1x16xf32> to vector<16xf32>
        %swap3A_894 = vector.shape_cast %mul3A_887 : vector<16xf32> to vector<1x16xf32>
        tpu.vector_store %arg12[%swap3A_890, %swap3A_891], %swap3A_894 {strides = array<i32>} : memref<128x64xf32, #tpu.memory_space<vmem>>, vector<1x16xf32>,
        %add3A_895 = arith.constant 10 : i32
        %add3A_896 = arith.addi %add3A_242, %add3A_895 : i32
        %get3A_897 = arith.index_cast %add3A_896 : i32 to index
        %get3A_898 = arith.constant 32 : index
        %get3A_899 = tpu.vector_load %arg10[%get3A_897, %get3A_898] {strides = array<i32>} : memref<128x64xf32, #tpu.memory_space<vmem>>, vector<1x16xf32>,
        %get3A_900 = vector.shape_cast %get3A_899 : vector<1x16xf32> to vector<16xf32>
        %mul3A_901 = vector.broadcast %squeeze3A_864 : f32 to vector<16xf32>
        %mul3A_902 = arith.mulf %get3A_900, %mul3A_901 : vector<16xf32>
        %add3A_903 = arith.constant 10 : i32
        %add3A_904 = arith.addi %add3A_242, %add3A_903 : i32
        %swap3A_905 = arith.index_cast %add3A_904 : i32 to index
        %swap3A_906 = arith.constant 32 : index
        %swap3A_907 = tpu.vector_load %arg12[%swap3A_905, %swap3A_906] {strides = array<i32>} : memref<128x64xf32, #tpu.memory_space<vmem>>, vector<1x16xf32>,
        %swap3A_908 = vector.shape_cast %swap3A_907 : vector<1x16xf32> to vector<16xf32>
        %swap3A_909 = vector.shape_cast %mul3A_902 : vector<16xf32> to vector<1x16xf32>
        tpu.vector_store %arg12[%swap3A_905, %swap3A_906], %swap3A_909 {strides = array<i32>} : memref<128x64xf32, #tpu.memory_space<vmem>>, vector<1x16xf32>,
        %add3A_910 = arith.constant 10 : i32
        %add3A_911 = arith.addi %add3A_242, %add3A_910 : i32
        %get3A_912 = arith.index_cast %add3A_911 : i32 to index
        %get3A_913 = arith.constant 48 : index
        %get3A_914 = tpu.vector_load %arg10[%get3A_912, %get3A_913] {strides = array<i32>} : memref<128x64xf32, #tpu.memory_space<vmem>>, vector<1x16xf32>,
        %get3A_915 = vector.shape_cast %get3A_914 : vector<1x16xf32> to vector<16xf32>
        %mul3A_916 = vector.broadcast %squeeze3A_864 : f32 to vector<16xf32>
        %mul3A_917 = arith.mulf %get3A_915, %mul3A_916 : vector<16xf32>
        %add3A_918 = arith.constant 10 : i32
        %add3A_919 = arith.addi %add3A_242, %add3A_918 : i32
        %swap3A_920 = arith.index_cast %add3A_919 : i32 to index
        %swap3A_921 = arith.constant 48 : index
        %swap3A_922 = tpu.vector_load %arg12[%swap3A_920, %swap3A_921] {strides = array<i32>} : memref<128x64xf32, #tpu.memory_space<vmem>>, vector<1x16xf32>,
        %swap3A_923 = vector.shape_cast %swap3A_922 : vector<1x16xf32> to vector<16xf32>
        %swap3A_924 = vector.shape_cast %mul3A_917 : vector<16xf32> to vector<1x16xf32>
        tpu.vector_store %arg12[%swap3A_920, %swap3A_921], %swap3A_924 {strides = array<i32>} : memref<128x64xf32, #tpu.memory_space<vmem>>, vector<1x16xf32>,
        %slice3A_925 = vector.extract_strided_slice %get3A_245 {offsets = [11], sizes = [1], strides = [1]} : vector<16xf32> to vector<1xf32>
        %squeeze3A_926 = vector.extract %slice3A_925[0] : f32 from vector<1xf32>
        %add3A_927 = arith.constant 11 : i32
        %add3A_928 = arith.addi %add3A_242, %add3A_927 : i32
        %get3A_929 = arith.index_cast %add3A_928 : i32 to index
        %get3A_930 = arith.constant 0 : index
        %get3A_931 = tpu.vector_load %arg10[%get3A_929, %get3A_930] {strides = array<i32>} : memref<128x64xf32, #tpu.memory_space<vmem>>, vector<1x16xf32>,
        %get3A_932 = vector.shape_cast %get3A_931 : vector<1x16xf32> to vector<16xf32>
        %mul3A_933 = vector.broadcast %squeeze3A_926 : f32 to vector<16xf32>
        %mul3A_934 = arith.mulf %get3A_932, %mul3A_933 : vector<16xf32>
        %add3A_935 = arith.constant 11 : i32
        %add3A_936 = arith.addi %add3A_242, %add3A_935 : i32
        %swap3A_937 = arith.index_cast %add3A_936 : i32 to index
        %swap3A_938 = arith.constant 0 : index
        %swap3A_939 = tpu.vector_load %arg12[%swap3A_937, %swap3A_938] {strides = array<i32>} : memref<128x64xf32, #tpu.memory_space<vmem>>, vector<1x16xf32>,
        %swap3A_940 = vector.shape_cast %swap3A_939 : vector<1x16xf32> to vector<16xf32>
        %swap3A_941 = vector.shape_cast %mul3A_934 : vector<16xf32> to vector<1x16xf32>
        tpu.vector_store %arg12[%swap3A_937, %swap3A_938], %swap3A_941 {strides = array<i32>} : memref<128x64xf32, #tpu.memory_space<vmem>>, vector<1x16xf32>,
        %add3A_942 = arith.constant 11 : i32
        %add3A_943 = arith.addi %add3A_242, %add3A_942 : i32
        %get3A_944 = arith.index_cast %add3A_943 : i32 to index
        %get3A_945 = arith.constant 16 : index
        %get3A_946 = tpu.vector_load %arg10[%get3A_944, %get3A_945] {strides = array<i32>} : memref<128x64xf32, #tpu.memory_space<vmem>>, vector<1x16xf32>,
        %get3A_947 = vector.shape_cast %get3A_946 : vector<1x16xf32> to vector<16xf32>
        %mul3A_948 = vector.broadcast %squeeze3A_926 : f32 to vector<16xf32>
        %mul3A_949 = arith.mulf %get3A_947, %mul3A_948 : vector<16xf32>
        %add3A_950 = arith.constant 11 : i32
        %add3A_951 = arith.addi %add3A_242, %add3A_950 : i32
        %swap3A_952 = arith.index_cast %add3A_951 : i32 to index
        %swap3A_953 = arith.constant 16 : index
        %swap3A_954 = tpu.vector_load %arg12[%swap3A_952, %swap3A_953] {strides = array<i32>} : memref<128x64xf32, #tpu.memory_space<vmem>>, vector<1x16xf32>,
        %swap3A_955 = vector.shape_cast %swap3A_954 : vector<1x16xf32> to vector<16xf32>
        %swap3A_956 = vector.shape_cast %mul3A_949 : vector<16xf32> to vector<1x16xf32>
        tpu.vector_store %arg12[%swap3A_952, %swap3A_953], %swap3A_956 {strides = array<i32>} : memref<128x64xf32, #tpu.memory_space<vmem>>, vector<1x16xf32>,
        %add3A_957 = arith.constant 11 : i32
        %add3A_958 = arith.addi %add3A_242, %add3A_957 : i32
        %get3A_959 = arith.index_cast %add3A_958 : i32 to index
        %get3A_960 = arith.constant 32 : index
        %get3A_961 = tpu.vector_load %arg10[%get3A_959, %get3A_960] {strides = array<i32>} : memref<128x64xf32, #tpu.memory_space<vmem>>, vector<1x16xf32>,
        %get3A_962 = vector.shape_cast %get3A_961 : vector<1x16xf32> to vector<16xf32>
        %mul3A_963 = vector.broadcast %squeeze3A_926 : f32 to vector<16xf32>
        %mul3A_964 = arith.mulf %get3A_962, %mul3A_963 : vector<16xf32>
        %add3A_965 = arith.constant 11 : i32
        %add3A_966 = arith.addi %add3A_242, %add3A_965 : i32
        %swap3A_967 = arith.index_cast %add3A_966 : i32 to index
        %swap3A_968 = arith.constant 32 : index
        %swap3A_969 = tpu.vector_load %arg12[%swap3A_967, %swap3A_968] {strides = array<i32>} : memref<128x64xf32, #tpu.memory_space<vmem>>, vector<1x16xf32>,
        %swap3A_970 = vector.shape_cast %swap3A_969 : vector<1x16xf32> to vector<16xf32>
        %swap3A_971 = vector.shape_cast %mul3A_964 : vector<16xf32> to vector<1x16xf32>
        tpu.vector_store %arg12[%swap3A_967, %swap3A_968], %swap3A_971 {strides = array<i32>} : memref<128x64xf32, #tpu.memory_space<vmem>>, vector<1x16xf32>,
        %add3A_972 = arith.constant 11 : i32
        %add3A_973 = arith.addi %add3A_242, %add3A_972 : i32
        %get3A_974 = arith.index_cast %add3A_973 : i32 to index
        %get3A_975 = arith.constant 48 : index
        %get3A_976 = tpu.vector_load %arg10[%get3A_974, %get3A_975] {strides = array<i32>} : memref<128x64xf32, #tpu.memory_space<vmem>>, vector<1x16xf32>,
        %get3A_977 = vector.shape_cast %get3A_976 : vector<1x16xf32> to vector<16xf32>
        %mul3A_978 = vector.broadcast %squeeze3A_926 : f32 to vector<16xf32>
        %mul3A_979 = arith.mulf %get3A_977, %mul3A_978 : vector<16xf32>
        %add3A_980 = arith.constant 11 : i32
        %add3A_981 = arith.addi %add3A_242, %add3A_980 : i32
        %swap3A_982 = arith.index_cast %add3A_981 : i32 to index
        %swap3A_983 = arith.constant 48 : index
        %swap3A_984 = tpu.vector_load %arg12[%swap3A_982, %swap3A_983] {strides = array<i32>} : memref<128x64xf32, #tpu.memory_space<vmem>>, vector<1x16xf32>,
        %swap3A_985 = vector.shape_cast %swap3A_984 : vector<1x16xf32> to vector<16xf32>
        %swap3A_986 = vector.shape_cast %mul3A_979 : vector<16xf32> to vector<1x16xf32>
        tpu.vector_store %arg12[%swap3A_982, %swap3A_983], %swap3A_986 {strides = array<i32>} : memref<128x64xf32, #tpu.memory_space<vmem>>, vector<1x16xf32>,
        %slice3A_987 = vector.extract_strided_slice %get3A_245 {offsets = [12], sizes = [1], strides = [1]} : vector<16xf32> to vector<1xf32>
        %squeeze3A_988 = vector.extract %slice3A_987[0] : f32 from vector<1xf32>
        %add3A_989 = arith.constant 12 : i32
        %add3A_990 = arith.addi %add3A_242, %add3A_989 : i32
        %get3A_991 = arith.index_cast %add3A_990 : i32 to index
        %get3A_992 = arith.constant 0 : index
        %get3A_993 = tpu.vector_load %arg10[%get3A_991, %get3A_992] {strides = array<i32>} : memref<128x64xf32, #tpu.memory_space<vmem>>, vector<1x16xf32>,
        %get3A_994 = vector.shape_cast %get3A_993 : vector<1x16xf32> to vector<16xf32>
        %mul3A_995 = vector.broadcast %squeeze3A_988 : f32 to vector<16xf32>
        %mul3A_996 = arith.mulf %get3A_994, %mul3A_995 : vector<16xf32>
        %add3A_997 = arith.constant 12 : i32
        %add3A_998 = arith.addi %add3A_242, %add3A_997 : i32
        %swap3A_999 = arith.index_cast %add3A_998 : i32 to index
        %swap3A_1000 = arith.constant 0 : index
        %swap3A_1001 = tpu.vector_load %arg12[%swap3A_999, %swap3A_1000] {strides = array<i32>} : memref<128x64xf32, #tpu.memory_space<vmem>>, vector<1x16xf32>,
        %swap3A_1002 = vector.shape_cast %swap3A_1001 : vector<1x16xf32> to vector<16xf32>
        %swap3A_1003 = vector.shape_cast %mul3A_996 : vector<16xf32> to vector<1x16xf32>
        tpu.vector_store %arg12[%swap3A_999, %swap3A_1000], %swap3A_1003 {strides = array<i32>} : memref<128x64xf32, #tpu.memory_space<vmem>>, vector<1x16xf32>,
        %add3A_1004 = arith.constant 12 : i32
        %add3A_1005 = arith.addi %add3A_242, %add3A_1004 : i32
        %get3A_1006 = arith.index_cast %add3A_1005 : i32 to index
        %get3A_1007 = arith.constant 16 : index
        %get3A_1008 = tpu.vector_load %arg10[%get3A_1006, %get3A_1007] {strides = array<i32>} : memref<128x64xf32, #tpu.memory_space<vmem>>, vector<1x16xf32>,
        %get3A_1009 = vector.shape_cast %get3A_1008 : vector<1x16xf32> to vector<16xf32>
        %mul3A_1010 = vector.broadcast %squeeze3A_988 : f32 to vector<16xf32>
        %mul3A_1011 = arith.mulf %get3A_1009, %mul3A_1010 : vector<16xf32>
        %add3A_1012 = arith.constant 12 : i32
        %add3A_1013 = arith.addi %add3A_242, %add3A_1012 : i32
        %swap3A_1014 = arith.index_cast %add3A_1013 : i32 to index
        %swap3A_1015 = arith.constant 16 : index
        %swap3A_1016 = tpu.vector_load %arg12[%swap3A_1014, %swap3A_1015] {strides = array<i32>} : memref<128x64xf32, #tpu.memory_space<vmem>>, vector<1x16xf32>,
        %swap3A_1017 = vector.shape_cast %swap3A_1016 : vector<1x16xf32> to vector<16xf32>
        %swap3A_1018 = vector.shape_cast %mul3A_1011 : vector<16xf32> to vector<1x16xf32>
        tpu.vector_store %arg12[%swap3A_1014, %swap3A_1015], %swap3A_1018 {strides = array<i32>} : memref<128x64xf32, #tpu.memory_space<vmem>>, vector<1x16xf32>,
        %add3A_1019 = arith.constant 12 : i32
        %add3A_1020 = arith.addi %add3A_242, %add3A_1019 : i32
        %get3A_1021 = arith.index_cast %add3A_1020 : i32 to index
        %get3A_1022 = arith.constant 32 : index
        %get3A_1023 = tpu.vector_load %arg10[%get3A_1021, %get3A_1022] {strides = array<i32>} : memref<128x64xf32, #tpu.memory_space<vmem>>, vector<1x16xf32>,
        %get3A_1024 = vector.shape_cast %get3A_1023 : vector<1x16xf32> to vector<16xf32>
        %mul3A_1025 = vector.broadcast %squeeze3A_988 : f32 to vector<16xf32>
        %mul3A_1026 = arith.mulf %get3A_1024, %mul3A_1025 : vector<16xf32>
        %add3A_1027 = arith.constant 12 : i32
        %add3A_1028 = arith.addi %add3A_242, %add3A_1027 : i32
        %swap3A_1029 = arith.index_cast %add3A_1028 : i32 to index
        %swap3A_1030 = arith.constant 32 : index
        %swap3A_1031 = tpu.vector_load %arg12[%swap3A_1029, %swap3A_1030] {strides = array<i32>} : memref<128x64xf32, #tpu.memory_space<vmem>>, vector<1x16xf32>,
        %swap3A_1032 = vector.shape_cast %swap3A_1031 : vector<1x16xf32> to vector<16xf32>
        %swap3A_1033 = vector.shape_cast %mul3A_1026 : vector<16xf32> to vector<1x16xf32>
        tpu.vector_store %arg12[%swap3A_1029, %swap3A_1030], %swap3A_1033 {strides = array<i32>} : memref<128x64xf32, #tpu.memory_space<vmem>>, vector<1x16xf32>,
        %add3A_1034 = arith.constant 12 : i32
        %add3A_1035 = arith.addi %add3A_242, %add3A_1034 : i32
        %get3A_1036 = arith.index_cast %add3A_1035 : i32 to index
        %get3A_1037 = arith.constant 48 : index
        %get3A_1038 = tpu.vector_load %arg10[%get3A_1036, %get3A_1037] {strides = array<i32>} : memref<128x64xf32, #tpu.memory_space<vmem>>, vector<1x16xf32>,
        %get3A_1039 = vector.shape_cast %get3A_1038 : vector<1x16xf32> to vector<16xf32>
        %mul3A_1040 = vector.broadcast %squeeze3A_988 : f32 to vector<16xf32>
        %mul3A_1041 = arith.mulf %get3A_1039, %mul3A_1040 : vector<16xf32>
        %add3A_1042 = arith.constant 12 : i32
        %add3A_1043 = arith.addi %add3A_242, %add3A_1042 : i32
        %swap3A_1044 = arith.index_cast %add3A_1043 : i32 to index
        %swap3A_1045 = arith.constant 48 : index
        %swap3A_1046 = tpu.vector_load %arg12[%swap3A_1044, %swap3A_1045] {strides = array<i32>} : memref<128x64xf32, #tpu.memory_space<vmem>>, vector<1x16xf32>,
        %swap3A_1047 = vector.shape_cast %swap3A_1046 : vector<1x16xf32> to vector<16xf32>
        %swap3A_1048 = vector.shape_cast %mul3A_1041 : vector<16xf32> to vector<1x16xf32>
        tpu.vector_store %arg12[%swap3A_1044, %swap3A_1045], %swap3A_1048 {strides = array<i32>} : memref<128x64xf32, #tpu.memory_space<vmem>>, vector<1x16xf32>,
        %slice3A_1049 = vector.extract_strided_slice %get3A_245 {offsets = [13], sizes = [1], strides = [1]} : vector<16xf32> to vector<1xf32>
        %squeeze3A_1050 = vector.extract %slice3A_1049[0] : f32 from vector<1xf32>
        %add3A_1051 = arith.constant 13 : i32
        %add3A_1052 = arith.addi %add3A_242, %add3A_1051 : i32
        %get3A_1053 = arith.index_cast %add3A_1052 : i32 to index
        %get3A_1054 = arith.constant 0 : index
        %get3A_1055 = tpu.vector_load %arg10[%get3A_1053, %get3A_1054] {strides = array<i32>} : memref<128x64xf32, #tpu.memory_space<vmem>>, vector<1x16xf32>,
        %get3A_1056 = vector.shape_cast %get3A_1055 : vector<1x16xf32> to vector<16xf32>
        %mul3A_1057 = vector.broadcast %squeeze3A_1050 : f32 to vector<16xf32>
        %mul3A_1058 = arith.mulf %get3A_1056, %mul3A_1057 : vector<16xf32>
        %add3A_1059 = arith.constant 13 : i32
        %add3A_1060 = arith.addi %add3A_242, %add3A_1059 : i32
        %swap3A_1061 = arith.index_cast %add3A_1060 : i32 to index
        %swap3A_1062 = arith.constant 0 : index
        %swap3A_1063 = tpu.vector_load %arg12[%swap3A_1061, %swap3A_1062] {strides = array<i32>} : memref<128x64xf32, #tpu.memory_space<vmem>>, vector<1x16xf32>,
        %swap3A_1064 = vector.shape_cast %swap3A_1063 : vector<1x16xf32> to vector<16xf32>
        %swap3A_1065 = vector.shape_cast %mul3A_1058 : vector<16xf32> to vector<1x16xf32>
        tpu.vector_store %arg12[%swap3A_1061, %swap3A_1062], %swap3A_1065 {strides = array<i32>} : memref<128x64xf32, #tpu.memory_space<vmem>>, vector<1x16xf32>,
        %add3A_1066 = arith.constant 13 : i32
        %add3A_1067 = arith.addi %add3A_242, %add3A_1066 : i32
        %get3A_1068 = arith.index_cast %add3A_1067 : i32 to index
        %get3A_1069 = arith.constant 16 : index
        %get3A_1070 = tpu.vector_load %arg10[%get3A_1068, %get3A_1069] {strides = array<i32>} : memref<128x64xf32, #tpu.memory_space<vmem>>, vector<1x16xf32>,
        %get3A_1071 = vector.shape_cast %get3A_1070 : vector<1x16xf32> to vector<16xf32>
        %mul3A_1072 = vector.broadcast %squeeze3A_1050 : f32 to vector<16xf32>
        %mul3A_1073 = arith.mulf %get3A_1071, %mul3A_1072 : vector<16xf32>
        %add3A_1074 = arith.constant 13 : i32
        %add3A_1075 = arith.addi %add3A_242, %add3A_1074 : i32
        %swap3A_1076 = arith.index_cast %add3A_1075 : i32 to index
        %swap3A_1077 = arith.constant 16 : index
        %swap3A_1078 = tpu.vector_load %arg12[%swap3A_1076, %swap3A_1077] {strides = array<i32>} : memref<128x64xf32, #tpu.memory_space<vmem>>, vector<1x16xf32>,
        %swap3A_1079 = vector.shape_cast %swap3A_1078 : vector<1x16xf32> to vector<16xf32>
        %swap3A_1080 = vector.shape_cast %mul3A_1073 : vector<16xf32> to vector<1x16xf32>
        tpu.vector_store %arg12[%swap3A_1076, %swap3A_1077], %swap3A_1080 {strides = array<i32>} : memref<128x64xf32, #tpu.memory_space<vmem>>, vector<1x16xf32>,
        %add3A_1081 = arith.constant 13 : i32
        %add3A_1082 = arith.addi %add3A_242, %add3A_1081 : i32
        %get3A_1083 = arith.index_cast %add3A_1082 : i32 to index
        %get3A_1084 = arith.constant 32 : index
        %get3A_1085 = tpu.vector_load %arg10[%get3A_1083, %get3A_1084] {strides = array<i32>} : memref<128x64xf32, #tpu.memory_space<vmem>>, vector<1x16xf32>,
        %get3A_1086 = vector.shape_cast %get3A_1085 : vector<1x16xf32> to vector<16xf32>
        %mul3A_1087 = vector.broadcast %squeeze3A_1050 : f32 to vector<16xf32>
        %mul3A_1088 = arith.mulf %get3A_1086, %mul3A_1087 : vector<16xf32>
        %add3A_1089 = arith.constant 13 : i32
        %add3A_1090 = arith.addi %add3A_242, %add3A_1089 : i32
        %swap3A_1091 = arith.index_cast %add3A_1090 : i32 to index
        %swap3A_1092 = arith.constant 32 : index
        %swap3A_1093 = tpu.vector_load %arg12[%swap3A_1091, %swap3A_1092] {strides = array<i32>} : memref<128x64xf32, #tpu.memory_space<vmem>>, vector<1x16xf32>,
        %swap3A_1094 = vector.shape_cast %swap3A_1093 : vector<1x16xf32> to vector<16xf32>
        %swap3A_1095 = vector.shape_cast %mul3A_1088 : vector<16xf32> to vector<1x16xf32>
        tpu.vector_store %arg12[%swap3A_1091, %swap3A_1092], %swap3A_1095 {strides = array<i32>} : memref<128x64xf32, #tpu.memory_space<vmem>>, vector<1x16xf32>,
        %add3A_1096 = arith.constant 13 : i32
        %add3A_1097 = arith.addi %add3A_242, %add3A_1096 : i32
        %get3A_1098 = arith.index_cast %add3A_1097 : i32 to index
        %get3A_1099 = arith.constant 48 : index
        %get3A_1100 = tpu.vector_load %arg10[%get3A_1098, %get3A_1099] {strides = array<i32>} : memref<128x64xf32, #tpu.memory_space<vmem>>, vector<1x16xf32>,
        %get3A_1101 = vector.shape_cast %get3A_1100 : vector<1x16xf32> to vector<16xf32>
        %mul3A_1102 = vector.broadcast %squeeze3A_1050 : f32 to vector<16xf32>
        %mul3A_1103 = arith.mulf %get3A_1101, %mul3A_1102 : vector<16xf32>
        %add3A_1104 = arith.constant 13 : i32
        %add3A_1105 = arith.addi %add3A_242, %add3A_1104 : i32
        %swap3A_1106 = arith.index_cast %add3A_1105 : i32 to index
        %swap3A_1107 = arith.constant 48 : index
        %swap3A_1108 = tpu.vector_load %arg12[%swap3A_1106, %swap3A_1107] {strides = array<i32>} : memref<128x64xf32, #tpu.memory_space<vmem>>, vector<1x16xf32>,
        %swap3A_1109 = vector.shape_cast %swap3A_1108 : vector<1x16xf32> to vector<16xf32>
        %swap3A_1110 = vector.shape_cast %mul3A_1103 : vector<16xf32> to vector<1x16xf32>
        tpu.vector_store %arg12[%swap3A_1106, %swap3A_1107], %swap3A_1110 {strides = array<i32>} : memref<128x64xf32, #tpu.memory_space<vmem>>, vector<1x16xf32>,
        %slice3A_1111 = vector.extract_strided_slice %get3A_245 {offsets = [14], sizes = [1], strides = [1]} : vector<16xf32> to vector<1xf32>
        %squeeze3A_1112 = vector.extract %slice3A_1111[0] : f32 from vector<1xf32>
        %add3A_1113 = arith.constant 14 : i32
        %add3A_1114 = arith.addi %add3A_242, %add3A_1113 : i32
        %get3A_1115 = arith.index_cast %add3A_1114 : i32 to index
        %get3A_1116 = arith.constant 0 : index
        %get3A_1117 = tpu.vector_load %arg10[%get3A_1115, %get3A_1116] {strides = array<i32>} : memref<128x64xf32, #tpu.memory_space<vmem>>, vector<1x16xf32>,
        %get3A_1118 = vector.shape_cast %get3A_1117 : vector<1x16xf32> to vector<16xf32>
        %mul3A_1119 = vector.broadcast %squeeze3A_1112 : f32 to vector<16xf32>
        %mul3A_1120 = arith.mulf %get3A_1118, %mul3A_1119 : vector<16xf32>
        %add3A_1121 = arith.constant 14 : i32
        %add3A_1122 = arith.addi %add3A_242, %add3A_1121 : i32
        %swap3A_1123 = arith.index_cast %add3A_1122 : i32 to index
        %swap3A_1124 = arith.constant 0 : index
        %swap3A_1125 = tpu.vector_load %arg12[%swap3A_1123, %swap3A_1124] {strides = array<i32>} : memref<128x64xf32, #tpu.memory_space<vmem>>, vector<1x16xf32>,
        %swap3A_1126 = vector.shape_cast %swap3A_1125 : vector<1x16xf32> to vector<16xf32>
        %swap3A_1127 = vector.shape_cast %mul3A_1120 : vector<16xf32> to vector<1x16xf32>
        tpu.vector_store %arg12[%swap3A_1123, %swap3A_1124], %swap3A_1127 {strides = array<i32>} : memref<128x64xf32, #tpu.memory_space<vmem>>, vector<1x16xf32>,
        %add3A_1128 = arith.constant 14 : i32
        %add3A_1129 = arith.addi %add3A_242, %add3A_1128 : i32
        %get3A_1130 = arith.index_cast %add3A_1129 : i32 to index
        %get3A_1131 = arith.constant 16 : index
        %get3A_1132 = tpu.vector_load %arg10[%get3A_1130, %get3A_1131] {strides = array<i32>} : memref<128x64xf32, #tpu.memory_space<vmem>>, vector<1x16xf32>,
        %get3A_1133 = vector.shape_cast %get3A_1132 : vector<1x16xf32> to vector<16xf32>
        %mul3A_1134 = vector.broadcast %squeeze3A_1112 : f32 to vector<16xf32>
        %mul3A_1135 = arith.mulf %get3A_1133, %mul3A_1134 : vector<16xf32>
        %add3A_1136 = arith.constant 14 : i32
        %add3A_1137 = arith.addi %add3A_242, %add3A_1136 : i32
        %swap3A_1138 = arith.index_cast %add3A_1137 : i32 to index
        %swap3A_1139 = arith.constant 16 : index
        %swap3A_1140 = tpu.vector_load %arg12[%swap3A_1138, %swap3A_1139] {strides = array<i32>} : memref<128x64xf32, #tpu.memory_space<vmem>>, vector<1x16xf32>,
        %swap3A_1141 = vector.shape_cast %swap3A_1140 : vector<1x16xf32> to vector<16xf32>
        %swap3A_1142 = vector.shape_cast %mul3A_1135 : vector<16xf32> to vector<1x16xf32>
        tpu.vector_store %arg12[%swap3A_1138, %swap3A_1139], %swap3A_1142 {strides = array<i32>} : memref<128x64xf32, #tpu.memory_space<vmem>>, vector<1x16xf32>,
        %add3A_1143 = arith.constant 14 : i32
        %add3A_1144 = arith.addi %add3A_242, %add3A_1143 : i32
        %get3A_1145 = arith.index_cast %add3A_1144 : i32 to index
        %get3A_1146 = arith.constant 32 : index
        %get3A_1147 = tpu.vector_load %arg10[%get3A_1145, %get3A_1146] {strides = array<i32>} : memref<128x64xf32, #tpu.memory_space<vmem>>, vector<1x16xf32>,
        %get3A_1148 = vector.shape_cast %get3A_1147 : vector<1x16xf32> to vector<16xf32>
        %mul3A_1149 = vector.broadcast %squeeze3A_1112 : f32 to vector<16xf32>
        %mul3A_1150 = arith.mulf %get3A_1148, %mul3A_1149 : vector<16xf32>
        %add3A_1151 = arith.constant 14 : i32
        %add3A_1152 = arith.addi %add3A_242, %add3A_1151 : i32
        %swap3A_1153 = arith.index_cast %add3A_1152 : i32 to index
        %swap3A_1154 = arith.constant 32 : index
        %swap3A_1155 = tpu.vector_load %arg12[%swap3A_1153, %swap3A_1154] {strides = array<i32>} : memref<128x64xf32, #tpu.memory_space<vmem>>, vector<1x16xf32>,
        %swap3A_1156 = vector.shape_cast %swap3A_1155 : vector<1x16xf32> to vector<16xf32>
        %swap3A_1157 = vector.shape_cast %mul3A_1150 : vector<16xf32> to vector<1x16xf32>
        tpu.vector_store %arg12[%swap3A_1153, %swap3A_1154], %swap3A_1157 {strides = array<i32>} : memref<128x64xf32, #tpu.memory_space<vmem>>, vector<1x16xf32>,
        %add3A_1158 = arith.constant 14 : i32
        %add3A_1159 = arith.addi %add3A_242, %add3A_1158 : i32
        %get3A_1160 = arith.index_cast %add3A_1159 : i32 to index
        %get3A_1161 = arith.constant 48 : index
        %get3A_1162 = tpu.vector_load %arg10[%get3A_1160, %get3A_1161] {strides = array<i32>} : memref<128x64xf32, #tpu.memory_space<vmem>>, vector<1x16xf32>,
        %get3A_1163 = vector.shape_cast %get3A_1162 : vector<1x16xf32> to vector<16xf32>
        %mul3A_1164 = vector.broadcast %squeeze3A_1112 : f32 to vector<16xf32>
        %mul3A_1165 = arith.mulf %get3A_1163, %mul3A_1164 : vector<16xf32>
        %add3A_1166 = arith.constant 14 : i32
        %add3A_1167 = arith.addi %add3A_242, %add3A_1166 : i32
        %swap3A_1168 = arith.index_cast %add3A_1167 : i32 to index
        %swap3A_1169 = arith.constant 48 : index
        %swap3A_1170 = tpu.vector_load %arg12[%swap3A_1168, %swap3A_1169] {strides = array<i32>} : memref<128x64xf32, #tpu.memory_space<vmem>>, vector<1x16xf32>,
        %swap3A_1171 = vector.shape_cast %swap3A_1170 : vector<1x16xf32> to vector<16xf32>
        %swap3A_1172 = vector.shape_cast %mul3A_1165 : vector<16xf32> to vector<1x16xf32>
        tpu.vector_store %arg12[%swap3A_1168, %swap3A_1169], %swap3A_1172 {strides = array<i32>} : memref<128x64xf32, #tpu.memory_space<vmem>>, vector<1x16xf32>,
        %slice3A_1173 = vector.extract_strided_slice %get3A_245 {offsets = [15], sizes = [1], strides = [1]} : vector<16xf32> to vector<1xf32>
        %squeeze3A_1174 = vector.extract %slice3A_1173[0] : f32 from vector<1xf32>
        %add3A_1175 = arith.constant 15 : i32
        %add3A_1176 = arith.addi %add3A_242, %add3A_1175 : i32
        %get3A_1177 = arith.index_cast %add3A_1176 : i32 to index
        %get3A_1178 = arith.constant 0 : index
        %get3A_1179 = tpu.vector_load %arg10[%get3A_1177, %get3A_1178] {strides = array<i32>} : memref<128x64xf32, #tpu.memory_space<vmem>>, vector<1x16xf32>,
        %get3A_1180 = vector.shape_cast %get3A_1179 : vector<1x16xf32> to vector<16xf32>
        %mul3A_1181 = vector.broadcast %squeeze3A_1174 : f32 to vector<16xf32>
        %mul3A_1182 = arith.mulf %get3A_1180, %mul3A_1181 : vector<16xf32>
        %add3A_1183 = arith.constant 15 : i32
        %add3A_1184 = arith.addi %add3A_242, %add3A_1183 : i32
        %swap3A_1185 = arith.index_cast %add3A_1184 : i32 to index
        %swap3A_1186 = arith.constant 0 : index
        %swap3A_1187 = tpu.vector_load %arg12[%swap3A_1185, %swap3A_1186] {strides = array<i32>} : memref<128x64xf32, #tpu.memory_space<vmem>>, vector<1x16xf32>,
        %swap3A_1188 = vector.shape_cast %swap3A_1187 : vector<1x16xf32> to vector<16xf32>
        %swap3A_1189 = vector.shape_cast %mul3A_1182 : vector<16xf32> to vector<1x16xf32>
        tpu.vector_store %arg12[%swap3A_1185, %swap3A_1186], %swap3A_1189 {strides = array<i32>} : memref<128x64xf32, #tpu.memory_space<vmem>>, vector<1x16xf32>,
        %add3A_1190 = arith.constant 15 : i32
        %add3A_1191 = arith.addi %add3A_242, %add3A_1190 : i32
        %get3A_1192 = arith.index_cast %add3A_1191 : i32 to index
        %get3A_1193 = arith.constant 16 : index
        %get3A_1194 = tpu.vector_load %arg10[%get3A_1192, %get3A_1193] {strides = array<i32>} : memref<128x64xf32, #tpu.memory_space<vmem>>, vector<1x16xf32>,
        %get3A_1195 = vector.shape_cast %get3A_1194 : vector<1x16xf32> to vector<16xf32>
        %mul3A_1196 = vector.broadcast %squeeze3A_1174 : f32 to vector<16xf32>
        %mul3A_1197 = arith.mulf %get3A_1195, %mul3A_1196 : vector<16xf32>
        %add3A_1198 = arith.constant 15 : i32
        %add3A_1199 = arith.addi %add3A_242, %add3A_1198 : i32
        %swap3A_1200 = arith.index_cast %add3A_1199 : i32 to index
        %swap3A_1201 = arith.constant 16 : index
        %swap3A_1202 = tpu.vector_load %arg12[%swap3A_1200, %swap3A_1201] {strides = array<i32>} : memref<128x64xf32, #tpu.memory_space<vmem>>, vector<1x16xf32>,
        %swap3A_1203 = vector.shape_cast %swap3A_1202 : vector<1x16xf32> to vector<16xf32>
        %swap3A_1204 = vector.shape_cast %mul3A_1197 : vector<16xf32> to vector<1x16xf32>
        tpu.vector_store %arg12[%swap3A_1200, %swap3A_1201], %swap3A_1204 {strides = array<i32>} : memref<128x64xf32, #tpu.memory_space<vmem>>, vector<1x16xf32>,
        %add3A_1205 = arith.constant 15 : i32
        %add3A_1206 = arith.addi %add3A_242, %add3A_1205 : i32
        %get3A_1207 = arith.index_cast %add3A_1206 : i32 to index
        %get3A_1208 = arith.constant 32 : index
        %get3A_1209 = tpu.vector_load %arg10[%get3A_1207, %get3A_1208] {strides = array<i32>} : memref<128x64xf32, #tpu.memory_space<vmem>>, vector<1x16xf32>,
        %get3A_1210 = vector.shape_cast %get3A_1209 : vector<1x16xf32> to vector<16xf32>
        %mul3A_1211 = vector.broadcast %squeeze3A_1174 : f32 to vector<16xf32>
        %mul3A_1212 = arith.mulf %get3A_1210, %mul3A_1211 : vector<16xf32>
        %add3A_1213 = arith.constant 15 : i32
        %add3A_1214 = arith.addi %add3A_242, %add3A_1213 : i32
        %swap3A_1215 = arith.index_cast %add3A_1214 : i32 to index
        %swap3A_1216 = arith.constant 32 : index
        %swap3A_1217 = tpu.vector_load %arg12[%swap3A_1215, %swap3A_1216] {strides = array<i32>} : memref<128x64xf32, #tpu.memory_space<vmem>>, vector<1x16xf32>,
        %swap3A_1218 = vector.shape_cast %swap3A_1217 : vector<1x16xf32> to vector<16xf32>
        %swap3A_1219 = vector.shape_cast %mul3A_1212 : vector<16xf32> to vector<1x16xf32>
        tpu.vector_store %arg12[%swap3A_1215, %swap3A_1216], %swap3A_1219 {strides = array<i32>} : memref<128x64xf32, #tpu.memory_space<vmem>>, vector<1x16xf32>,
        %add3A_1220 = arith.constant 15 : i32
        %add3A_1221 = arith.addi %add3A_242, %add3A_1220 : i32
        %get3A_1222 = arith.index_cast %add3A_1221 : i32 to index
        %get3A_1223 = arith.constant 48 : index
        %get3A_1224 = tpu.vector_load %arg10[%get3A_1222, %get3A_1223] {strides = array<i32>} : memref<128x64xf32, #tpu.memory_space<vmem>>, vector<1x16xf32>,
        %get3A_1225 = vector.shape_cast %get3A_1224 : vector<1x16xf32> to vector<16xf32>
        %mul3A_1226 = vector.broadcast %squeeze3A_1174 : f32 to vector<16xf32>
        %mul3A_1227 = arith.mulf %get3A_1225, %mul3A_1226 : vector<16xf32>
        %add3A_1228 = arith.constant 15 : i32
        %add3A_1229 = arith.addi %add3A_242, %add3A_1228 : i32
        %swap3A_1230 = arith.index_cast %add3A_1229 : i32 to index
        %swap3A_1231 = arith.constant 48 : index
        %swap3A_1232 = tpu.vector_load %arg12[%swap3A_1230, %swap3A_1231] {strides = array<i32>} : memref<128x64xf32, #tpu.memory_space<vmem>>, vector<1x16xf32>,
        %swap3A_1233 = vector.shape_cast %swap3A_1232 : vector<1x16xf32> to vector<16xf32>
        %swap3A_1234 = vector.shape_cast %mul3A_1227 : vector<16xf32> to vector<1x16xf32>
        tpu.vector_store %arg12[%swap3A_1230, %swap3A_1231], %swap3A_1234 {strides = array<i32>} : memref<128x64xf32, #tpu.memory_space<vmem>>, vector<1x16xf32>,
      }
      %scan3A_180 = arith.constant 8 : i32
      %dma_start3A_181 = arith.constant 0 : i32
      %dma_start3A_182 = tpu.memref_slice %arg8[%select_n3A_163, %dma_start3A_181] : memref<36x128xi32, #tpu.memory_space<vmem>> -> memref<1x128xi32, #tpu.memory_space<vmem>>
      %dma_start3A_183 = tpu.memref_squeeze %dma_start3A_182 : memref<1x128xi32, #tpu.memory_space<vmem>> -> memref<128xi32, #tpu.memory_space<vmem>>
      %dma_start3A_184 = arith.constant 0 : i32
      %dma_start3A_185 = arith.constant 0 : i32
      %dma_start3A_186 = tpu.memref_slice %arg14[%dma_start3A_184, %dma_start3A_185] : memref<10000x64xf32, #tpu.memory_space<vmem_shared>> -> memref<10000x64xf32, #tpu.memory_space<vmem_shared>>
      tpu.enqueue_indirect_dma source(%arg12 : memref<128x64xf32, #tpu.memory_space<vmem>>) target(%dma_start3A_186 : memref<10000x64xf32, #tpu.memory_space<vmem_shared>>) offsets(%dma_start3A_183 : memref<128xi32, #tpu.memory_space<vmem>>) semaphore(%arg18 : memref<!tpu.dma_semaphore, #tpu.memory_space<semaphore_mem>>) {add = true}
      %lt3A_187 = arith.constant 160 : i32
      %lt3A_188 = arith.cmpi slt, %add3A_80, %lt3A_187 : i32
      %convert_element_type3A_189 = arith.extui %lt3A_188 : i1 to i32
      %cond3A_190 = arith.constant 0 : i32
      %cond3A_191 = arith.cmpi ne, %convert_element_type3A_189, %cond3A_190 : i32
      scf.if %cond3A_191 {
        %add3A_238 = arith.constant 2 : i32
        %add3A_239 = arith.addi %add3A_147, %add3A_238 : i32
        %jit3A_240 = arith.constant 36 : i32
        %eq3A_241 = arith.constant 0 : i32
        %eq3A_242 = arith.cmpi eq, %jit3A_240, %eq3A_241 : i32
        %jit3A_243 = arith.constant 1 : i32
        %select_n3A_244 = arith.select %eq3A_242, %jit3A_243, %jit3A_240 : i32
        %rem3A_245 = arith.remsi %add3A_239, %select_n3A_244 : i32
        %ne3A_246 = arith.constant 0 : i32
        %ne3A_247 = arith.cmpi ne, %rem3A_245, %ne3A_246 : i32
        %lt3A_248 = arith.constant 0 : i32
        %lt3A_249 = arith.cmpi slt, %rem3A_245, %lt3A_248 : i32
        %lt3A_250 = arith.constant 0 : i32
        %lt3A_251 = arith.cmpi slt, %select_n3A_244, %lt3A_250 : i32
        %ne3A_252 = arith.xori %lt3A_249, %lt3A_251 : i1
        %and3A_253 = arith.andi %ne3A_252, %ne3A_247 : i1
        %add3A_254 = arith.addi %rem3A_245, %select_n3A_244 : i32
        %select_n3A_255 = arith.select %and3A_253, %add3A_254, %rem3A_245 : i32
        %dma_start3A_256 = arith.constant 0 : i32
        %dma_start3A_257 = tpu.memref_slice %arg7[%select_n3A_255, %dma_start3A_256] : memref<36x128xi32, #tpu.memory_space<vmem>> -> memref<1x128xi32, #tpu.memory_space<vmem>>
        %dma_start3A_258 = tpu.memref_squeeze %dma_start3A_257 : memref<1x128xi32, #tpu.memory_space<vmem>> -> memref<128xi32, #tpu.memory_space<vmem>>
        %dma_start3A_259 = arith.constant 0 : i32
        %dma_start3A_260 = arith.constant 0 : i32
        %dma_start3A_261 = tpu.memref_slice %arg15[%dma_start3A_259, %dma_start3A_260] : memref<10000x64xf32, #tpu.memory_space<vmem_shared>> -> memref<10000x64xf32, #tpu.memory_space<vmem_shared>>
        tpu.enqueue_indirect_dma source(%dma_start3A_261 : memref<10000x64xf32, #tpu.memory_space<vmem_shared>>) target(%arg10 : memref<128x64xf32, #tpu.memory_space<vmem>>) offsets(%dma_start3A_258 : memref<128xi32, #tpu.memory_space<vmem>>) semaphore(%arg16 : memref<!tpu.dma_semaphore, #tpu.memory_space<semaphore_mem>>)
      } else {
      }
      %add3A_192 = arith.constant 1 : i32
      %add3A_193 = arith.addi %add3A_80, %add3A_192 : i32
      %jit3A_194 = arith.constant 36 : i32
      %eq3A_195 = arith.constant 0 : i32
      %eq3A_196 = arith.cmpi eq, %jit3A_194, %eq3A_195 : i32
      %jit3A_197 = arith.constant 1 : i32
      %select_n3A_198 = arith.select %eq3A_196, %jit3A_197, %jit3A_194 : i32
      %rem3A_199 = arith.remsi %add3A_193, %select_n3A_198 : i32
      %ne3A_200 = arith.constant 0 : i32
      %ne3A_201 = arith.cmpi ne, %rem3A_199, %ne3A_200 : i32
      %lt3A_202 = arith.constant 0 : i32
      %lt3A_203 = arith.cmpi slt, %rem3A_199, %lt3A_202 : i32
      %lt3A_204 = arith.constant 0 : i32
      %lt3A_205 = arith.cmpi slt, %select_n3A_198, %lt3A_204 : i32
      %ne3A_206 = arith.xori %lt3A_203, %lt3A_205 : i1
      %and3A_207 = arith.andi %ne3A_206, %ne3A_201 : i1
      %add3A_208 = arith.addi %rem3A_199, %select_n3A_198 : i32
      %select_n3A_209 = arith.select %and3A_207, %add3A_208, %rem3A_199 : i32
      %dma_wait3A_210 = arith.constant 0 : i32
      %dma_wait3A_211 = arith.constant 0 : i32
      %dma_wait3A_212 = tpu.memref_slice %arg7[%dma_wait3A_210, %dma_wait3A_211] : memref<36x128xi32, #tpu.memory_space<vmem>> -> memref<1x128xi32, #tpu.memory_space<vmem>>
      %dma_wait3A_213 = tpu.memref_squeeze %dma_wait3A_212 : memref<1x128xi32, #tpu.memory_space<vmem>> -> memref<128xi32, #tpu.memory_space<vmem>>
      %dma_wait3A_214 = arith.constant 0 : i32
      %dma_wait3A_215 = arith.constant 0 : i32
      %dma_wait3A_216 = tpu.memref_slice %arg15[%dma_wait3A_214, %dma_wait3A_215] : memref<10000x64xf32, #tpu.memory_space<vmem_shared>> -> memref<10000x64xf32, #tpu.memory_space<vmem_shared>>
      tpu.wait_indirect_dma semaphore(%arg17 : memref<!tpu.dma_semaphore, #tpu.memory_space<semaphore_mem>>) src(%dma_wait3A_216 : memref<10000x64xf32, #tpu.memory_space<vmem_shared>>) dst(%arg11 : memref<128x64xf32, #tpu.memory_space<vmem>>)
      %ne3A_217 = arith.constant 0 : i32
      %ne3A_218 = arith.cmpi ne, %add3A_80, %ne3A_217 : i32
      %convert_element_type3A_219 = arith.extui %ne3A_218 : i1 to i32
      %cond3A_220 = arith.constant 0 : i32
      %cond3A_221 = arith.cmpi ne, %convert_element_type3A_219, %cond3A_220 : i32
      scf.if %cond3A_221 {
        %dma_wait3A_238 = arith.constant 0 : i32
        %dma_wait3A_239 = arith.constant 0 : i32
        %dma_wait3A_240 = tpu.memref_slice %arg8[%dma_wait3A_238, %dma_wait3A_239] : memref<36x128xi32, #tpu.memory_space<vmem>> -> memref<1x128xi32, #tpu.memory_space<vmem>>
        %dma_wait3A_241 = tpu.memref_squeeze %dma_wait3A_240 : memref<1x128xi32, #tpu.memory_space<vmem>> -> memref<128xi32, #tpu.memory_space<vmem>>
        %dma_wait3A_242 = arith.constant 0 : i32
        %dma_wait3A_243 = arith.constant 0 : i32
        %dma_wait3A_244 = tpu.memref_slice %arg14[%dma_wait3A_242, %dma_wait3A_243] : memref<10000x64xf32, #tpu.memory_space<vmem_shared>> -> memref<10000x64xf32, #tpu.memory_space<vmem_shared>>
        tpu.wait_indirect_dma semaphore(%arg19 : memref<!tpu.dma_semaphore, #tpu.memory_space<semaphore_mem>>) src(%arg13 : memref<128x64xf32, #tpu.memory_space<vmem>>) dst(%dma_wait3A_244 : memref<10000x64xf32, #tpu.memory_space<vmem_shared>>)
      } else {
      }
      %scan3A_222 = arith.constant 0 : i32
      %scan3A_223 = arith.constant 8 : i32
      %scan3A_224 = arith.addi %scan3A_222, %scan3A_223 : i32
      %scan3A_225 = arith.constant 1 : i32
      scf.for %scan3A_238 = %scan3A_222 to %scan3A_224 step %scan3A_225  : i32 {
        %mul3A_239 = arith.constant 16 : i32
        %mul3A_240 = arith.muli %scan3A_238, %mul3A_239 : i32
        %add3A_241 = arith.constant 0 : i32
        %add3A_242 = arith.addi %add3A_241, %mul3A_240 : i32
        %get3A = arith.index_cast %select_n3A_209 : i32 to index
        %get3A_243 = arith.index_cast %add3A_242 : i32 to index
        %get3A_244 = tpu.vector_load %arg9[%get3A, %get3A_243] {strides = array<i32>} : memref<36x128xf32, #tpu.memory_space<vmem>>, vector<1x16xf32>,
        %get3A_245 = vector.shape_cast %get3A_244 : vector<1x16xf32> to vector<16xf32>
        %slice3A = vector.extract_strided_slice %get3A_245 {offsets = [0], sizes = [1], strides = [1]} : vector<16xf32> to vector<1xf32>
        %squeeze3A = vector.extract %slice3A[0] : f32 from vector<1xf32>
        %add3A_246 = arith.constant 0 : i32
        %add3A_247 = arith.addi %add3A_242, %add3A_246 : i32
        %get3A_248 = arith.index_cast %add3A_247 : i32 to index
        %get3A_249 = arith.constant 0 : index
        %get3A_250 = tpu.vector_load %arg11[%get3A_248, %get3A_249] {strides = array<i32>} : memref<128x64xf32, #tpu.memory_space<vmem>>, vector<1x16xf32>,
        %get3A_251 = vector.shape_cast %get3A_250 : vector<1x16xf32> to vector<16xf32>
        %mul3A_252 = vector.broadcast %squeeze3A : f32 to vector<16xf32>
        %mul3A_253 = arith.mulf %get3A_251, %mul3A_252 : vector<16xf32>
        %add3A_254 = arith.constant 0 : i32
        %add3A_255 = arith.addi %add3A_242, %add3A_254 : i32
        %swap3A = arith.index_cast %add3A_255 : i32 to index
        %swap3A_256 = arith.constant 0 : index
        %swap3A_257 = tpu.vector_load %arg13[%swap3A, %swap3A_256] {strides = array<i32>} : memref<128x64xf32, #tpu.memory_space<vmem>>, vector<1x16xf32>,
        %swap3A_258 = vector.shape_cast %swap3A_257 : vector<1x16xf32> to vector<16xf32>
        %swap3A_259 = vector.shape_cast %mul3A_253 : vector<16xf32> to vector<1x16xf32>
        tpu.vector_store %arg13[%swap3A, %swap3A_256], %swap3A_259 {strides = array<i32>} : memref<128x64xf32, #tpu.memory_space<vmem>>, vector<1x16xf32>,
        %add3A_260 = arith.constant 0 : i32
        %add3A_261 = arith.addi %add3A_242, %add3A_260 : i32
        %get3A_262 = arith.index_cast %add3A_261 : i32 to index
        %get3A_263 = arith.constant 16 : index
        %get3A_264 = tpu.vector_load %arg11[%get3A_262, %get3A_263] {strides = array<i32>} : memref<128x64xf32, #tpu.memory_space<vmem>>, vector<1x16xf32>,
        %get3A_265 = vector.shape_cast %get3A_264 : vector<1x16xf32> to vector<16xf32>
        %mul3A_266 = vector.broadcast %squeeze3A : f32 to vector<16xf32>
        %mul3A_267 = arith.mulf %get3A_265, %mul3A_266 : vector<16xf32>
        %add3A_268 = arith.constant 0 : i32
        %add3A_269 = arith.addi %add3A_242, %add3A_268 : i32
        %swap3A_270 = arith.index_cast %add3A_269 : i32 to index
        %swap3A_271 = arith.constant 16 : index
        %swap3A_272 = tpu.vector_load %arg13[%swap3A_270, %swap3A_271] {strides = array<i32>} : memref<128x64xf32, #tpu.memory_space<vmem>>, vector<1x16xf32>,
        %swap3A_273 = vector.shape_cast %swap3A_272 : vector<1x16xf32> to vector<16xf32>
        %swap3A_274 = vector.shape_cast %mul3A_267 : vector<16xf32> to vector<1x16xf32>
        tpu.vector_store %arg13[%swap3A_270, %swap3A_271], %swap3A_274 {strides = array<i32>} : memref<128x64xf32, #tpu.memory_space<vmem>>, vector<1x16xf32>,
        %add3A_275 = arith.constant 0 : i32
        %add3A_276 = arith.addi %add3A_242, %add3A_275 : i32
        %get3A_277 = arith.index_cast %add3A_276 : i32 to index
        %get3A_278 = arith.constant 32 : index
        %get3A_279 = tpu.vector_load %arg11[%get3A_277, %get3A_278] {strides = array<i32>} : memref<128x64xf32, #tpu.memory_space<vmem>>, vector<1x16xf32>,
        %get3A_280 = vector.shape_cast %get3A_279 : vector<1x16xf32> to vector<16xf32>
        %mul3A_281 = vector.broadcast %squeeze3A : f32 to vector<16xf32>
        %mul3A_282 = arith.mulf %get3A_280, %mul3A_281 : vector<16xf32>
        %add3A_283 = arith.constant 0 : i32
        %add3A_284 = arith.addi %add3A_242, %add3A_283 : i32
        %swap3A_285 = arith.index_cast %add3A_284 : i32 to index
        %swap3A_286 = arith.constant 32 : index
        %swap3A_287 = tpu.vector_load %arg13[%swap3A_285, %swap3A_286] {strides = array<i32>} : memref<128x64xf32, #tpu.memory_space<vmem>>, vector<1x16xf32>,
        %swap3A_288 = vector.shape_cast %swap3A_287 : vector<1x16xf32> to vector<16xf32>
        %swap3A_289 = vector.shape_cast %mul3A_282 : vector<16xf32> to vector<1x16xf32>
        tpu.vector_store %arg13[%swap3A_285, %swap3A_286], %swap3A_289 {strides = array<i32>} : memref<128x64xf32, #tpu.memory_space<vmem>>, vector<1x16xf32>,
        %add3A_290 = arith.constant 0 : i32
        %add3A_291 = arith.addi %add3A_242, %add3A_290 : i32
        %get3A_292 = arith.index_cast %add3A_291 : i32 to index
        %get3A_293 = arith.constant 48 : index
        %get3A_294 = tpu.vector_load %arg11[%get3A_292, %get3A_293] {strides = array<i32>} : memref<128x64xf32, #tpu.memory_space<vmem>>, vector<1x16xf32>,
        %get3A_295 = vector.shape_cast %get3A_294 : vector<1x16xf32> to vector<16xf32>
        %mul3A_296 = vector.broadcast %squeeze3A : f32 to vector<16xf32>
        %mul3A_297 = arith.mulf %get3A_295, %mul3A_296 : vector<16xf32>
        %add3A_298 = arith.constant 0 : i32
        %add3A_299 = arith.addi %add3A_242, %add3A_298 : i32
        %swap3A_300 = arith.index_cast %add3A_299 : i32 to index
        %swap3A_301 = arith.constant 48 : index
        %swap3A_302 = tpu.vector_load %arg13[%swap3A_300, %swap3A_301] {strides = array<i32>} : memref<128x64xf32, #tpu.memory_space<vmem>>, vector<1x16xf32>,
        %swap3A_303 = vector.shape_cast %swap3A_302 : vector<1x16xf32> to vector<16xf32>
        %swap3A_304 = vector.shape_cast %mul3A_297 : vector<16xf32> to vector<1x16xf32>
        tpu.vector_store %arg13[%swap3A_300, %swap3A_301], %swap3A_304 {strides = array<i32>} : memref<128x64xf32, #tpu.memory_space<vmem>>, vector<1x16xf32>,
        %slice3A_305 = vector.extract_strided_slice %get3A_245 {offsets = [1], sizes = [1], strides = [1]} : vector<16xf32> to vector<1xf32>
        %squeeze3A_306 = vector.extract %slice3A_305[0] : f32 from vector<1xf32>
        %add3A_307 = arith.constant 1 : i32
        %add3A_308 = arith.addi %add3A_242, %add3A_307 : i32
        %get3A_309 = arith.index_cast %add3A_308 : i32 to index
        %get3A_310 = arith.constant 0 : index
        %get3A_311 = tpu.vector_load %arg11[%get3A_309, %get3A_310] {strides = array<i32>} : memref<128x64xf32, #tpu.memory_space<vmem>>, vector<1x16xf32>,
        %get3A_312 = vector.shape_cast %get3A_311 : vector<1x16xf32> to vector<16xf32>
        %mul3A_313 = vector.broadcast %squeeze3A_306 : f32 to vector<16xf32>
        %mul3A_314 = arith.mulf %get3A_312, %mul3A_313 : vector<16xf32>
        %add3A_315 = arith.constant 1 : i32
        %add3A_316 = arith.addi %add3A_242, %add3A_315 : i32
        %swap3A_317 = arith.index_cast %add3A_316 : i32 to index
        %swap3A_318 = arith.constant 0 : index
        %swap3A_319 = tpu.vector_load %arg13[%swap3A_317, %swap3A_318] {strides = array<i32>} : memref<128x64xf32, #tpu.memory_space<vmem>>, vector<1x16xf32>,
        %swap3A_320 = vector.shape_cast %swap3A_319 : vector<1x16xf32> to vector<16xf32>
        %swap3A_321 = vector.shape_cast %mul3A_314 : vector<16xf32> to vector<1x16xf32>
        tpu.vector_store %arg13[%swap3A_317, %swap3A_318], %swap3A_321 {strides = array<i32>} : memref<128x64xf32, #tpu.memory_space<vmem>>, vector<1x16xf32>,
        %add3A_322 = arith.constant 1 : i32
        %add3A_323 = arith.addi %add3A_242, %add3A_322 : i32
        %get3A_324 = arith.index_cast %add3A_323 : i32 to index
        %get3A_325 = arith.constant 16 : index
        %get3A_326 = tpu.vector_load %arg11[%get3A_324, %get3A_325] {strides = array<i32>} : memref<128x64xf32, #tpu.memory_space<vmem>>, vector<1x16xf32>,
        %get3A_327 = vector.shape_cast %get3A_326 : vector<1x16xf32> to vector<16xf32>
        %mul3A_328 = vector.broadcast %squeeze3A_306 : f32 to vector<16xf32>
        %mul3A_329 = arith.mulf %get3A_327, %mul3A_328 : vector<16xf32>
        %add3A_330 = arith.constant 1 : i32
        %add3A_331 = arith.addi %add3A_242, %add3A_330 : i32
        %swap3A_332 = arith.index_cast %add3A_331 : i32 to index
        %swap3A_333 = arith.constant 16 : index
        %swap3A_334 = tpu.vector_load %arg13[%swap3A_332, %swap3A_333] {strides = array<i32>} : memref<128x64xf32, #tpu.memory_space<vmem>>, vector<1x16xf32>,
        %swap3A_335 = vector.shape_cast %swap3A_334 : vector<1x16xf32> to vector<16xf32>
        %swap3A_336 = vector.shape_cast %mul3A_329 : vector<16xf32> to vector<1x16xf32>
        tpu.vector_store %arg13[%swap3A_332, %swap3A_333], %swap3A_336 {strides = array<i32>} : memref<128x64xf32, #tpu.memory_space<vmem>>, vector<1x16xf32>,
        %add3A_337 = arith.constant 1 : i32
        %add3A_338 = arith.addi %add3A_242, %add3A_337 : i32
        %get3A_339 = arith.index_cast %add3A_338 : i32 to index
        %get3A_340 = arith.constant 32 : index
        %get3A_341 = tpu.vector_load %arg11[%get3A_339, %get3A_340] {strides = array<i32>} : memref<128x64xf32, #tpu.memory_space<vmem>>, vector<1x16xf32>,
        %get3A_342 = vector.shape_cast %get3A_341 : vector<1x16xf32> to vector<16xf32>
        %mul3A_343 = vector.broadcast %squeeze3A_306 : f32 to vector<16xf32>
        %mul3A_344 = arith.mulf %get3A_342, %mul3A_343 : vector<16xf32>
        %add3A_345 = arith.constant 1 : i32
        %add3A_346 = arith.addi %add3A_242, %add3A_345 : i32
        %swap3A_347 = arith.index_cast %add3A_346 : i32 to index
        %swap3A_348 = arith.constant 32 : index
        %swap3A_349 = tpu.vector_load %arg13[%swap3A_347, %swap3A_348] {strides = array<i32>} : memref<128x64xf32, #tpu.memory_space<vmem>>, vector<1x16xf32>,
        %swap3A_350 = vector.shape_cast %swap3A_349 : vector<1x16xf32> to vector<16xf32>
        %swap3A_351 = vector.shape_cast %mul3A_344 : vector<16xf32> to vector<1x16xf32>
        tpu.vector_store %arg13[%swap3A_347, %swap3A_348], %swap3A_351 {strides = array<i32>} : memref<128x64xf32, #tpu.memory_space<vmem>>, vector<1x16xf32>,
        %add3A_352 = arith.constant 1 : i32
        %add3A_353 = arith.addi %add3A_242, %add3A_352 : i32
        %get3A_354 = arith.index_cast %add3A_353 : i32 to index
        %get3A_355 = arith.constant 48 : index
        %get3A_356 = tpu.vector_load %arg11[%get3A_354, %get3A_355] {strides = array<i32>} : memref<128x64xf32, #tpu.memory_space<vmem>>, vector<1x16xf32>,
        %get3A_357 = vector.shape_cast %get3A_356 : vector<1x16xf32> to vector<16xf32>
        %mul3A_358 = vector.broadcast %squeeze3A_306 : f32 to vector<16xf32>
        %mul3A_359 = arith.mulf %get3A_357, %mul3A_358 : vector<16xf32>
        %add3A_360 = arith.constant 1 : i32
        %add3A_361 = arith.addi %add3A_242, %add3A_360 : i32
        %swap3A_362 = arith.index_cast %add3A_361 : i32 to index
        %swap3A_363 = arith.constant 48 : index
        %swap3A_364 = tpu.vector_load %arg13[%swap3A_362, %swap3A_363] {strides = array<i32>} : memref<128x64xf32, #tpu.memory_space<vmem>>, vector<1x16xf32>,
        %swap3A_365 = vector.shape_cast %swap3A_364 : vector<1x16xf32> to vector<16xf32>
        %swap3A_366 = vector.shape_cast %mul3A_359 : vector<16xf32> to vector<1x16xf32>
        tpu.vector_store %arg13[%swap3A_362, %swap3A_363], %swap3A_366 {strides = array<i32>} : memref<128x64xf32, #tpu.memory_space<vmem>>, vector<1x16xf32>,
        %slice3A_367 = vector.extract_strided_slice %get3A_245 {offsets = [2], sizes = [1], strides = [1]} : vector<16xf32> to vector<1xf32>
        %squeeze3A_368 = vector.extract %slice3A_367[0] : f32 from vector<1xf32>
        %add3A_369 = arith.constant 2 : i32
        %add3A_370 = arith.addi %add3A_242, %add3A_369 : i32
        %get3A_371 = arith.index_cast %add3A_370 : i32 to index
        %get3A_372 = arith.constant 0 : index
        %get3A_373 = tpu.vector_load %arg11[%get3A_371, %get3A_372] {strides = array<i32>} : memref<128x64xf32, #tpu.memory_space<vmem>>, vector<1x16xf32>,
        %get3A_374 = vector.shape_cast %get3A_373 : vector<1x16xf32> to vector<16xf32>
        %mul3A_375 = vector.broadcast %squeeze3A_368 : f32 to vector<16xf32>
        %mul3A_376 = arith.mulf %get3A_374, %mul3A_375 : vector<16xf32>
        %add3A_377 = arith.constant 2 : i32
        %add3A_378 = arith.addi %add3A_242, %add3A_377 : i32
        %swap3A_379 = arith.index_cast %add3A_378 : i32 to index
        %swap3A_380 = arith.constant 0 : index
        %swap3A_381 = tpu.vector_load %arg13[%swap3A_379, %swap3A_380] {strides = array<i32>} : memref<128x64xf32, #tpu.memory_space<vmem>>, vector<1x16xf32>,
        %swap3A_382 = vector.shape_cast %swap3A_381 : vector<1x16xf32> to vector<16xf32>
        %swap3A_383 = vector.shape_cast %mul3A_376 : vector<16xf32> to vector<1x16xf32>
        tpu.vector_store %arg13[%swap3A_379, %swap3A_380], %swap3A_383 {strides = array<i32>} : memref<128x64xf32, #tpu.memory_space<vmem>>, vector<1x16xf32>,
        %add3A_384 = arith.constant 2 : i32
        %add3A_385 = arith.addi %add3A_242, %add3A_384 : i32
        %get3A_386 = arith.index_cast %add3A_385 : i32 to index
        %get3A_387 = arith.constant 16 : index
        %get3A_388 = tpu.vector_load %arg11[%get3A_386, %get3A_387] {strides = array<i32>} : memref<128x64xf32, #tpu.memory_space<vmem>>, vector<1x16xf32>,
        %get3A_389 = vector.shape_cast %get3A_388 : vector<1x16xf32> to vector<16xf32>
        %mul3A_390 = vector.broadcast %squeeze3A_368 : f32 to vector<16xf32>
        %mul3A_391 = arith.mulf %get3A_389, %mul3A_390 : vector<16xf32>
        %add3A_392 = arith.constant 2 : i32
        %add3A_393 = arith.addi %add3A_242, %add3A_392 : i32
        %swap3A_394 = arith.index_cast %add3A_393 : i32 to index
        %swap3A_395 = arith.constant 16 : index
        %swap3A_396 = tpu.vector_load %arg13[%swap3A_394, %swap3A_395] {strides = array<i32>} : memref<128x64xf32, #tpu.memory_space<vmem>>, vector<1x16xf32>,
        %swap3A_397 = vector.shape_cast %swap3A_396 : vector<1x16xf32> to vector<16xf32>
        %swap3A_398 = vector.shape_cast %mul3A_391 : vector<16xf32> to vector<1x16xf32>
        tpu.vector_store %arg13[%swap3A_394, %swap3A_395], %swap3A_398 {strides = array<i32>} : memref<128x64xf32, #tpu.memory_space<vmem>>, vector<1x16xf32>,
        %add3A_399 = arith.constant 2 : i32
        %add3A_400 = arith.addi %add3A_242, %add3A_399 : i32
        %get3A_401 = arith.index_cast %add3A_400 : i32 to index
        %get3A_402 = arith.constant 32 : index
        %get3A_403 = tpu.vector_load %arg11[%get3A_401, %get3A_402] {strides = array<i32>} : memref<128x64xf32, #tpu.memory_space<vmem>>, vector<1x16xf32>,
        %get3A_404 = vector.shape_cast %get3A_403 : vector<1x16xf32> to vector<16xf32>
        %mul3A_405 = vector.broadcast %squeeze3A_368 : f32 to vector<16xf32>
        %mul3A_406 = arith.mulf %get3A_404, %mul3A_405 : vector<16xf32>
        %add3A_407 = arith.constant 2 : i32
        %add3A_408 = arith.addi %add3A_242, %add3A_407 : i32
        %swap3A_409 = arith.index_cast %add3A_408 : i32 to index
        %swap3A_410 = arith.constant 32 : index
        %swap3A_411 = tpu.vector_load %arg13[%swap3A_409, %swap3A_410] {strides = array<i32>} : memref<128x64xf32, #tpu.memory_space<vmem>>, vector<1x16xf32>,
        %swap3A_412 = vector.shape_cast %swap3A_411 : vector<1x16xf32> to vector<16xf32>
        %swap3A_413 = vector.shape_cast %mul3A_406 : vector<16xf32> to vector<1x16xf32>
        tpu.vector_store %arg13[%swap3A_409, %swap3A_410], %swap3A_413 {strides = array<i32>} : memref<128x64xf32, #tpu.memory_space<vmem>>, vector<1x16xf32>,
        %add3A_414 = arith.constant 2 : i32
        %add3A_415 = arith.addi %add3A_242, %add3A_414 : i32
        %get3A_416 = arith.index_cast %add3A_415 : i32 to index
        %get3A_417 = arith.constant 48 : index
        %get3A_418 = tpu.vector_load %arg11[%get3A_416, %get3A_417] {strides = array<i32>} : memref<128x64xf32, #tpu.memory_space<vmem>>, vector<1x16xf32>,
        %get3A_419 = vector.shape_cast %get3A_418 : vector<1x16xf32> to vector<16xf32>
        %mul3A_420 = vector.broadcast %squeeze3A_368 : f32 to vector<16xf32>
        %mul3A_421 = arith.mulf %get3A_419, %mul3A_420 : vector<16xf32>
        %add3A_422 = arith.constant 2 : i32
        %add3A_423 = arith.addi %add3A_242, %add3A_422 : i32
        %swap3A_424 = arith.index_cast %add3A_423 : i32 to index
        %swap3A_425 = arith.constant 48 : index
        %swap3A_426 = tpu.vector_load %arg13[%swap3A_424, %swap3A_425] {strides = array<i32>} : memref<128x64xf32, #tpu.memory_space<vmem>>, vector<1x16xf32>,
        %swap3A_427 = vector.shape_cast %swap3A_426 : vector<1x16xf32> to vector<16xf32>
        %swap3A_428 = vector.shape_cast %mul3A_421 : vector<16xf32> to vector<1x16xf32>
        tpu.vector_store %arg13[%swap3A_424, %swap3A_425], %swap3A_428 {strides = array<i32>} : memref<128x64xf32, #tpu.memory_space<vmem>>, vector<1x16xf32>,
        %slice3A_429 = vector.extract_strided_slice %get3A_245 {offsets = [3], sizes = [1], strides = [1]} : vector<16xf32> to vector<1xf32>
        %squeeze3A_430 = vector.extract %slice3A_429[0] : f32 from vector<1xf32>
        %add3A_431 = arith.constant 3 : i32
        %add3A_432 = arith.addi %add3A_242, %add3A_431 : i32
        %get3A_433 = arith.index_cast %add3A_432 : i32 to index
        %get3A_434 = arith.constant 0 : index
        %get3A_435 = tpu.vector_load %arg11[%get3A_433, %get3A_434] {strides = array<i32>} : memref<128x64xf32, #tpu.memory_space<vmem>>, vector<1x16xf32>,
        %get3A_436 = vector.shape_cast %get3A_435 : vector<1x16xf32> to vector<16xf32>
        %mul3A_437 = vector.broadcast %squeeze3A_430 : f32 to vector<16xf32>
        %mul3A_438 = arith.mulf %get3A_436, %mul3A_437 : vector<16xf32>
        %add3A_439 = arith.constant 3 : i32
        %add3A_440 = arith.addi %add3A_242, %add3A_439 : i32
        %swap3A_441 = arith.index_cast %add3A_440 : i32 to index
        %swap3A_442 = arith.constant 0 : index
        %swap3A_443 = tpu.vector_load %arg13[%swap3A_441, %swap3A_442] {strides = array<i32>} : memref<128x64xf32, #tpu.memory_space<vmem>>, vector<1x16xf32>,
        %swap3A_444 = vector.shape_cast %swap3A_443 : vector<1x16xf32> to vector<16xf32>
        %swap3A_445 = vector.shape_cast %mul3A_438 : vector<16xf32> to vector<1x16xf32>
        tpu.vector_store %arg13[%swap3A_441, %swap3A_442], %swap3A_445 {strides = array<i32>} : memref<128x64xf32, #tpu.memory_space<vmem>>, vector<1x16xf32>,
        %add3A_446 = arith.constant 3 : i32
        %add3A_447 = arith.addi %add3A_242, %add3A_446 : i32
        %get3A_448 = arith.index_cast %add3A_447 : i32 to index
        %get3A_449 = arith.constant 16 : index
        %get3A_450 = tpu.vector_load %arg11[%get3A_448, %get3A_449] {strides = array<i32>} : memref<128x64xf32, #tpu.memory_space<vmem>>, vector<1x16xf32>,
        %get3A_451 = vector.shape_cast %get3A_450 : vector<1x16xf32> to vector<16xf32>
        %mul3A_452 = vector.broadcast %squeeze3A_430 : f32 to vector<16xf32>
        %mul3A_453 = arith.mulf %get3A_451, %mul3A_452 : vector<16xf32>
        %add3A_454 = arith.constant 3 : i32
        %add3A_455 = arith.addi %add3A_242, %add3A_454 : i32
        %swap3A_456 = arith.index_cast %add3A_455 : i32 to index
        %swap3A_457 = arith.constant 16 : index
        %swap3A_458 = tpu.vector_load %arg13[%swap3A_456, %swap3A_457] {strides = array<i32>} : memref<128x64xf32, #tpu.memory_space<vmem>>, vector<1x16xf32>,
        %swap3A_459 = vector.shape_cast %swap3A_458 : vector<1x16xf32> to vector<16xf32>
        %swap3A_460 = vector.shape_cast %mul3A_453 : vector<16xf32> to vector<1x16xf32>
        tpu.vector_store %arg13[%swap3A_456, %swap3A_457], %swap3A_460 {strides = array<i32>} : memref<128x64xf32, #tpu.memory_space<vmem>>, vector<1x16xf32>,
        %add3A_461 = arith.constant 3 : i32
        %add3A_462 = arith.addi %add3A_242, %add3A_461 : i32
        %get3A_463 = arith.index_cast %add3A_462 : i32 to index
        %get3A_464 = arith.constant 32 : index
        %get3A_465 = tpu.vector_load %arg11[%get3A_463, %get3A_464] {strides = array<i32>} : memref<128x64xf32, #tpu.memory_space<vmem>>, vector<1x16xf32>,
        %get3A_466 = vector.shape_cast %get3A_465 : vector<1x16xf32> to vector<16xf32>
        %mul3A_467 = vector.broadcast %squeeze3A_430 : f32 to vector<16xf32>
        %mul3A_468 = arith.mulf %get3A_466, %mul3A_467 : vector<16xf32>
        %add3A_469 = arith.constant 3 : i32
        %add3A_470 = arith.addi %add3A_242, %add3A_469 : i32
        %swap3A_471 = arith.index_cast %add3A_470 : i32 to index
        %swap3A_472 = arith.constant 32 : index
        %swap3A_473 = tpu.vector_load %arg13[%swap3A_471, %swap3A_472] {strides = array<i32>} : memref<128x64xf32, #tpu.memory_space<vmem>>, vector<1x16xf32>,
        %swap3A_474 = vector.shape_cast %swap3A_473 : vector<1x16xf32> to vector<16xf32>
        %swap3A_475 = vector.shape_cast %mul3A_468 : vector<16xf32> to vector<1x16xf32>
        tpu.vector_store %arg13[%swap3A_471, %swap3A_472], %swap3A_475 {strides = array<i32>} : memref<128x64xf32, #tpu.memory_space<vmem>>, vector<1x16xf32>,
        %add3A_476 = arith.constant 3 : i32
        %add3A_477 = arith.addi %add3A_242, %add3A_476 : i32
        %get3A_478 = arith.index_cast %add3A_477 : i32 to index
        %get3A_479 = arith.constant 48 : index
        %get3A_480 = tpu.vector_load %arg11[%get3A_478, %get3A_479] {strides = array<i32>} : memref<128x64xf32, #tpu.memory_space<vmem>>, vector<1x16xf32>,
        %get3A_481 = vector.shape_cast %get3A_480 : vector<1x16xf32> to vector<16xf32>
        %mul3A_482 = vector.broadcast %squeeze3A_430 : f32 to vector<16xf32>
        %mul3A_483 = arith.mulf %get3A_481, %mul3A_482 : vector<16xf32>
        %add3A_484 = arith.constant 3 : i32
        %add3A_485 = arith.addi %add3A_242, %add3A_484 : i32
        %swap3A_486 = arith.index_cast %add3A_485 : i32 to index
        %swap3A_487 = arith.constant 48 : index
        %swap3A_488 = tpu.vector_load %arg13[%swap3A_486, %swap3A_487] {strides = array<i32>} : memref<128x64xf32, #tpu.memory_space<vmem>>, vector<1x16xf32>,
        %swap3A_489 = vector.shape_cast %swap3A_488 : vector<1x16xf32> to vector<16xf32>
        %swap3A_490 = vector.shape_cast %mul3A_483 : vector<16xf32> to vector<1x16xf32>
        tpu.vector_store %arg13[%swap3A_486, %swap3A_487], %swap3A_490 {strides = array<i32>} : memref<128x64xf32, #tpu.memory_space<vmem>>, vector<1x16xf32>,
        %slice3A_491 = vector.extract_strided_slice %get3A_245 {offsets = [4], sizes = [1], strides = [1]} : vector<16xf32> to vector<1xf32>
        %squeeze3A_492 = vector.extract %slice3A_491[0] : f32 from vector<1xf32>
        %add3A_493 = arith.constant 4 : i32
        %add3A_494 = arith.addi %add3A_242, %add3A_493 : i32
        %get3A_495 = arith.index_cast %add3A_494 : i32 to index
        %get3A_496 = arith.constant 0 : index
        %get3A_497 = tpu.vector_load %arg11[%get3A_495, %get3A_496] {strides = array<i32>} : memref<128x64xf32, #tpu.memory_space<vmem>>, vector<1x16xf32>,
        %get3A_498 = vector.shape_cast %get3A_497 : vector<1x16xf32> to vector<16xf32>
        %mul3A_499 = vector.broadcast %squeeze3A_492 : f32 to vector<16xf32>
        %mul3A_500 = arith.mulf %get3A_498, %mul3A_499 : vector<16xf32>
        %add3A_501 = arith.constant 4 : i32
        %add3A_502 = arith.addi %add3A_242, %add3A_501 : i32
        %swap3A_503 = arith.index_cast %add3A_502 : i32 to index
        %swap3A_504 = arith.constant 0 : index
        %swap3A_505 = tpu.vector_load %arg13[%swap3A_503, %swap3A_504] {strides = array<i32>} : memref<128x64xf32, #tpu.memory_space<vmem>>, vector<1x16xf32>,
        %swap3A_506 = vector.shape_cast %swap3A_505 : vector<1x16xf32> to vector<16xf32>
        %swap3A_507 = vector.shape_cast %mul3A_500 : vector<16xf32> to vector<1x16xf32>
        tpu.vector_store %arg13[%swap3A_503, %swap3A_504], %swap3A_507 {strides = array<i32>} : memref<128x64xf32, #tpu.memory_space<vmem>>, vector<1x16xf32>,
        %add3A_508 = arith.constant 4 : i32
        %add3A_509 = arith.addi %add3A_242, %add3A_508 : i32
        %get3A_510 = arith.index_cast %add3A_509 : i32 to index
        %get3A_511 = arith.constant 16 : index
        %get3A_512 = tpu.vector_load %arg11[%get3A_510, %get3A_511] {strides = array<i32>} : memref<128x64xf32, #tpu.memory_space<vmem>>, vector<1x16xf32>,
        %get3A_513 = vector.shape_cast %get3A_512 : vector<1x16xf32> to vector<16xf32>
        %mul3A_514 = vector.broadcast %squeeze3A_492 : f32 to vector<16xf32>
        %mul3A_515 = arith.mulf %get3A_513, %mul3A_514 : vector<16xf32>
        %add3A_516 = arith.constant 4 : i32
        %add3A_517 = arith.addi %add3A_242, %add3A_516 : i32
        %swap3A_518 = arith.index_cast %add3A_517 : i32 to index
        %swap3A_519 = arith.constant 16 : index
        %swap3A_520 = tpu.vector_load %arg13[%swap3A_518, %swap3A_519] {strides = array<i32>} : memref<128x64xf32, #tpu.memory_space<vmem>>, vector<1x16xf32>,
        %swap3A_521 = vector.shape_cast %swap3A_520 : vector<1x16xf32> to vector<16xf32>
        %swap3A_522 = vector.shape_cast %mul3A_515 : vector<16xf32> to vector<1x16xf32>
        tpu.vector_store %arg13[%swap3A_518, %swap3A_519], %swap3A_522 {strides = array<i32>} : memref<128x64xf32, #tpu.memory_space<vmem>>, vector<1x16xf32>,
        %add3A_523 = arith.constant 4 : i32
        %add3A_524 = arith.addi %add3A_242, %add3A_523 : i32
        %get3A_525 = arith.index_cast %add3A_524 : i32 to index
        %get3A_526 = arith.constant 32 : index
        %get3A_527 = tpu.vector_load %arg11[%get3A_525, %get3A_526] {strides = array<i32>} : memref<128x64xf32, #tpu.memory_space<vmem>>, vector<1x16xf32>,
        %get3A_528 = vector.shape_cast %get3A_527 : vector<1x16xf32> to vector<16xf32>
        %mul3A_529 = vector.broadcast %squeeze3A_492 : f32 to vector<16xf32>
        %mul3A_530 = arith.mulf %get3A_528, %mul3A_529 : vector<16xf32>
        %add3A_531 = arith.constant 4 : i32
        %add3A_532 = arith.addi %add3A_242, %add3A_531 : i32
        %swap3A_533 = arith.index_cast %add3A_532 : i32 to index
        %swap3A_534 = arith.constant 32 : index
        %swap3A_535 = tpu.vector_load %arg13[%swap3A_533, %swap3A_534] {strides = array<i32>} : memref<128x64xf32, #tpu.memory_space<vmem>>, vector<1x16xf32>,
        %swap3A_536 = vector.shape_cast %swap3A_535 : vector<1x16xf32> to vector<16xf32>
        %swap3A_537 = vector.shape_cast %mul3A_530 : vector<16xf32> to vector<1x16xf32>
        tpu.vector_store %arg13[%swap3A_533, %swap3A_534], %swap3A_537 {strides = array<i32>} : memref<128x64xf32, #tpu.memory_space<vmem>>, vector<1x16xf32>,
        %add3A_538 = arith.constant 4 : i32
        %add3A_539 = arith.addi %add3A_242, %add3A_538 : i32
        %get3A_540 = arith.index_cast %add3A_539 : i32 to index
        %get3A_541 = arith.constant 48 : index
        %get3A_542 = tpu.vector_load %arg11[%get3A_540, %get3A_541] {strides = array<i32>} : memref<128x64xf32, #tpu.memory_space<vmem>>, vector<1x16xf32>,
        %get3A_543 = vector.shape_cast %get3A_542 : vector<1x16xf32> to vector<16xf32>
        %mul3A_544 = vector.broadcast %squeeze3A_492 : f32 to vector<16xf32>
        %mul3A_545 = arith.mulf %get3A_543, %mul3A_544 : vector<16xf32>
        %add3A_546 = arith.constant 4 : i32
        %add3A_547 = arith.addi %add3A_242, %add3A_546 : i32
        %swap3A_548 = arith.index_cast %add3A_547 : i32 to index
        %swap3A_549 = arith.constant 48 : index
        %swap3A_550 = tpu.vector_load %arg13[%swap3A_548, %swap3A_549] {strides = array<i32>} : memref<128x64xf32, #tpu.memory_space<vmem>>, vector<1x16xf32>,
        %swap3A_551 = vector.shape_cast %swap3A_550 : vector<1x16xf32> to vector<16xf32>
        %swap3A_552 = vector.shape_cast %mul3A_545 : vector<16xf32> to vector<1x16xf32>
        tpu.vector_store %arg13[%swap3A_548, %swap3A_549], %swap3A_552 {strides = array<i32>} : memref<128x64xf32, #tpu.memory_space<vmem>>, vector<1x16xf32>,
        %slice3A_553 = vector.extract_strided_slice %get3A_245 {offsets = [5], sizes = [1], strides = [1]} : vector<16xf32> to vector<1xf32>
        %squeeze3A_554 = vector.extract %slice3A_553[0] : f32 from vector<1xf32>
        %add3A_555 = arith.constant 5 : i32
        %add3A_556 = arith.addi %add3A_242, %add3A_555 : i32
        %get3A_557 = arith.index_cast %add3A_556 : i32 to index
        %get3A_558 = arith.constant 0 : index
        %get3A_559 = tpu.vector_load %arg11[%get3A_557, %get3A_558] {strides = array<i32>} : memref<128x64xf32, #tpu.memory_space<vmem>>, vector<1x16xf32>,
        %get3A_560 = vector.shape_cast %get3A_559 : vector<1x16xf32> to vector<16xf32>
        %mul3A_561 = vector.broadcast %squeeze3A_554 : f32 to vector<16xf32>
        %mul3A_562 = arith.mulf %get3A_560, %mul3A_561 : vector<16xf32>
        %add3A_563 = arith.constant 5 : i32
        %add3A_564 = arith.addi %add3A_242, %add3A_563 : i32
        %swap3A_565 = arith.index_cast %add3A_564 : i32 to index
        %swap3A_566 = arith.constant 0 : index
        %swap3A_567 = tpu.vector_load %arg13[%swap3A_565, %swap3A_566] {strides = array<i32>} : memref<128x64xf32, #tpu.memory_space<vmem>>, vector<1x16xf32>,
        %swap3A_568 = vector.shape_cast %swap3A_567 : vector<1x16xf32> to vector<16xf32>
        %swap3A_569 = vector.shape_cast %mul3A_562 : vector<16xf32> to vector<1x16xf32>
        tpu.vector_store %arg13[%swap3A_565, %swap3A_566], %swap3A_569 {strides = array<i32>} : memref<128x64xf32, #tpu.memory_space<vmem>>, vector<1x16xf32>,
        %add3A_570 = arith.constant 5 : i32
        %add3A_571 = arith.addi %add3A_242, %add3A_570 : i32
        %get3A_572 = arith.index_cast %add3A_571 : i32 to index
        %get3A_573 = arith.constant 16 : index
        %get3A_574 = tpu.vector_load %arg11[%get3A_572, %get3A_573] {strides = array<i32>} : memref<128x64xf32, #tpu.memory_space<vmem>>, vector<1x16xf32>,
        %get3A_575 = vector.shape_cast %get3A_574 : vector<1x16xf32> to vector<16xf32>
        %mul3A_576 = vector.broadcast %squeeze3A_554 : f32 to vector<16xf32>
        %mul3A_577 = arith.mulf %get3A_575, %mul3A_576 : vector<16xf32>
        %add3A_578 = arith.constant 5 : i32
        %add3A_579 = arith.addi %add3A_242, %add3A_578 : i32
        %swap3A_580 = arith.index_cast %add3A_579 : i32 to index
        %swap3A_581 = arith.constant 16 : index
        %swap3A_582 = tpu.vector_load %arg13[%swap3A_580, %swap3A_581] {strides = array<i32>} : memref<128x64xf32, #tpu.memory_space<vmem>>, vector<1x16xf32>,
        %swap3A_583 = vector.shape_cast %swap3A_582 : vector<1x16xf32> to vector<16xf32>
        %swap3A_584 = vector.shape_cast %mul3A_577 : vector<16xf32> to vector<1x16xf32>
        tpu.vector_store %arg13[%swap3A_580, %swap3A_581], %swap3A_584 {strides = array<i32>} : memref<128x64xf32, #tpu.memory_space<vmem>>, vector<1x16xf32>,
        %add3A_585 = arith.constant 5 : i32
        %add3A_586 = arith.addi %add3A_242, %add3A_585 : i32
        %get3A_587 = arith.index_cast %add3A_586 : i32 to index
        %get3A_588 = arith.constant 32 : index
        %get3A_589 = tpu.vector_load %arg11[%get3A_587, %get3A_588] {strides = array<i32>} : memref<128x64xf32, #tpu.memory_space<vmem>>, vector<1x16xf32>,
        %get3A_590 = vector.shape_cast %get3A_589 : vector<1x16xf32> to vector<16xf32>
        %mul3A_591 = vector.broadcast %squeeze3A_554 : f32 to vector<16xf32>
        %mul3A_592 = arith.mulf %get3A_590, %mul3A_591 : vector<16xf32>
        %add3A_593 = arith.constant 5 : i32
        %add3A_594 = arith.addi %add3A_242, %add3A_593 : i32
        %swap3A_595 = arith.index_cast %add3A_594 : i32 to index
        %swap3A_596 = arith.constant 32 : index
        %swap3A_597 = tpu.vector_load %arg13[%swap3A_595, %swap3A_596] {strides = array<i32>} : memref<128x64xf32, #tpu.memory_space<vmem>>, vector<1x16xf32>,
        %swap3A_598 = vector.shape_cast %swap3A_597 : vector<1x16xf32> to vector<16xf32>
        %swap3A_599 = vector.shape_cast %mul3A_592 : vector<16xf32> to vector<1x16xf32>
        tpu.vector_store %arg13[%swap3A_595, %swap3A_596], %swap3A_599 {strides = array<i32>} : memref<128x64xf32, #tpu.memory_space<vmem>>, vector<1x16xf32>,
        %add3A_600 = arith.constant 5 : i32
        %add3A_601 = arith.addi %add3A_242, %add3A_600 : i32
        %get3A_602 = arith.index_cast %add3A_601 : i32 to index
        %get3A_603 = arith.constant 48 : index
        %get3A_604 = tpu.vector_load %arg11[%get3A_602, %get3A_603] {strides = array<i32>} : memref<128x64xf32, #tpu.memory_space<vmem>>, vector<1x16xf32>,
        %get3A_605 = vector.shape_cast %get3A_604 : vector<1x16xf32> to vector<16xf32>
        %mul3A_606 = vector.broadcast %squeeze3A_554 : f32 to vector<16xf32>
        %mul3A_607 = arith.mulf %get3A_605, %mul3A_606 : vector<16xf32>
        %add3A_608 = arith.constant 5 : i32
        %add3A_609 = arith.addi %add3A_242, %add3A_608 : i32
        %swap3A_610 = arith.index_cast %add3A_609 : i32 to index
        %swap3A_611 = arith.constant 48 : index
        %swap3A_612 = tpu.vector_load %arg13[%swap3A_610, %swap3A_611] {strides = array<i32>} : memref<128x64xf32, #tpu.memory_space<vmem>>, vector<1x16xf32>,
        %swap3A_613 = vector.shape_cast %swap3A_612 : vector<1x16xf32> to vector<16xf32>
        %swap3A_614 = vector.shape_cast %mul3A_607 : vector<16xf32> to vector<1x16xf32>
        tpu.vector_store %arg13[%swap3A_610, %swap3A_611], %swap3A_614 {strides = array<i32>} : memref<128x64xf32, #tpu.memory_space<vmem>>, vector<1x16xf32>,
        %slice3A_615 = vector.extract_strided_slice %get3A_245 {offsets = [6], sizes = [1], strides = [1]} : vector<16xf32> to vector<1xf32>
        %squeeze3A_616 = vector.extract %slice3A_615[0] : f32 from vector<1xf32>
        %add3A_617 = arith.constant 6 : i32
        %add3A_618 = arith.addi %add3A_242, %add3A_617 : i32
        %get3A_619 = arith.index_cast %add3A_618 : i32 to index
        %get3A_620 = arith.constant 0 : index
        %get3A_621 = tpu.vector_load %arg11[%get3A_619, %get3A_620] {strides = array<i32>} : memref<128x64xf32, #tpu.memory_space<vmem>>, vector<1x16xf32>,
        %get3A_622 = vector.shape_cast %get3A_621 : vector<1x16xf32> to vector<16xf32>
        %mul3A_623 = vector.broadcast %squeeze3A_616 : f32 to vector<16xf32>
        %mul3A_624 = arith.mulf %get3A_622, %mul3A_623 : vector<16xf32>
        %add3A_625 = arith.constant 6 : i32
        %add3A_626 = arith.addi %add3A_242, %add3A_625 : i32
        %swap3A_627 = arith.index_cast %add3A_626 : i32 to index
        %swap3A_628 = arith.constant 0 : index
        %swap3A_629 = tpu.vector_load %arg13[%swap3A_627, %swap3A_628] {strides = array<i32>} : memref<128x64xf32, #tpu.memory_space<vmem>>, vector<1x16xf32>,
        %swap3A_630 = vector.shape_cast %swap3A_629 : vector<1x16xf32> to vector<16xf32>
        %swap3A_631 = vector.shape_cast %mul3A_624 : vector<16xf32> to vector<1x16xf32>
        tpu.vector_store %arg13[%swap3A_627, %swap3A_628], %swap3A_631 {strides = array<i32>} : memref<128x64xf32, #tpu.memory_space<vmem>>, vector<1x16xf32>,
        %add3A_632 = arith.constant 6 : i32
        %add3A_633 = arith.addi %add3A_242, %add3A_632 : i32
        %get3A_634 = arith.index_cast %add3A_633 : i32 to index
        %get3A_635 = arith.constant 16 : index
        %get3A_636 = tpu.vector_load %arg11[%get3A_634, %get3A_635] {strides = array<i32>} : memref<128x64xf32, #tpu.memory_space<vmem>>, vector<1x16xf32>,
        %get3A_637 = vector.shape_cast %get3A_636 : vector<1x16xf32> to vector<16xf32>
        %mul3A_638 = vector.broadcast %squeeze3A_616 : f32 to vector<16xf32>
        %mul3A_639 = arith.mulf %get3A_637, %mul3A_638 : vector<16xf32>
        %add3A_640 = arith.constant 6 : i32
        %add3A_641 = arith.addi %add3A_242, %add3A_640 : i32
        %swap3A_642 = arith.index_cast %add3A_641 : i32 to index
        %swap3A_643 = arith.constant 16 : index
        %swap3A_644 = tpu.vector_load %arg13[%swap3A_642, %swap3A_643] {strides = array<i32>} : memref<128x64xf32, #tpu.memory_space<vmem>>, vector<1x16xf32>,
        %swap3A_645 = vector.shape_cast %swap3A_644 : vector<1x16xf32> to vector<16xf32>
        %swap3A_646 = vector.shape_cast %mul3A_639 : vector<16xf32> to vector<1x16xf32>
        tpu.vector_store %arg13[%swap3A_642, %swap3A_643], %swap3A_646 {strides = array<i32>} : memref<128x64xf32, #tpu.memory_space<vmem>>, vector<1x16xf32>,
        %add3A_647 = arith.constant 6 : i32
        %add3A_648 = arith.addi %add3A_242, %add3A_647 : i32
        %get3A_649 = arith.index_cast %add3A_648 : i32 to index
        %get3A_650 = arith.constant 32 : index
        %get3A_651 = tpu.vector_load %arg11[%get3A_649, %get3A_650] {strides = array<i32>} : memref<128x64xf32, #tpu.memory_space<vmem>>, vector<1x16xf32>,
        %get3A_652 = vector.shape_cast %get3A_651 : vector<1x16xf32> to vector<16xf32>
        %mul3A_653 = vector.broadcast %squeeze3A_616 : f32 to vector<16xf32>
        %mul3A_654 = arith.mulf %get3A_652, %mul3A_653 : vector<16xf32>
        %add3A_655 = arith.constant 6 : i32
        %add3A_656 = arith.addi %add3A_242, %add3A_655 : i32
        %swap3A_657 = arith.index_cast %add3A_656 : i32 to index
        %swap3A_658 = arith.constant 32 : index
        %swap3A_659 = tpu.vector_load %arg13[%swap3A_657, %swap3A_658] {strides = array<i32>} : memref<128x64xf32, #tpu.memory_space<vmem>>, vector<1x16xf32>,
        %swap3A_660 = vector.shape_cast %swap3A_659 : vector<1x16xf32> to vector<16xf32>
        %swap3A_661 = vector.shape_cast %mul3A_654 : vector<16xf32> to vector<1x16xf32>
        tpu.vector_store %arg13[%swap3A_657, %swap3A_658], %swap3A_661 {strides = array<i32>} : memref<128x64xf32, #tpu.memory_space<vmem>>, vector<1x16xf32>,
        %add3A_662 = arith.constant 6 : i32
        %add3A_663 = arith.addi %add3A_242, %add3A_662 : i32
        %get3A_664 = arith.index_cast %add3A_663 : i32 to index
        %get3A_665 = arith.constant 48 : index
        %get3A_666 = tpu.vector_load %arg11[%get3A_664, %get3A_665] {strides = array<i32>} : memref<128x64xf32, #tpu.memory_space<vmem>>, vector<1x16xf32>,
        %get3A_667 = vector.shape_cast %get3A_666 : vector<1x16xf32> to vector<16xf32>
        %mul3A_668 = vector.broadcast %squeeze3A_616 : f32 to vector<16xf32>
        %mul3A_669 = arith.mulf %get3A_667, %mul3A_668 : vector<16xf32>
        %add3A_670 = arith.constant 6 : i32
        %add3A_671 = arith.addi %add3A_242, %add3A_670 : i32
        %swap3A_672 = arith.index_cast %add3A_671 : i32 to index
        %swap3A_673 = arith.constant 48 : index
        %swap3A_674 = tpu.vector_load %arg13[%swap3A_672, %swap3A_673] {strides = array<i32>} : memref<128x64xf32, #tpu.memory_space<vmem>>, vector<1x16xf32>,
        %swap3A_675 = vector.shape_cast %swap3A_674 : vector<1x16xf32> to vector<16xf32>
        %swap3A_676 = vector.shape_cast %mul3A_669 : vector<16xf32> to vector<1x16xf32>
        tpu.vector_store %arg13[%swap3A_672, %swap3A_673], %swap3A_676 {strides = array<i32>} : memref<128x64xf32, #tpu.memory_space<vmem>>, vector<1x16xf32>,
        %slice3A_677 = vector.extract_strided_slice %get3A_245 {offsets = [7], sizes = [1], strides = [1]} : vector<16xf32> to vector<1xf32>
        %squeeze3A_678 = vector.extract %slice3A_677[0] : f32 from vector<1xf32>
        %add3A_679 = arith.constant 7 : i32
        %add3A_680 = arith.addi %add3A_242, %add3A_679 : i32
        %get3A_681 = arith.index_cast %add3A_680 : i32 to index
        %get3A_682 = arith.constant 0 : index
        %get3A_683 = tpu.vector_load %arg11[%get3A_681, %get3A_682] {strides = array<i32>} : memref<128x64xf32, #tpu.memory_space<vmem>>, vector<1x16xf32>,
        %get3A_684 = vector.shape_cast %get3A_683 : vector<1x16xf32> to vector<16xf32>
        %mul3A_685 = vector.broadcast %squeeze3A_678 : f32 to vector<16xf32>
        %mul3A_686 = arith.mulf %get3A_684, %mul3A_685 : vector<16xf32>
        %add3A_687 = arith.constant 7 : i32
        %add3A_688 = arith.addi %add3A_242, %add3A_687 : i32
        %swap3A_689 = arith.index_cast %add3A_688 : i32 to index
        %swap3A_690 = arith.constant 0 : index
        %swap3A_691 = tpu.vector_load %arg13[%swap3A_689, %swap3A_690] {strides = array<i32>} : memref<128x64xf32, #tpu.memory_space<vmem>>, vector<1x16xf32>,
        %swap3A_692 = vector.shape_cast %swap3A_691 : vector<1x16xf32> to vector<16xf32>
        %swap3A_693 = vector.shape_cast %mul3A_686 : vector<16xf32> to vector<1x16xf32>
        tpu.vector_store %arg13[%swap3A_689, %swap3A_690], %swap3A_693 {strides = array<i32>} : memref<128x64xf32, #tpu.memory_space<vmem>>, vector<1x16xf32>,
        %add3A_694 = arith.constant 7 : i32
        %add3A_695 = arith.addi %add3A_242, %add3A_694 : i32
        %get3A_696 = arith.index_cast %add3A_695 : i32 to index
        %get3A_697 = arith.constant 16 : index
        %get3A_698 = tpu.vector_load %arg11[%get3A_696, %get3A_697] {strides = array<i32>} : memref<128x64xf32, #tpu.memory_space<vmem>>, vector<1x16xf32>,
        %get3A_699 = vector.shape_cast %get3A_698 : vector<1x16xf32> to vector<16xf32>
        %mul3A_700 = vector.broadcast %squeeze3A_678 : f32 to vector<16xf32>
        %mul3A_701 = arith.mulf %get3A_699, %mul3A_700 : vector<16xf32>
        %add3A_702 = arith.constant 7 : i32
        %add3A_703 = arith.addi %add3A_242, %add3A_702 : i32
        %swap3A_704 = arith.index_cast %add3A_703 : i32 to index
        %swap3A_705 = arith.constant 16 : index
        %swap3A_706 = tpu.vector_load %arg13[%swap3A_704, %swap3A_705] {strides = array<i32>} : memref<128x64xf32, #tpu.memory_space<vmem>>, vector<1x16xf32>,
        %swap3A_707 = vector.shape_cast %swap3A_706 : vector<1x16xf32> to vector<16xf32>
        %swap3A_708 = vector.shape_cast %mul3A_701 : vector<16xf32> to vector<1x16xf32>
        tpu.vector_store %arg13[%swap3A_704, %swap3A_705], %swap3A_708 {strides = array<i32>} : memref<128x64xf32, #tpu.memory_space<vmem>>, vector<1x16xf32>,
        %add3A_709 = arith.constant 7 : i32
        %add3A_710 = arith.addi %add3A_242, %add3A_709 : i32
        %get3A_711 = arith.index_cast %add3A_710 : i32 to index
        %get3A_712 = arith.constant 32 : index
        %get3A_713 = tpu.vector_load %arg11[%get3A_711, %get3A_712] {strides = array<i32>} : memref<128x64xf32, #tpu.memory_space<vmem>>, vector<1x16xf32>,
        %get3A_714 = vector.shape_cast %get3A_713 : vector<1x16xf32> to vector<16xf32>
        %mul3A_715 = vector.broadcast %squeeze3A_678 : f32 to vector<16xf32>
        %mul3A_716 = arith.mulf %get3A_714, %mul3A_715 : vector<16xf32>
        %add3A_717 = arith.constant 7 : i32
        %add3A_718 = arith.addi %add3A_242, %add3A_717 : i32
        %swap3A_719 = arith.index_cast %add3A_718 : i32 to index
        %swap3A_720 = arith.constant 32 : index
        %swap3A_721 = tpu.vector_load %arg13[%swap3A_719, %swap3A_720] {strides = array<i32>} : memref<128x64xf32, #tpu.memory_space<vmem>>, vector<1x16xf32>,
        %swap3A_722 = vector.shape_cast %swap3A_721 : vector<1x16xf32> to vector<16xf32>
        %swap3A_723 = vector.shape_cast %mul3A_716 : vector<16xf32> to vector<1x16xf32>
        tpu.vector_store %arg13[%swap3A_719, %swap3A_720], %swap3A_723 {strides = array<i32>} : memref<128x64xf32, #tpu.memory_space<vmem>>, vector<1x16xf32>,
        %add3A_724 = arith.constant 7 : i32
        %add3A_725 = arith.addi %add3A_242, %add3A_724 : i32
        %get3A_726 = arith.index_cast %add3A_725 : i32 to index
        %get3A_727 = arith.constant 48 : index
        %get3A_728 = tpu.vector_load %arg11[%get3A_726, %get3A_727] {strides = array<i32>} : memref<128x64xf32, #tpu.memory_space<vmem>>, vector<1x16xf32>,
        %get3A_729 = vector.shape_cast %get3A_728 : vector<1x16xf32> to vector<16xf32>
        %mul3A_730 = vector.broadcast %squeeze3A_678 : f32 to vector<16xf32>
        %mul3A_731 = arith.mulf %get3A_729, %mul3A_730 : vector<16xf32>
        %add3A_732 = arith.constant 7 : i32
        %add3A_733 = arith.addi %add3A_242, %add3A_732 : i32
        %swap3A_734 = arith.index_cast %add3A_733 : i32 to index
        %swap3A_735 = arith.constant 48 : index
        %swap3A_736 = tpu.vector_load %arg13[%swap3A_734, %swap3A_735] {strides = array<i32>} : memref<128x64xf32, #tpu.memory_space<vmem>>, vector<1x16xf32>,
        %swap3A_737 = vector.shape_cast %swap3A_736 : vector<1x16xf32> to vector<16xf32>
        %swap3A_738 = vector.shape_cast %mul3A_731 : vector<16xf32> to vector<1x16xf32>
        tpu.vector_store %arg13[%swap3A_734, %swap3A_735], %swap3A_738 {strides = array<i32>} : memref<128x64xf32, #tpu.memory_space<vmem>>, vector<1x16xf32>,
        %slice3A_739 = vector.extract_strided_slice %get3A_245 {offsets = [8], sizes = [1], strides = [1]} : vector<16xf32> to vector<1xf32>
        %squeeze3A_740 = vector.extract %slice3A_739[0] : f32 from vector<1xf32>
        %add3A_741 = arith.constant 8 : i32
        %add3A_742 = arith.addi %add3A_242, %add3A_741 : i32
        %get3A_743 = arith.index_cast %add3A_742 : i32 to index
        %get3A_744 = arith.constant 0 : index
        %get3A_745 = tpu.vector_load %arg11[%get3A_743, %get3A_744] {strides = array<i32>} : memref<128x64xf32, #tpu.memory_space<vmem>>, vector<1x16xf32>,
        %get3A_746 = vector.shape_cast %get3A_745 : vector<1x16xf32> to vector<16xf32>
        %mul3A_747 = vector.broadcast %squeeze3A_740 : f32 to vector<16xf32>
        %mul3A_748 = arith.mulf %get3A_746, %mul3A_747 : vector<16xf32>
        %add3A_749 = arith.constant 8 : i32
        %add3A_750 = arith.addi %add3A_242, %add3A_749 : i32
        %swap3A_751 = arith.index_cast %add3A_750 : i32 to index
        %swap3A_752 = arith.constant 0 : index
        %swap3A_753 = tpu.vector_load %arg13[%swap3A_751, %swap3A_752] {strides = array<i32>} : memref<128x64xf32, #tpu.memory_space<vmem>>, vector<1x16xf32>,
        %swap3A_754 = vector.shape_cast %swap3A_753 : vector<1x16xf32> to vector<16xf32>
        %swap3A_755 = vector.shape_cast %mul3A_748 : vector<16xf32> to vector<1x16xf32>
        tpu.vector_store %arg13[%swap3A_751, %swap3A_752], %swap3A_755 {strides = array<i32>} : memref<128x64xf32, #tpu.memory_space<vmem>>, vector<1x16xf32>,
        %add3A_756 = arith.constant 8 : i32
        %add3A_757 = arith.addi %add3A_242, %add3A_756 : i32
        %get3A_758 = arith.index_cast %add3A_757 : i32 to index
        %get3A_759 = arith.constant 16 : index
        %get3A_760 = tpu.vector_load %arg11[%get3A_758, %get3A_759] {strides = array<i32>} : memref<128x64xf32, #tpu.memory_space<vmem>>, vector<1x16xf32>,
        %get3A_761 = vector.shape_cast %get3A_760 : vector<1x16xf32> to vector<16xf32>
        %mul3A_762 = vector.broadcast %squeeze3A_740 : f32 to vector<16xf32>
        %mul3A_763 = arith.mulf %get3A_761, %mul3A_762 : vector<16xf32>
        %add3A_764 = arith.constant 8 : i32
        %add3A_765 = arith.addi %add3A_242, %add3A_764 : i32
        %swap3A_766 = arith.index_cast %add3A_765 : i32 to index
        %swap3A_767 = arith.constant 16 : index
        %swap3A_768 = tpu.vector_load %arg13[%swap3A_766, %swap3A_767] {strides = array<i32>} : memref<128x64xf32, #tpu.memory_space<vmem>>, vector<1x16xf32>,
        %swap3A_769 = vector.shape_cast %swap3A_768 : vector<1x16xf32> to vector<16xf32>
        %swap3A_770 = vector.shape_cast %mul3A_763 : vector<16xf32> to vector<1x16xf32>
        tpu.vector_store %arg13[%swap3A_766, %swap3A_767], %swap3A_770 {strides = array<i32>} : memref<128x64xf32, #tpu.memory_space<vmem>>, vector<1x16xf32>,
        %add3A_771 = arith.constant 8 : i32
        %add3A_772 = arith.addi %add3A_242, %add3A_771 : i32
        %get3A_773 = arith.index_cast %add3A_772 : i32 to index
        %get3A_774 = arith.constant 32 : index
        %get3A_775 = tpu.vector_load %arg11[%get3A_773, %get3A_774] {strides = array<i32>} : memref<128x64xf32, #tpu.memory_space<vmem>>, vector<1x16xf32>,
        %get3A_776 = vector.shape_cast %get3A_775 : vector<1x16xf32> to vector<16xf32>
        %mul3A_777 = vector.broadcast %squeeze3A_740 : f32 to vector<16xf32>
        %mul3A_778 = arith.mulf %get3A_776, %mul3A_777 : vector<16xf32>
        %add3A_779 = arith.constant 8 : i32
        %add3A_780 = arith.addi %add3A_242, %add3A_779 : i32
        %swap3A_781 = arith.index_cast %add3A_780 : i32 to index
        %swap3A_782 = arith.constant 32 : index
        %swap3A_783 = tpu.vector_load %arg13[%swap3A_781, %swap3A_782] {strides = array<i32>} : memref<128x64xf32, #tpu.memory_space<vmem>>, vector<1x16xf32>,
        %swap3A_784 = vector.shape_cast %swap3A_783 : vector<1x16xf32> to vector<16xf32>
        %swap3A_785 = vector.shape_cast %mul3A_778 : vector<16xf32> to vector<1x16xf32>
        tpu.vector_store %arg13[%swap3A_781, %swap3A_782], %swap3A_785 {strides = array<i32>} : memref<128x64xf32, #tpu.memory_space<vmem>>, vector<1x16xf32>,
        %add3A_786 = arith.constant 8 : i32
        %add3A_787 = arith.addi %add3A_242, %add3A_786 : i32
        %get3A_788 = arith.index_cast %add3A_787 : i32 to index
        %get3A_789 = arith.constant 48 : index
        %get3A_790 = tpu.vector_load %arg11[%get3A_788, %get3A_789] {strides = array<i32>} : memref<128x64xf32, #tpu.memory_space<vmem>>, vector<1x16xf32>,
        %get3A_791 = vector.shape_cast %get3A_790 : vector<1x16xf32> to vector<16xf32>
        %mul3A_792 = vector.broadcast %squeeze3A_740 : f32 to vector<16xf32>
        %mul3A_793 = arith.mulf %get3A_791, %mul3A_792 : vector<16xf32>
        %add3A_794 = arith.constant 8 : i32
        %add3A_795 = arith.addi %add3A_242, %add3A_794 : i32
        %swap3A_796 = arith.index_cast %add3A_795 : i32 to index
        %swap3A_797 = arith.constant 48 : index
        %swap3A_798 = tpu.vector_load %arg13[%swap3A_796, %swap3A_797] {strides = array<i32>} : memref<128x64xf32, #tpu.memory_space<vmem>>, vector<1x16xf32>,
        %swap3A_799 = vector.shape_cast %swap3A_798 : vector<1x16xf32> to vector<16xf32>
        %swap3A_800 = vector.shape_cast %mul3A_793 : vector<16xf32> to vector<1x16xf32>
        tpu.vector_store %arg13[%swap3A_796, %swap3A_797], %swap3A_800 {strides = array<i32>} : memref<128x64xf32, #tpu.memory_space<vmem>>, vector<1x16xf32>,
        %slice3A_801 = vector.extract_strided_slice %get3A_245 {offsets = [9], sizes = [1], strides = [1]} : vector<16xf32> to vector<1xf32>
        %squeeze3A_802 = vector.extract %slice3A_801[0] : f32 from vector<1xf32>
        %add3A_803 = arith.constant 9 : i32
        %add3A_804 = arith.addi %add3A_242, %add3A_803 : i32
        %get3A_805 = arith.index_cast %add3A_804 : i32 to index
        %get3A_806 = arith.constant 0 : index
        %get3A_807 = tpu.vector_load %arg11[%get3A_805, %get3A_806] {strides = array<i32>} : memref<128x64xf32, #tpu.memory_space<vmem>>, vector<1x16xf32>,
        %get3A_808 = vector.shape_cast %get3A_807 : vector<1x16xf32> to vector<16xf32>
        %mul3A_809 = vector.broadcast %squeeze3A_802 : f32 to vector<16xf32>
        %mul3A_810 = arith.mulf %get3A_808, %mul3A_809 : vector<16xf32>
        %add3A_811 = arith.constant 9 : i32
        %add3A_812 = arith.addi %add3A_242, %add3A_811 : i32
        %swap3A_813 = arith.index_cast %add3A_812 : i32 to index
        %swap3A_814 = arith.constant 0 : index
        %swap3A_815 = tpu.vector_load %arg13[%swap3A_813, %swap3A_814] {strides = array<i32>} : memref<128x64xf32, #tpu.memory_space<vmem>>, vector<1x16xf32>,
        %swap3A_816 = vector.shape_cast %swap3A_815 : vector<1x16xf32> to vector<16xf32>
        %swap3A_817 = vector.shape_cast %mul3A_810 : vector<16xf32> to vector<1x16xf32>
        tpu.vector_store %arg13[%swap3A_813, %swap3A_814], %swap3A_817 {strides = array<i32>} : memref<128x64xf32, #tpu.memory_space<vmem>>, vector<1x16xf32>,
        %add3A_818 = arith.constant 9 : i32
        %add3A_819 = arith.addi %add3A_242, %add3A_818 : i32
        %get3A_820 = arith.index_cast %add3A_819 : i32 to index
        %get3A_821 = arith.constant 16 : index
        %get3A_822 = tpu.vector_load %arg11[%get3A_820, %get3A_821] {strides = array<i32>} : memref<128x64xf32, #tpu.memory_space<vmem>>, vector<1x16xf32>,
        %get3A_823 = vector.shape_cast %get3A_822 : vector<1x16xf32> to vector<16xf32>
        %mul3A_824 = vector.broadcast %squeeze3A_802 : f32 to vector<16xf32>
        %mul3A_825 = arith.mulf %get3A_823, %mul3A_824 : vector<16xf32>
        %add3A_826 = arith.constant 9 : i32
        %add3A_827 = arith.addi %add3A_242, %add3A_826 : i32
        %swap3A_828 = arith.index_cast %add3A_827 : i32 to index
        %swap3A_829 = arith.constant 16 : index
        %swap3A_830 = tpu.vector_load %arg13[%swap3A_828, %swap3A_829] {strides = array<i32>} : memref<128x64xf32, #tpu.memory_space<vmem>>, vector<1x16xf32>,
        %swap3A_831 = vector.shape_cast %swap3A_830 : vector<1x16xf32> to vector<16xf32>
        %swap3A_832 = vector.shape_cast %mul3A_825 : vector<16xf32> to vector<1x16xf32>
        tpu.vector_store %arg13[%swap3A_828, %swap3A_829], %swap3A_832 {strides = array<i32>} : memref<128x64xf32, #tpu.memory_space<vmem>>, vector<1x16xf32>,
        %add3A_833 = arith.constant 9 : i32
        %add3A_834 = arith.addi %add3A_242, %add3A_833 : i32
        %get3A_835 = arith.index_cast %add3A_834 : i32 to index
        %get3A_836 = arith.constant 32 : index
        %get3A_837 = tpu.vector_load %arg11[%get3A_835, %get3A_836] {strides = array<i32>} : memref<128x64xf32, #tpu.memory_space<vmem>>, vector<1x16xf32>,
        %get3A_838 = vector.shape_cast %get3A_837 : vector<1x16xf32> to vector<16xf32>
        %mul3A_839 = vector.broadcast %squeeze3A_802 : f32 to vector<16xf32>
        %mul3A_840 = arith.mulf %get3A_838, %mul3A_839 : vector<16xf32>
        %add3A_841 = arith.constant 9 : i32
        %add3A_842 = arith.addi %add3A_242, %add3A_841 : i32
        %swap3A_843 = arith.index_cast %add3A_842 : i32 to index
        %swap3A_844 = arith.constant 32 : index
        %swap3A_845 = tpu.vector_load %arg13[%swap3A_843, %swap3A_844] {strides = array<i32>} : memref<128x64xf32, #tpu.memory_space<vmem>>, vector<1x16xf32>,
        %swap3A_846 = vector.shape_cast %swap3A_845 : vector<1x16xf32> to vector<16xf32>
        %swap3A_847 = vector.shape_cast %mul3A_840 : vector<16xf32> to vector<1x16xf32>
        tpu.vector_store %arg13[%swap3A_843, %swap3A_844], %swap3A_847 {strides = array<i32>} : memref<128x64xf32, #tpu.memory_space<vmem>>, vector<1x16xf32>,
        %add3A_848 = arith.constant 9 : i32
        %add3A_849 = arith.addi %add3A_242, %add3A_848 : i32
        %get3A_850 = arith.index_cast %add3A_849 : i32 to index
        %get3A_851 = arith.constant 48 : index
        %get3A_852 = tpu.vector_load %arg11[%get3A_850, %get3A_851] {strides = array<i32>} : memref<128x64xf32, #tpu.memory_space<vmem>>, vector<1x16xf32>,
        %get3A_853 = vector.shape_cast %get3A_852 : vector<1x16xf32> to vector<16xf32>
        %mul3A_854 = vector.broadcast %squeeze3A_802 : f32 to vector<16xf32>
        %mul3A_855 = arith.mulf %get3A_853, %mul3A_854 : vector<16xf32>
        %add3A_856 = arith.constant 9 : i32
        %add3A_857 = arith.addi %add3A_242, %add3A_856 : i32
        %swap3A_858 = arith.index_cast %add3A_857 : i32 to index
        %swap3A_859 = arith.constant 48 : index
        %swap3A_860 = tpu.vector_load %arg13[%swap3A_858, %swap3A_859] {strides = array<i32>} : memref<128x64xf32, #tpu.memory_space<vmem>>, vector<1x16xf32>,
        %swap3A_861 = vector.shape_cast %swap3A_860 : vector<1x16xf32> to vector<16xf32>
        %swap3A_862 = vector.shape_cast %mul3A_855 : vector<16xf32> to vector<1x16xf32>
        tpu.vector_store %arg13[%swap3A_858, %swap3A_859], %swap3A_862 {strides = array<i32>} : memref<128x64xf32, #tpu.memory_space<vmem>>, vector<1x16xf32>,
        %slice3A_863 = vector.extract_strided_slice %get3A_245 {offsets = [10], sizes = [1], strides = [1]} : vector<16xf32> to vector<1xf32>
        %squeeze3A_864 = vector.extract %slice3A_863[0] : f32 from vector<1xf32>
        %add3A_865 = arith.constant 10 : i32
        %add3A_866 = arith.addi %add3A_242, %add3A_865 : i32
        %get3A_867 = arith.index_cast %add3A_866 : i32 to index
        %get3A_868 = arith.constant 0 : index
        %get3A_869 = tpu.vector_load %arg11[%get3A_867, %get3A_868] {strides = array<i32>} : memref<128x64xf32, #tpu.memory_space<vmem>>, vector<1x16xf32>,
        %get3A_870 = vector.shape_cast %get3A_869 : vector<1x16xf32> to vector<16xf32>
        %mul3A_871 = vector.broadcast %squeeze3A_864 : f32 to vector<16xf32>
        %mul3A_872 = arith.mulf %get3A_870, %mul3A_871 : vector<16xf32>
        %add3A_873 = arith.constant 10 : i32
        %add3A_874 = arith.addi %add3A_242, %add3A_873 : i32
        %swap3A_875 = arith.index_cast %add3A_874 : i32 to index
        %swap3A_876 = arith.constant 0 : index
        %swap3A_877 = tpu.vector_load %arg13[%swap3A_875, %swap3A_876] {strides = array<i32>} : memref<128x64xf32, #tpu.memory_space<vmem>>, vector<1x16xf32>,
        %swap3A_878 = vector.shape_cast %swap3A_877 : vector<1x16xf32> to vector<16xf32>
        %swap3A_879 = vector.shape_cast %mul3A_872 : vector<16xf32> to vector<1x16xf32>
        tpu.vector_store %arg13[%swap3A_875, %swap3A_876], %swap3A_879 {strides = array<i32>} : memref<128x64xf32, #tpu.memory_space<vmem>>, vector<1x16xf32>,
        %add3A_880 = arith.constant 10 : i32
        %add3A_881 = arith.addi %add3A_242, %add3A_880 : i32
        %get3A_882 = arith.index_cast %add3A_881 : i32 to index
        %get3A_883 = arith.constant 16 : index
        %get3A_884 = tpu.vector_load %arg11[%get3A_882, %get3A_883] {strides = array<i32>} : memref<128x64xf32, #tpu.memory_space<vmem>>, vector<1x16xf32>,
        %get3A_885 = vector.shape_cast %get3A_884 : vector<1x16xf32> to vector<16xf32>
        %mul3A_886 = vector.broadcast %squeeze3A_864 : f32 to vector<16xf32>
        %mul3A_887 = arith.mulf %get3A_885, %mul3A_886 : vector<16xf32>
        %add3A_888 = arith.constant 10 : i32
        %add3A_889 = arith.addi %add3A_242, %add3A_888 : i32
        %swap3A_890 = arith.index_cast %add3A_889 : i32 to index
        %swap3A_891 = arith.constant 16 : index
        %swap3A_892 = tpu.vector_load %arg13[%swap3A_890, %swap3A_891] {strides = array<i32>} : memref<128x64xf32, #tpu.memory_space<vmem>>, vector<1x16xf32>,
        %swap3A_893 = vector.shape_cast %swap3A_892 : vector<1x16xf32> to vector<16xf32>
        %swap3A_894 = vector.shape_cast %mul3A_887 : vector<16xf32> to vector<1x16xf32>
        tpu.vector_store %arg13[%swap3A_890, %swap3A_891], %swap3A_894 {strides = array<i32>} : memref<128x64xf32, #tpu.memory_space<vmem>>, vector<1x16xf32>,
        %add3A_895 = arith.constant 10 : i32
        %add3A_896 = arith.addi %add3A_242, %add3A_895 : i32
        %get3A_897 = arith.index_cast %add3A_896 : i32 to index
        %get3A_898 = arith.constant 32 : index
        %get3A_899 = tpu.vector_load %arg11[%get3A_897, %get3A_898] {strides = array<i32>} : memref<128x64xf32, #tpu.memory_space<vmem>>, vector<1x16xf32>,
        %get3A_900 = vector.shape_cast %get3A_899 : vector<1x16xf32> to vector<16xf32>
        %mul3A_901 = vector.broadcast %squeeze3A_864 : f32 to vector<16xf32>
        %mul3A_902 = arith.mulf %get3A_900, %mul3A_901 : vector<16xf32>
        %add3A_903 = arith.constant 10 : i32
        %add3A_904 = arith.addi %add3A_242, %add3A_903 : i32
        %swap3A_905 = arith.index_cast %add3A_904 : i32 to index
        %swap3A_906 = arith.constant 32 : index
        %swap3A_907 = tpu.vector_load %arg13[%swap3A_905, %swap3A_906] {strides = array<i32>} : memref<128x64xf32, #tpu.memory_space<vmem>>, vector<1x16xf32>,
        %swap3A_908 = vector.shape_cast %swap3A_907 : vector<1x16xf32> to vector<16xf32>
        %swap3A_909 = vector.shape_cast %mul3A_902 : vector<16xf32> to vector<1x16xf32>
        tpu.vector_store %arg13[%swap3A_905, %swap3A_906], %swap3A_909 {strides = array<i32>} : memref<128x64xf32, #tpu.memory_space<vmem>>, vector<1x16xf32>,
        %add3A_910 = arith.constant 10 : i32
        %add3A_911 = arith.addi %add3A_242, %add3A_910 : i32
        %get3A_912 = arith.index_cast %add3A_911 : i32 to index
        %get3A_913 = arith.constant 48 : index
        %get3A_914 = tpu.vector_load %arg11[%get3A_912, %get3A_913] {strides = array<i32>} : memref<128x64xf32, #tpu.memory_space<vmem>>, vector<1x16xf32>,
        %get3A_915 = vector.shape_cast %get3A_914 : vector<1x16xf32> to vector<16xf32>
        %mul3A_916 = vector.broadcast %squeeze3A_864 : f32 to vector<16xf32>
        %mul3A_917 = arith.mulf %get3A_915, %mul3A_916 : vector<16xf32>
        %add3A_918 = arith.constant 10 : i32
        %add3A_919 = arith.addi %add3A_242, %add3A_918 : i32
        %swap3A_920 = arith.index_cast %add3A_919 : i32 to index
        %swap3A_921 = arith.constant 48 : index
        %swap3A_922 = tpu.vector_load %arg13[%swap3A_920, %swap3A_921] {strides = array<i32>} : memref<128x64xf32, #tpu.memory_space<vmem>>, vector<1x16xf32>,
        %swap3A_923 = vector.shape_cast %swap3A_922 : vector<1x16xf32> to vector<16xf32>
        %swap3A_924 = vector.shape_cast %mul3A_917 : vector<16xf32> to vector<1x16xf32>
        tpu.vector_store %arg13[%swap3A_920, %swap3A_921], %swap3A_924 {strides = array<i32>} : memref<128x64xf32, #tpu.memory_space<vmem>>, vector<1x16xf32>,
        %slice3A_925 = vector.extract_strided_slice %get3A_245 {offsets = [11], sizes = [1], strides = [1]} : vector<16xf32> to vector<1xf32>
        %squeeze3A_926 = vector.extract %slice3A_925[0] : f32 from vector<1xf32>
        %add3A_927 = arith.constant 11 : i32
        %add3A_928 = arith.addi %add3A_242, %add3A_927 : i32
        %get3A_929 = arith.index_cast %add3A_928 : i32 to index
        %get3A_930 = arith.constant 0 : index
        %get3A_931 = tpu.vector_load %arg11[%get3A_929, %get3A_930] {strides = array<i32>} : memref<128x64xf32, #tpu.memory_space<vmem>>, vector<1x16xf32>,
        %get3A_932 = vector.shape_cast %get3A_931 : vector<1x16xf32> to vector<16xf32>
        %mul3A_933 = vector.broadcast %squeeze3A_926 : f32 to vector<16xf32>
        %mul3A_934 = arith.mulf %get3A_932, %mul3A_933 : vector<16xf32>
        %add3A_935 = arith.constant 11 : i32
        %add3A_936 = arith.addi %add3A_242, %add3A_935 : i32
        %swap3A_937 = arith.index_cast %add3A_936 : i32 to index
        %swap3A_938 = arith.constant 0 : index
        %swap3A_939 = tpu.vector_load %arg13[%swap3A_937, %swap3A_938] {strides = array<i32>} : memref<128x64xf32, #tpu.memory_space<vmem>>, vector<1x16xf32>,
        %swap3A_940 = vector.shape_cast %swap3A_939 : vector<1x16xf32> to vector<16xf32>
        %swap3A_941 = vector.shape_cast %mul3A_934 : vector<16xf32> to vector<1x16xf32>
        tpu.vector_store %arg13[%swap3A_937, %swap3A_938], %swap3A_941 {strides = array<i32>} : memref<128x64xf32, #tpu.memory_space<vmem>>, vector<1x16xf32>,
        %add3A_942 = arith.constant 11 : i32
        %add3A_943 = arith.addi %add3A_242, %add3A_942 : i32
        %get3A_944 = arith.index_cast %add3A_943 : i32 to index
        %get3A_945 = arith.constant 16 : index
        %get3A_946 = tpu.vector_load %arg11[%get3A_944, %get3A_945] {strides = array<i32>} : memref<128x64xf32, #tpu.memory_space<vmem>>, vector<1x16xf32>,
        %get3A_947 = vector.shape_cast %get3A_946 : vector<1x16xf32> to vector<16xf32>
        %mul3A_948 = vector.broadcast %squeeze3A_926 : f32 to vector<16xf32>
        %mul3A_949 = arith.mulf %get3A_947, %mul3A_948 : vector<16xf32>
        %add3A_950 = arith.constant 11 : i32
        %add3A_951 = arith.addi %add3A_242, %add3A_950 : i32
        %swap3A_952 = arith.index_cast %add3A_951 : i32 to index
        %swap3A_953 = arith.constant 16 : index
        %swap3A_954 = tpu.vector_load %arg13[%swap3A_952, %swap3A_953] {strides = array<i32>} : memref<128x64xf32, #tpu.memory_space<vmem>>, vector<1x16xf32>,
        %swap3A_955 = vector.shape_cast %swap3A_954 : vector<1x16xf32> to vector<16xf32>
        %swap3A_956 = vector.shape_cast %mul3A_949 : vector<16xf32> to vector<1x16xf32>
        tpu.vector_store %arg13[%swap3A_952, %swap3A_953], %swap3A_956 {strides = array<i32>} : memref<128x64xf32, #tpu.memory_space<vmem>>, vector<1x16xf32>,
        %add3A_957 = arith.constant 11 : i32
        %add3A_958 = arith.addi %add3A_242, %add3A_957 : i32
        %get3A_959 = arith.index_cast %add3A_958 : i32 to index
        %get3A_960 = arith.constant 32 : index
        %get3A_961 = tpu.vector_load %arg11[%get3A_959, %get3A_960] {strides = array<i32>} : memref<128x64xf32, #tpu.memory_space<vmem>>, vector<1x16xf32>,
        %get3A_962 = vector.shape_cast %get3A_961 : vector<1x16xf32> to vector<16xf32>
        %mul3A_963 = vector.broadcast %squeeze3A_926 : f32 to vector<16xf32>
        %mul3A_964 = arith.mulf %get3A_962, %mul3A_963 : vector<16xf32>
        %add3A_965 = arith.constant 11 : i32
        %add3A_966 = arith.addi %add3A_242, %add3A_965 : i32
        %swap3A_967 = arith.index_cast %add3A_966 : i32 to index
        %swap3A_968 = arith.constant 32 : index
        %swap3A_969 = tpu.vector_load %arg13[%swap3A_967, %swap3A_968] {strides = array<i32>} : memref<128x64xf32, #tpu.memory_space<vmem>>, vector<1x16xf32>,
        %swap3A_970 = vector.shape_cast %swap3A_969 : vector<1x16xf32> to vector<16xf32>
        %swap3A_971 = vector.shape_cast %mul3A_964 : vector<16xf32> to vector<1x16xf32>
        tpu.vector_store %arg13[%swap3A_967, %swap3A_968], %swap3A_971 {strides = array<i32>} : memref<128x64xf32, #tpu.memory_space<vmem>>, vector<1x16xf32>,
        %add3A_972 = arith.constant 11 : i32
        %add3A_973 = arith.addi %add3A_242, %add3A_972 : i32
        %get3A_974 = arith.index_cast %add3A_973 : i32 to index
        %get3A_975 = arith.constant 48 : index
        %get3A_976 = tpu.vector_load %arg11[%get3A_974, %get3A_975] {strides = array<i32>} : memref<128x64xf32, #tpu.memory_space<vmem>>, vector<1x16xf32>,
        %get3A_977 = vector.shape_cast %get3A_976 : vector<1x16xf32> to vector<16xf32>
        %mul3A_978 = vector.broadcast %squeeze3A_926 : f32 to vector<16xf32>
        %mul3A_979 = arith.mulf %get3A_977, %mul3A_978 : vector<16xf32>
        %add3A_980 = arith.constant 11 : i32
        %add3A_981 = arith.addi %add3A_242, %add3A_980 : i32
        %swap3A_982 = arith.index_cast %add3A_981 : i32 to index
        %swap3A_983 = arith.constant 48 : index
        %swap3A_984 = tpu.vector_load %arg13[%swap3A_982, %swap3A_983] {strides = array<i32>} : memref<128x64xf32, #tpu.memory_space<vmem>>, vector<1x16xf32>,
        %swap3A_985 = vector.shape_cast %swap3A_984 : vector<1x16xf32> to vector<16xf32>
        %swap3A_986 = vector.shape_cast %mul3A_979 : vector<16xf32> to vector<1x16xf32>
        tpu.vector_store %arg13[%swap3A_982, %swap3A_983], %swap3A_986 {strides = array<i32>} : memref<128x64xf32, #tpu.memory_space<vmem>>, vector<1x16xf32>,
        %slice3A_987 = vector.extract_strided_slice %get3A_245 {offsets = [12], sizes = [1], strides = [1]} : vector<16xf32> to vector<1xf32>
        %squeeze3A_988 = vector.extract %slice3A_987[0] : f32 from vector<1xf32>
        %add3A_989 = arith.constant 12 : i32
        %add3A_990 = arith.addi %add3A_242, %add3A_989 : i32
        %get3A_991 = arith.index_cast %add3A_990 : i32 to index
        %get3A_992 = arith.constant 0 : index
        %get3A_993 = tpu.vector_load %arg11[%get3A_991, %get3A_992] {strides = array<i32>} : memref<128x64xf32, #tpu.memory_space<vmem>>, vector<1x16xf32>,
        %get3A_994 = vector.shape_cast %get3A_993 : vector<1x16xf32> to vector<16xf32>
        %mul3A_995 = vector.broadcast %squeeze3A_988 : f32 to vector<16xf32>
        %mul3A_996 = arith.mulf %get3A_994, %mul3A_995 : vector<16xf32>
        %add3A_997 = arith.constant 12 : i32
        %add3A_998 = arith.addi %add3A_242, %add3A_997 : i32
        %swap3A_999 = arith.index_cast %add3A_998 : i32 to index
        %swap3A_1000 = arith.constant 0 : index
        %swap3A_1001 = tpu.vector_load %arg13[%swap3A_999, %swap3A_1000] {strides = array<i32>} : memref<128x64xf32, #tpu.memory_space<vmem>>, vector<1x16xf32>,
        %swap3A_1002 = vector.shape_cast %swap3A_1001 : vector<1x16xf32> to vector<16xf32>
        %swap3A_1003 = vector.shape_cast %mul3A_996 : vector<16xf32> to vector<1x16xf32>
        tpu.vector_store %arg13[%swap3A_999, %swap3A_1000], %swap3A_1003 {strides = array<i32>} : memref<128x64xf32, #tpu.memory_space<vmem>>, vector<1x16xf32>,
        %add3A_1004 = arith.constant 12 : i32
        %add3A_1005 = arith.addi %add3A_242, %add3A_1004 : i32
        %get3A_1006 = arith.index_cast %add3A_1005 : i32 to index
        %get3A_1007 = arith.constant 16 : index
        %get3A_1008 = tpu.vector_load %arg11[%get3A_1006, %get3A_1007] {strides = array<i32>} : memref<128x64xf32, #tpu.memory_space<vmem>>, vector<1x16xf32>,
        %get3A_1009 = vector.shape_cast %get3A_1008 : vector<1x16xf32> to vector<16xf32>
        %mul3A_1010 = vector.broadcast %squeeze3A_988 : f32 to vector<16xf32>
        %mul3A_1011 = arith.mulf %get3A_1009, %mul3A_1010 : vector<16xf32>
        %add3A_1012 = arith.constant 12 : i32
        %add3A_1013 = arith.addi %add3A_242, %add3A_1012 : i32
        %swap3A_1014 = arith.index_cast %add3A_1013 : i32 to index
        %swap3A_1015 = arith.constant 16 : index
        %swap3A_1016 = tpu.vector_load %arg13[%swap3A_1014, %swap3A_1015] {strides = array<i32>} : memref<128x64xf32, #tpu.memory_space<vmem>>, vector<1x16xf32>,
        %swap3A_1017 = vector.shape_cast %swap3A_1016 : vector<1x16xf32> to vector<16xf32>
        %swap3A_1018 = vector.shape_cast %mul3A_1011 : vector<16xf32> to vector<1x16xf32>
        tpu.vector_store %arg13[%swap3A_1014, %swap3A_1015], %swap3A_1018 {strides = array<i32>} : memref<128x64xf32, #tpu.memory_space<vmem>>, vector<1x16xf32>,
        %add3A_1019 = arith.constant 12 : i32
        %add3A_1020 = arith.addi %add3A_242, %add3A_1019 : i32
        %get3A_1021 = arith.index_cast %add3A_1020 : i32 to index
        %get3A_1022 = arith.constant 32 : index
        %get3A_1023 = tpu.vector_load %arg11[%get3A_1021, %get3A_1022] {strides = array<i32>} : memref<128x64xf32, #tpu.memory_space<vmem>>, vector<1x16xf32>,
        %get3A_1024 = vector.shape_cast %get3A_1023 : vector<1x16xf32> to vector<16xf32>
        %mul3A_1025 = vector.broadcast %squeeze3A_988 : f32 to vector<16xf32>
        %mul3A_1026 = arith.mulf %get3A_1024, %mul3A_1025 : vector<16xf32>
        %add3A_1027 = arith.constant 12 : i32
        %add3A_1028 = arith.addi %add3A_242, %add3A_1027 : i32
        %swap3A_1029 = arith.index_cast %add3A_1028 : i32 to index
        %swap3A_1030 = arith.constant 32 : index
        %swap3A_1031 = tpu.vector_load %arg13[%swap3A_1029, %swap3A_1030] {strides = array<i32>} : memref<128x64xf32, #tpu.memory_space<vmem>>, vector<1x16xf32>,
        %swap3A_1032 = vector.shape_cast %swap3A_1031 : vector<1x16xf32> to vector<16xf32>
        %swap3A_1033 = vector.shape_cast %mul3A_1026 : vector<16xf32> to vector<1x16xf32>
        tpu.vector_store %arg13[%swap3A_1029, %swap3A_1030], %swap3A_1033 {strides = array<i32>} : memref<128x64xf32, #tpu.memory_space<vmem>>, vector<1x16xf32>,
        %add3A_1034 = arith.constant 12 : i32
        %add3A_1035 = arith.addi %add3A_242, %add3A_1034 : i32
        %get3A_1036 = arith.index_cast %add3A_1035 : i32 to index
        %get3A_1037 = arith.constant 48 : index
        %get3A_1038 = tpu.vector_load %arg11[%get3A_1036, %get3A_1037] {strides = array<i32>} : memref<128x64xf32, #tpu.memory_space<vmem>>, vector<1x16xf32>,
        %get3A_1039 = vector.shape_cast %get3A_1038 : vector<1x16xf32> to vector<16xf32>
        %mul3A_1040 = vector.broadcast %squeeze3A_988 : f32 to vector<16xf32>
        %mul3A_1041 = arith.mulf %get3A_1039, %mul3A_1040 : vector<16xf32>
        %add3A_1042 = arith.constant 12 : i32
        %add3A_1043 = arith.addi %add3A_242, %add3A_1042 : i32
        %swap3A_1044 = arith.index_cast %add3A_1043 : i32 to index
        %swap3A_1045 = arith.constant 48 : index
        %swap3A_1046 = tpu.vector_load %arg13[%swap3A_1044, %swap3A_1045] {strides = array<i32>} : memref<128x64xf32, #tpu.memory_space<vmem>>, vector<1x16xf32>,
        %swap3A_1047 = vector.shape_cast %swap3A_1046 : vector<1x16xf32> to vector<16xf32>
        %swap3A_1048 = vector.shape_cast %mul3A_1041 : vector<16xf32> to vector<1x16xf32>
        tpu.vector_store %arg13[%swap3A_1044, %swap3A_1045], %swap3A_1048 {strides = array<i32>} : memref<128x64xf32, #tpu.memory_space<vmem>>, vector<1x16xf32>,
        %slice3A_1049 = vector.extract_strided_slice %get3A_245 {offsets = [13], sizes = [1], strides = [1]} : vector<16xf32> to vector<1xf32>
        %squeeze3A_1050 = vector.extract %slice3A_1049[0] : f32 from vector<1xf32>
        %add3A_1051 = arith.constant 13 : i32
        %add3A_1052 = arith.addi %add3A_242, %add3A_1051 : i32
        %get3A_1053 = arith.index_cast %add3A_1052 : i32 to index
        %get3A_1054 = arith.constant 0 : index
        %get3A_1055 = tpu.vector_load %arg11[%get3A_1053, %get3A_1054] {strides = array<i32>} : memref<128x64xf32, #tpu.memory_space<vmem>>, vector<1x16xf32>,
        %get3A_1056 = vector.shape_cast %get3A_1055 : vector<1x16xf32> to vector<16xf32>
        %mul3A_1057 = vector.broadcast %squeeze3A_1050 : f32 to vector<16xf32>
        %mul3A_1058 = arith.mulf %get3A_1056, %mul3A_1057 : vector<16xf32>
        %add3A_1059 = arith.constant 13 : i32
        %add3A_1060 = arith.addi %add3A_242, %add3A_1059 : i32
        %swap3A_1061 = arith.index_cast %add3A_1060 : i32 to index
        %swap3A_1062 = arith.constant 0 : index
        %swap3A_1063 = tpu.vector_load %arg13[%swap3A_1061, %swap3A_1062] {strides = array<i32>} : memref<128x64xf32, #tpu.memory_space<vmem>>, vector<1x16xf32>,
        %swap3A_1064 = vector.shape_cast %swap3A_1063 : vector<1x16xf32> to vector<16xf32>
        %swap3A_1065 = vector.shape_cast %mul3A_1058 : vector<16xf32> to vector<1x16xf32>
        tpu.vector_store %arg13[%swap3A_1061, %swap3A_1062], %swap3A_1065 {strides = array<i32>} : memref<128x64xf32, #tpu.memory_space<vmem>>, vector<1x16xf32>,
        %add3A_1066 = arith.constant 13 : i32
        %add3A_1067 = arith.addi %add3A_242, %add3A_1066 : i32
        %get3A_1068 = arith.index_cast %add3A_1067 : i32 to index
        %get3A_1069 = arith.constant 16 : index
        %get3A_1070 = tpu.vector_load %arg11[%get3A_1068, %get3A_1069] {strides = array<i32>} : memref<128x64xf32, #tpu.memory_space<vmem>>, vector<1x16xf32>,
        %get3A_1071 = vector.shape_cast %get3A_1070 : vector<1x16xf32> to vector<16xf32>
        %mul3A_1072 = vector.broadcast %squeeze3A_1050 : f32 to vector<16xf32>
        %mul3A_1073 = arith.mulf %get3A_1071, %mul3A_1072 : vector<16xf32>
        %add3A_1074 = arith.constant 13 : i32
        %add3A_1075 = arith.addi %add3A_242, %add3A_1074 : i32
        %swap3A_1076 = arith.index_cast %add3A_1075 : i32 to index
        %swap3A_1077 = arith.constant 16 : index
        %swap3A_1078 = tpu.vector_load %arg13[%swap3A_1076, %swap3A_1077] {strides = array<i32>} : memref<128x64xf32, #tpu.memory_space<vmem>>, vector<1x16xf32>,
        %swap3A_1079 = vector.shape_cast %swap3A_1078 : vector<1x16xf32> to vector<16xf32>
        %swap3A_1080 = vector.shape_cast %mul3A_1073 : vector<16xf32> to vector<1x16xf32>
        tpu.vector_store %arg13[%swap3A_1076, %swap3A_1077], %swap3A_1080 {strides = array<i32>} : memref<128x64xf32, #tpu.memory_space<vmem>>, vector<1x16xf32>,
        %add3A_1081 = arith.constant 13 : i32
        %add3A_1082 = arith.addi %add3A_242, %add3A_1081 : i32
        %get3A_1083 = arith.index_cast %add3A_1082 : i32 to index
        %get3A_1084 = arith.constant 32 : index
        %get3A_1085 = tpu.vector_load %arg11[%get3A_1083, %get3A_1084] {strides = array<i32>} : memref<128x64xf32, #tpu.memory_space<vmem>>, vector<1x16xf32>,
        %get3A_1086 = vector.shape_cast %get3A_1085 : vector<1x16xf32> to vector<16xf32>
        %mul3A_1087 = vector.broadcast %squeeze3A_1050 : f32 to vector<16xf32>
        %mul3A_1088 = arith.mulf %get3A_1086, %mul3A_1087 : vector<16xf32>
        %add3A_1089 = arith.constant 13 : i32
        %add3A_1090 = arith.addi %add3A_242, %add3A_1089 : i32
        %swap3A_1091 = arith.index_cast %add3A_1090 : i32 to index
        %swap3A_1092 = arith.constant 32 : index
        %swap3A_1093 = tpu.vector_load %arg13[%swap3A_1091, %swap3A_1092] {strides = array<i32>} : memref<128x64xf32, #tpu.memory_space<vmem>>, vector<1x16xf32>,
        %swap3A_1094 = vector.shape_cast %swap3A_1093 : vector<1x16xf32> to vector<16xf32>
        %swap3A_1095 = vector.shape_cast %mul3A_1088 : vector<16xf32> to vector<1x16xf32>
        tpu.vector_store %arg13[%swap3A_1091, %swap3A_1092], %swap3A_1095 {strides = array<i32>} : memref<128x64xf32, #tpu.memory_space<vmem>>, vector<1x16xf32>,
        %add3A_1096 = arith.constant 13 : i32
        %add3A_1097 = arith.addi %add3A_242, %add3A_1096 : i32
        %get3A_1098 = arith.index_cast %add3A_1097 : i32 to index
        %get3A_1099 = arith.constant 48 : index
        %get3A_1100 = tpu.vector_load %arg11[%get3A_1098, %get3A_1099] {strides = array<i32>} : memref<128x64xf32, #tpu.memory_space<vmem>>, vector<1x16xf32>,
        %get3A_1101 = vector.shape_cast %get3A_1100 : vector<1x16xf32> to vector<16xf32>
        %mul3A_1102 = vector.broadcast %squeeze3A_1050 : f32 to vector<16xf32>
        %mul3A_1103 = arith.mulf %get3A_1101, %mul3A_1102 : vector<16xf32>
        %add3A_1104 = arith.constant 13 : i32
        %add3A_1105 = arith.addi %add3A_242, %add3A_1104 : i32
        %swap3A_1106 = arith.index_cast %add3A_1105 : i32 to index
        %swap3A_1107 = arith.constant 48 : index
        %swap3A_1108 = tpu.vector_load %arg13[%swap3A_1106, %swap3A_1107] {strides = array<i32>} : memref<128x64xf32, #tpu.memory_space<vmem>>, vector<1x16xf32>,
        %swap3A_1109 = vector.shape_cast %swap3A_1108 : vector<1x16xf32> to vector<16xf32>
        %swap3A_1110 = vector.shape_cast %mul3A_1103 : vector<16xf32> to vector<1x16xf32>
        tpu.vector_store %arg13[%swap3A_1106, %swap3A_1107], %swap3A_1110 {strides = array<i32>} : memref<128x64xf32, #tpu.memory_space<vmem>>, vector<1x16xf32>,
        %slice3A_1111 = vector.extract_strided_slice %get3A_245 {offsets = [14], sizes = [1], strides = [1]} : vector<16xf32> to vector<1xf32>
        %squeeze3A_1112 = vector.extract %slice3A_1111[0] : f32 from vector<1xf32>
        %add3A_1113 = arith.constant 14 : i32
        %add3A_1114 = arith.addi %add3A_242, %add3A_1113 : i32
        %get3A_1115 = arith.index_cast %add3A_1114 : i32 to index
        %get3A_1116 = arith.constant 0 : index
        %get3A_1117 = tpu.vector_load %arg11[%get3A_1115, %get3A_1116] {strides = array<i32>} : memref<128x64xf32, #tpu.memory_space<vmem>>, vector<1x16xf32>,
        %get3A_1118 = vector.shape_cast %get3A_1117 : vector<1x16xf32> to vector<16xf32>
        %mul3A_1119 = vector.broadcast %squeeze3A_1112 : f32 to vector<16xf32>
        %mul3A_1120 = arith.mulf %get3A_1118, %mul3A_1119 : vector<16xf32>
        %add3A_1121 = arith.constant 14 : i32
        %add3A_1122 = arith.addi %add3A_242, %add3A_1121 : i32
        %swap3A_1123 = arith.index_cast %add3A_1122 : i32 to index
        %swap3A_1124 = arith.constant 0 : index
        %swap3A_1125 = tpu.vector_load %arg13[%swap3A_1123, %swap3A_1124] {strides = array<i32>} : memref<128x64xf32, #tpu.memory_space<vmem>>, vector<1x16xf32>,
        %swap3A_1126 = vector.shape_cast %swap3A_1125 : vector<1x16xf32> to vector<16xf32>
        %swap3A_1127 = vector.shape_cast %mul3A_1120 : vector<16xf32> to vector<1x16xf32>
        tpu.vector_store %arg13[%swap3A_1123, %swap3A_1124], %swap3A_1127 {strides = array<i32>} : memref<128x64xf32, #tpu.memory_space<vmem>>, vector<1x16xf32>,
        %add3A_1128 = arith.constant 14 : i32
        %add3A_1129 = arith.addi %add3A_242, %add3A_1128 : i32
        %get3A_1130 = arith.index_cast %add3A_1129 : i32 to index
        %get3A_1131 = arith.constant 16 : index
        %get3A_1132 = tpu.vector_load %arg11[%get3A_1130, %get3A_1131] {strides = array<i32>} : memref<128x64xf32, #tpu.memory_space<vmem>>, vector<1x16xf32>,
        %get3A_1133 = vector.shape_cast %get3A_1132 : vector<1x16xf32> to vector<16xf32>
        %mul3A_1134 = vector.broadcast %squeeze3A_1112 : f32 to vector<16xf32>
        %mul3A_1135 = arith.mulf %get3A_1133, %mul3A_1134 : vector<16xf32>
        %add3A_1136 = arith.constant 14 : i32
        %add3A_1137 = arith.addi %add3A_242, %add3A_1136 : i32
        %swap3A_1138 = arith.index_cast %add3A_1137 : i32 to index
        %swap3A_1139 = arith.constant 16 : index
        %swap3A_1140 = tpu.vector_load %arg13[%swap3A_1138, %swap3A_1139] {strides = array<i32>} : memref<128x64xf32, #tpu.memory_space<vmem>>, vector<1x16xf32>,
        %swap3A_1141 = vector.shape_cast %swap3A_1140 : vector<1x16xf32> to vector<16xf32>
        %swap3A_1142 = vector.shape_cast %mul3A_1135 : vector<16xf32> to vector<1x16xf32>
        tpu.vector_store %arg13[%swap3A_1138, %swap3A_1139], %swap3A_1142 {strides = array<i32>} : memref<128x64xf32, #tpu.memory_space<vmem>>, vector<1x16xf32>,
        %add3A_1143 = arith.constant 14 : i32
        %add3A_1144 = arith.addi %add3A_242, %add3A_1143 : i32
        %get3A_1145 = arith.index_cast %add3A_1144 : i32 to index
        %get3A_1146 = arith.constant 32 : index
        %get3A_1147 = tpu.vector_load %arg11[%get3A_1145, %get3A_1146] {strides = array<i32>} : memref<128x64xf32, #tpu.memory_space<vmem>>, vector<1x16xf32>,
        %get3A_1148 = vector.shape_cast %get3A_1147 : vector<1x16xf32> to vector<16xf32>
        %mul3A_1149 = vector.broadcast %squeeze3A_1112 : f32 to vector<16xf32>
        %mul3A_1150 = arith.mulf %get3A_1148, %mul3A_1149 : vector<16xf32>
        %add3A_1151 = arith.constant 14 : i32
        %add3A_1152 = arith.addi %add3A_242, %add3A_1151 : i32
        %swap3A_1153 = arith.index_cast %add3A_1152 : i32 to index
        %swap3A_1154 = arith.constant 32 : index
        %swap3A_1155 = tpu.vector_load %arg13[%swap3A_1153, %swap3A_1154] {strides = array<i32>} : memref<128x64xf32, #tpu.memory_space<vmem>>, vector<1x16xf32>,
        %swap3A_1156 = vector.shape_cast %swap3A_1155 : vector<1x16xf32> to vector<16xf32>
        %swap3A_1157 = vector.shape_cast %mul3A_1150 : vector<16xf32> to vector<1x16xf32>
        tpu.vector_store %arg13[%swap3A_1153, %swap3A_1154], %swap3A_1157 {strides = array<i32>} : memref<128x64xf32, #tpu.memory_space<vmem>>, vector<1x16xf32>,
        %add3A_1158 = arith.constant 14 : i32
        %add3A_1159 = arith.addi %add3A_242, %add3A_1158 : i32
        %get3A_1160 = arith.index_cast %add3A_1159 : i32 to index
        %get3A_1161 = arith.constant 48 : index
        %get3A_1162 = tpu.vector_load %arg11[%get3A_1160, %get3A_1161] {strides = array<i32>} : memref<128x64xf32, #tpu.memory_space<vmem>>, vector<1x16xf32>,
        %get3A_1163 = vector.shape_cast %get3A_1162 : vector<1x16xf32> to vector<16xf32>
        %mul3A_1164 = vector.broadcast %squeeze3A_1112 : f32 to vector<16xf32>
        %mul3A_1165 = arith.mulf %get3A_1163, %mul3A_1164 : vector<16xf32>
        %add3A_1166 = arith.constant 14 : i32
        %add3A_1167 = arith.addi %add3A_242, %add3A_1166 : i32
        %swap3A_1168 = arith.index_cast %add3A_1167 : i32 to index
        %swap3A_1169 = arith.constant 48 : index
        %swap3A_1170 = tpu.vector_load %arg13[%swap3A_1168, %swap3A_1169] {strides = array<i32>} : memref<128x64xf32, #tpu.memory_space<vmem>>, vector<1x16xf32>,
        %swap3A_1171 = vector.shape_cast %swap3A_1170 : vector<1x16xf32> to vector<16xf32>
        %swap3A_1172 = vector.shape_cast %mul3A_1165 : vector<16xf32> to vector<1x16xf32>
        tpu.vector_store %arg13[%swap3A_1168, %swap3A_1169], %swap3A_1172 {strides = array<i32>} : memref<128x64xf32, #tpu.memory_space<vmem>>, vector<1x16xf32>,
        %slice3A_1173 = vector.extract_strided_slice %get3A_245 {offsets = [15], sizes = [1], strides = [1]} : vector<16xf32> to vector<1xf32>
        %squeeze3A_1174 = vector.extract %slice3A_1173[0] : f32 from vector<1xf32>
        %add3A_1175 = arith.constant 15 : i32
        %add3A_1176 = arith.addi %add3A_242, %add3A_1175 : i32
        %get3A_1177 = arith.index_cast %add3A_1176 : i32 to index
        %get3A_1178 = arith.constant 0 : index
        %get3A_1179 = tpu.vector_load %arg11[%get3A_1177, %get3A_1178] {strides = array<i32>} : memref<128x64xf32, #tpu.memory_space<vmem>>, vector<1x16xf32>,
        %get3A_1180 = vector.shape_cast %get3A_1179 : vector<1x16xf32> to vector<16xf32>
        %mul3A_1181 = vector.broadcast %squeeze3A_1174 : f32 to vector<16xf32>
        %mul3A_1182 = arith.mulf %get3A_1180, %mul3A_1181 : vector<16xf32>
        %add3A_1183 = arith.constant 15 : i32
        %add3A_1184 = arith.addi %add3A_242, %add3A_1183 : i32
        %swap3A_1185 = arith.index_cast %add3A_1184 : i32 to index
        %swap3A_1186 = arith.constant 0 : index
        %swap3A_1187 = tpu.vector_load %arg13[%swap3A_1185, %swap3A_1186] {strides = array<i32>} : memref<128x64xf32, #tpu.memory_space<vmem>>, vector<1x16xf32>,
        %swap3A_1188 = vector.shape_cast %swap3A_1187 : vector<1x16xf32> to vector<16xf32>
        %swap3A_1189 = vector.shape_cast %mul3A_1182 : vector<16xf32> to vector<1x16xf32>
        tpu.vector_store %arg13[%swap3A_1185, %swap3A_1186], %swap3A_1189 {strides = array<i32>} : memref<128x64xf32, #tpu.memory_space<vmem>>, vector<1x16xf32>,
        %add3A_1190 = arith.constant 15 : i32
        %add3A_1191 = arith.addi %add3A_242, %add3A_1190 : i32
        %get3A_1192 = arith.index_cast %add3A_1191 : i32 to index
        %get3A_1193 = arith.constant 16 : index
        %get3A_1194 = tpu.vector_load %arg11[%get3A_1192, %get3A_1193] {strides = array<i32>} : memref<128x64xf32, #tpu.memory_space<vmem>>, vector<1x16xf32>,
        %get3A_1195 = vector.shape_cast %get3A_1194 : vector<1x16xf32> to vector<16xf32>
        %mul3A_1196 = vector.broadcast %squeeze3A_1174 : f32 to vector<16xf32>
        %mul3A_1197 = arith.mulf %get3A_1195, %mul3A_1196 : vector<16xf32>
        %add3A_1198 = arith.constant 15 : i32
        %add3A_1199 = arith.addi %add3A_242, %add3A_1198 : i32
        %swap3A_1200 = arith.index_cast %add3A_1199 : i32 to index
        %swap3A_1201 = arith.constant 16 : index
        %swap3A_1202 = tpu.vector_load %arg13[%swap3A_1200, %swap3A_1201] {strides = array<i32>} : memref<128x64xf32, #tpu.memory_space<vmem>>, vector<1x16xf32>,
        %swap3A_1203 = vector.shape_cast %swap3A_1202 : vector<1x16xf32> to vector<16xf32>
        %swap3A_1204 = vector.shape_cast %mul3A_1197 : vector<16xf32> to vector<1x16xf32>
        tpu.vector_store %arg13[%swap3A_1200, %swap3A_1201], %swap3A_1204 {strides = array<i32>} : memref<128x64xf32, #tpu.memory_space<vmem>>, vector<1x16xf32>,
        %add3A_1205 = arith.constant 15 : i32
        %add3A_1206 = arith.addi %add3A_242, %add3A_1205 : i32
        %get3A_1207 = arith.index_cast %add3A_1206 : i32 to index
        %get3A_1208 = arith.constant 32 : index
        %get3A_1209 = tpu.vector_load %arg11[%get3A_1207, %get3A_1208] {strides = array<i32>} : memref<128x64xf32, #tpu.memory_space<vmem>>, vector<1x16xf32>,
        %get3A_1210 = vector.shape_cast %get3A_1209 : vector<1x16xf32> to vector<16xf32>
        %mul3A_1211 = vector.broadcast %squeeze3A_1174 : f32 to vector<16xf32>
        %mul3A_1212 = arith.mulf %get3A_1210, %mul3A_1211 : vector<16xf32>
        %add3A_1213 = arith.constant 15 : i32
        %add3A_1214 = arith.addi %add3A_242, %add3A_1213 : i32
        %swap3A_1215 = arith.index_cast %add3A_1214 : i32 to index
        %swap3A_1216 = arith.constant 32 : index
        %swap3A_1217 = tpu.vector_load %arg13[%swap3A_1215, %swap3A_1216] {strides = array<i32>} : memref<128x64xf32, #tpu.memory_space<vmem>>, vector<1x16xf32>,
        %swap3A_1218 = vector.shape_cast %swap3A_1217 : vector<1x16xf32> to vector<16xf32>
        %swap3A_1219 = vector.shape_cast %mul3A_1212 : vector<16xf32> to vector<1x16xf32>
        tpu.vector_store %arg13[%swap3A_1215, %swap3A_1216], %swap3A_1219 {strides = array<i32>} : memref<128x64xf32, #tpu.memory_space<vmem>>, vector<1x16xf32>,
        %add3A_1220 = arith.constant 15 : i32
        %add3A_1221 = arith.addi %add3A_242, %add3A_1220 : i32
        %get3A_1222 = arith.index_cast %add3A_1221 : i32 to index
        %get3A_1223 = arith.constant 48 : index
        %get3A_1224 = tpu.vector_load %arg11[%get3A_1222, %get3A_1223] {strides = array<i32>} : memref<128x64xf32, #tpu.memory_space<vmem>>, vector<1x16xf32>,
        %get3A_1225 = vector.shape_cast %get3A_1224 : vector<1x16xf32> to vector<16xf32>
        %mul3A_1226 = vector.broadcast %squeeze3A_1174 : f32 to vector<16xf32>
        %mul3A_1227 = arith.mulf %get3A_1225, %mul3A_1226 : vector<16xf32>
        %add3A_1228 = arith.constant 15 : i32
        %add3A_1229 = arith.addi %add3A_242, %add3A_1228 : i32
        %swap3A_1230 = arith.index_cast %add3A_1229 : i32 to index
        %swap3A_1231 = arith.constant 48 : index
        %swap3A_1232 = tpu.vector_load %arg13[%swap3A_1230, %swap3A_1231] {strides = array<i32>} : memref<128x64xf32, #tpu.memory_space<vmem>>, vector<1x16xf32>,
        %swap3A_1233 = vector.shape_cast %swap3A_1232 : vector<1x16xf32> to vector<16xf32>
        %swap3A_1234 = vector.shape_cast %mul3A_1227 : vector<16xf32> to vector<1x16xf32>
        tpu.vector_store %arg13[%swap3A_1230, %swap3A_1231], %swap3A_1234 {strides = array<i32>} : memref<128x64xf32, #tpu.memory_space<vmem>>, vector<1x16xf32>,
      }
      %scan3A_226 = arith.constant 8 : i32
      %dma_start3A_227 = arith.constant 0 : i32
      %dma_start3A_228 = tpu.memref_slice %arg8[%select_n3A_209, %dma_start3A_227] : memref<36x128xi32, #tpu.memory_space<vmem>> -> memref<1x128xi32, #tpu.memory_space<vmem>>
      %dma_start3A_229 = tpu.memref_squeeze %dma_start3A_228 : memref<1x128xi32, #tpu.memory_space<vmem>> -> memref<128xi32, #tpu.memory_space<vmem>>
      %dma_start3A_230 = arith.constant 0 : i32
      %dma_start3A_231 = arith.constant 0 : i32
      %dma_start3A_232 = tpu.memref_slice %arg14[%dma_start3A_230, %dma_start3A_231] : memref<10000x64xf32, #tpu.memory_space<vmem_shared>> -> memref<10000x64xf32, #tpu.memory_space<vmem_shared>>
      tpu.enqueue_indirect_dma source(%arg13 : memref<128x64xf32, #tpu.memory_space<vmem>>) target(%dma_start3A_232 : memref<10000x64xf32, #tpu.memory_space<vmem_shared>>) offsets(%dma_start3A_229 : memref<128xi32, #tpu.memory_space<vmem>>) semaphore(%arg19 : memref<!tpu.dma_semaphore, #tpu.memory_space<semaphore_mem>>) {add = true}
      %lt3A_233 = arith.constant 160 : i32
      %lt3A_234 = arith.cmpi slt, %add3A_80, %lt3A_233 : i32
      %convert_element_type3A_235 = arith.extui %lt3A_234 : i1 to i32
      %cond3A_236 = arith.constant 0 : i32
      %cond3A_237 = arith.cmpi ne, %convert_element_type3A_235, %cond3A_236 : i32
      scf.if %cond3A_237 {
        %add3A_238 = arith.constant 2 : i32
        %add3A_239 = arith.addi %add3A_193, %add3A_238 : i32
        %jit3A_240 = arith.constant 36 : i32
        %eq3A_241 = arith.constant 0 : i32
        %eq3A_242 = arith.cmpi eq, %jit3A_240, %eq3A_241 : i32
        %jit3A_243 = arith.constant 1 : i32
        %select_n3A_244 = arith.select %eq3A_242, %jit3A_243, %jit3A_240 : i32
        %rem3A_245 = arith.remsi %add3A_239, %select_n3A_244 : i32
        %ne3A_246 = arith.constant 0 : i32
        %ne3A_247 = arith.cmpi ne, %rem3A_245, %ne3A_246 : i32
        %lt3A_248 = arith.constant 0 : i32
        %lt3A_249 = arith.cmpi slt, %rem3A_245, %lt3A_248 : i32
        %lt3A_250 = arith.constant 0 : i32
        %lt3A_251 = arith.cmpi slt, %select_n3A_244, %lt3A_250 : i32
        %ne3A_252 = arith.xori %lt3A_249, %lt3A_251 : i1
        %and3A_253 = arith.andi %ne3A_252, %ne3A_247 : i1
        %add3A_254 = arith.addi %rem3A_245, %select_n3A_244 : i32
        %select_n3A_255 = arith.select %and3A_253, %add3A_254, %rem3A_245 : i32
        %dma_start3A_256 = arith.constant 0 : i32
        %dma_start3A_257 = tpu.memref_slice %arg7[%select_n3A_255, %dma_start3A_256] : memref<36x128xi32, #tpu.memory_space<vmem>> -> memref<1x128xi32, #tpu.memory_space<vmem>>
        %dma_start3A_258 = tpu.memref_squeeze %dma_start3A_257 : memref<1x128xi32, #tpu.memory_space<vmem>> -> memref<128xi32, #tpu.memory_space<vmem>>
        %dma_start3A_259 = arith.constant 0 : i32
        %dma_start3A_260 = arith.constant 0 : i32
        %dma_start3A_261 = tpu.memref_slice %arg15[%dma_start3A_259, %dma_start3A_260] : memref<10000x64xf32, #tpu.memory_space<vmem_shared>> -> memref<10000x64xf32, #tpu.memory_space<vmem_shared>>
        tpu.enqueue_indirect_dma source(%dma_start3A_261 : memref<10000x64xf32, #tpu.memory_space<vmem_shared>>) target(%arg11 : memref<128x64xf32, #tpu.memory_space<vmem>>) offsets(%dma_start3A_258 : memref<128xi32, #tpu.memory_space<vmem>>) semaphore(%arg17 : memref<!tpu.dma_semaphore, #tpu.memory_space<semaphore_mem>>)
      } else {
      }
    }
    %scan3A_54 = arith.constant 81 : i32
    %dma_wait3A_55 = arith.constant 0 : i32
    %dma_wait3A_56 = arith.constant 0 : i32
    %dma_wait3A_57 = tpu.memref_slice %arg8[%dma_wait3A_55, %dma_wait3A_56] : memref<36x128xi32, #tpu.memory_space<vmem>> -> memref<1x128xi32, #tpu.memory_space<vmem>>
    %dma_wait3A_58 = tpu.memref_squeeze %dma_wait3A_57 : memref<1x128xi32, #tpu.memory_space<vmem>> -> memref<128xi32, #tpu.memory_space<vmem>>
    %dma_wait3A_59 = arith.constant 0 : i32
    %dma_wait3A_60 = arith.constant 0 : i32
    %dma_wait3A_61 = tpu.memref_slice %arg14[%dma_wait3A_59, %dma_wait3A_60] : memref<10000x64xf32, #tpu.memory_space<vmem_shared>> -> memref<10000x64xf32, #tpu.memory_space<vmem_shared>>
    tpu.wait_indirect_dma semaphore(%arg18 : memref<!tpu.dma_semaphore, #tpu.memory_space<semaphore_mem>>) src(%arg12 : memref<128x64xf32, #tpu.memory_space<vmem>>) dst(%dma_wait3A_61 : memref<10000x64xf32, #tpu.memory_space<vmem_shared>>)
    %dma_wait3A_62 = arith.constant 0 : i32
    %dma_wait3A_63 = arith.constant 0 : i32
    %dma_wait3A_64 = tpu.memref_slice %arg8[%dma_wait3A_62, %dma_wait3A_63] : memref<36x128xi32, #tpu.memory_space<vmem>> -> memref<1x128xi32, #tpu.memory_space<vmem>>
    %dma_wait3A_65 = tpu.memref_squeeze %dma_wait3A_64 : memref<1x128xi32, #tpu.memory_space<vmem>> -> memref<128xi32, #tpu.memory_space<vmem>>
    %dma_wait3A_66 = arith.constant 0 : i32
    %dma_wait3A_67 = arith.constant 0 : i32
    %dma_wait3A_68 = tpu.memref_slice %arg14[%dma_wait3A_66, %dma_wait3A_67] : memref<10000x64xf32, #tpu.memory_space<vmem_shared>> -> memref<10000x64xf32, #tpu.memory_space<vmem_shared>>
    tpu.wait_indirect_dma semaphore(%arg19 : memref<!tpu.dma_semaphore, #tpu.memory_space<semaphore_mem>>) src(%arg13 : memref<128x64xf32, #tpu.memory_space<vmem>>) dst(%dma_wait3A_68 : memref<10000x64xf32, #tpu.memory_space<vmem_shared>>)
    %barrier3A_69 = arith.constant 0 : index
    tpu.barrier barrier_id(%barrier3A_69)
    %mul3A_70 = arith.constant 625 : i32
    %mul3A_71 = arith.muli %arg1, %mul3A_70 : i32
    %mul3A_72 = arith.constant 625 : i32
    %mul3A_73 = arith.muli %arg1, %mul3A_72 : i32
    %mul3A_74 = arith.constant 64 : i32
    %mul3A_75 = arith.muli %arg0, %mul3A_74 : i32
    "tpu.region"() ({
      %run_scoped3A = tpu.sem_alloc : memref<!tpu.dma_semaphore, #tpu.memory_space<semaphore_mem>>
      %dma_start3A_76 = tpu.memref_slice %arg6[%mul3A_73, %mul3A_75] : memref<10000x128xf32, #tpu.memory_space<hbm>> -> memref<625x64xf32, #tpu.memory_space<hbm>>
      %dma_start3A_77 = arith.constant 0 : i32
      %dma_start3A_78 = tpu.memref_slice %arg14[%mul3A_71, %dma_start3A_77] : memref<10000x64xf32, #tpu.memory_space<vmem_shared>> -> memref<625x64xf32, #tpu.memory_space<vmem_shared>>
      tpu.enqueue_dma source(%dma_start3A_78 : memref<625x64xf32, #tpu.memory_space<vmem_shared>>) target(%dma_start3A_76 : memref<625x64xf32, #tpu.memory_space<hbm>>) target_semaphore(%run_scoped3A : memref<!tpu.dma_semaphore, #tpu.memory_space<semaphore_mem>>)
      %dma_wait3A_79 = tpu.memref_slice %arg6[%mul3A_73, %mul3A_75] : memref<10000x128xf32, #tpu.memory_space<hbm>> -> memref<625x64xf32, #tpu.memory_space<hbm>>
      %dma_wait3A_80 = arith.constant 0 : i32
      %dma_wait3A_81 = tpu.memref_slice %arg14[%mul3A_71, %dma_wait3A_80] : memref<10000x64xf32, #tpu.memory_space<vmem_shared>> -> memref<625x64xf32, #tpu.memory_space<vmem_shared>>
      tpu.wait_dma2 semaphore(%run_scoped3A : memref<!tpu.dma_semaphore, #tpu.memory_space<semaphore_mem>>) src(%dma_wait3A_81 : memref<625x64xf32, #tpu.memory_space<vmem_shared>>) dst(%dma_wait3A_79 : memref<625x64xf32, #tpu.memory_space<hbm>>)
      tpu.yield
    }) : () -> ()
    return
  }
}

</mosaic_0001>

<sc_bundles>
// kernel: kernel.3.cloned.1.call-start
scs
__scs_entry_jumppad:
0x0: {  	(pc) =	sbr.rel $0x88, $3  }
0x1: {  	(tag) =	ssettag $0x0;
	lr =	simm.s32 $0x1  }
0x2: {  	[smem:$0x3F9E] =	sst lr;
	_ =	strace $0xD0000000  }
0x3: {  	_ = 	snop  }
0x4: {  	_ = 	snop  }
0x5: {  	_ = 	snop  }
0x6: {  	_ = 	snop  }
0x7: {  	_ = 	snop  }
__scs_overlays_trampoline_lowered:
0x8: {  	[smem:$0x3FAD] =	sst s0  }
0x9: {  	[smem:$0x3FAE] =	sst s1  }
0xa: {  	[smem:$0x3FAF] =	sst s2  }
0xb: {  	[smem:$0x3FB0] =	sst s3  }
0xc: {  	[smem:$0x3FB1] =	sst s4  }
0xd: {  	[smem:$0x3FB2] =	sst s5  }
0xe: {  	[smem:$0x3FB3] =	sst s6  }
0xf: {  	[smem:$0x3FB4] =	sst s7  }
0x10: {  	[smem:$0x3FB5] =	sst s8  }
0x11: {  	[smem:$0x3FB6] =	sst s9;
	s0 =	simm.s32 @!p0 $0x0  }
0x12: {  	s1 =	sld [smem:$0x3F9C];
	s0 =	simm.s32 @p0 $0x1  }
0x13: {  	[smem:$0x3FB7] =	sst s0;
	s0 =	simm.s32 @!p1 $0x0  }
0x14: {  	s2 =	sld [smem:$0x3F9B];
	s0 =	simm.s32 @p1 $0x1  }
0x15: {  	[smem:$0x3FB8] =	sst s0;
	s0 =	simm.s32 @!p2 $0x0  }
0x16: {  	s3 =	sld [smem:$0x3FDB];
	s0 =	simm.s32 @p2 $0x1  }
0x17: {  	s4 =	simm.s32 $0x1BF5;
	[smem:$0x3FBA] =	sst s0  }
0x18: {  	s0 =	sld [smem:$0x3F9D];
	_ =	swait.ge [sflag:s4], $0x0  }
0x19: {  	s7 =	sld [smem:$0x3F9E]  }
0x1a: {  	s8 =	sadd.s32 $0xFFFFE003, lr  }
0x1b: {  	s9 =	sadd.s32 $0xFFFFFEF7, lr;
	s5 =	simm.s32 $0xFFFFFFFF;
	p2 =	slt.u32 s8, $0xFFFFF086  }
0x1c: {  	p1 =	slt.u32 s9, $0xF7A;
	s5 =	simm.s32 @!p2 $0x0  }
0x1d: {  	s5 =	simm.s32 @p1 $0x1;
	p0 =	seq.s32 s7, s2  }
0x1e: {  	s7 =	smul.u32 @!p0 $0xF7A, s2;
	p2 =	seq.s32 @!p0 s5, $0x0  }
0x1f: {  	s9 =	smul.u32 $0xF7A, s1;
	s8 =	simm.s32 @!p0 $0x1BF5;
	p2 =	por !p2, p0  }
0x20: {  	[sflag:s8] =	ssyncset.s32 @!p0 $0xFFFFF086;
	s6 =	sadd.s32 @!p0 s3, s7;
	s7 =	simm.s32 @!p0 $0x108  }
0x21: {  	s3 =	sadd.s32 s3, s9;
	s6 =	sadd.s32 @!p0 $0x88, s6;
	s7 =	simm.s32 @p2 $0x1082  }
0x22: {  	[simem:s7], [sflag:s8] =	dma.local @!p0 [hbm:s6], $0xF7A  }
0x23: {  	s9 =	sor.u32 $0xD0000000, s2;
	s6 =	simm.s32 $0x108;
	_ =	swait.ge @!p0 [sflag:s8], $0x0  }
0x24: {  	s3 =	sadd.s32 $0x88, s3;
	s6 =	simm.s32 @!p1 $0x1082;
	[sflag:s4] =	ssyncset.s32 $0xFFFFF086  }
0x25: {  	[simem:s6], [sflag:s4] =	dma.local [hbm:s3], $0xF7A  }
0x26: {  	[smem:$0x3F9E] =	sst s1;
	(tag) =	ssettag s2;
	_ =	strace s9  }
0x27: {  	s1 =	sld [smem:$0x3FAE]  }
0x28: {  	s2 =	sld [smem:$0x3FAF]  }
0x29: {  	s4 =	sld [smem:$0x3FB1]  }
0x2a: {  	p0 =	seq.s32 s5, $0x0;
	s5 =	sld [smem:$0x3FB2]  }
0x2b: {  	s6 =	sld [smem:$0x3FB3]  }
0x2c: {  	s7 =	sld [smem:$0x3FB4]  }
0x2d: {  	s3 =	simm.s32 $0x108;
	s8 =	sld [smem:$0x3FB5]  }
0x2e: {  	s3 =	simm.s32 @!p0 $0x1082;
	s9 =	sld [smem:$0x3FB6]  }
0x2f: {  	lr =	sadd.s32 s0, s3;
	s0 =	sld [smem:$0x3FAD]  }
0x30: {  	s3 =	sld [smem:$0x3FB0]  }
0x31: {  	[smem:$0x3FB9] =	sst s10  }
0x32: {  	s10 =	sld [smem:$0x3FB7];
	_ =	sdelay $0x3  }
0x33: {  	p0 =	seq.s32 s10, $0x1;
	s10 =	sld [smem:$0x3FB9];
	_ =	sdelay $0x3  }
0x34: {  	[smem:$0x3FB9] =	sst s10  }
0x35: {  	s10 =	sld [smem:$0x3FB8];
	_ =	sdelay $0x3  }
0x36: {  	p1 =	seq.s32 s10, $0x1;
	s10 =	sld [smem:$0x3FB9];
	_ =	sdelay $0x3  }
0x37: {  	[smem:$0x3FB9] =	sst s10  }
0x38: {  	s10 =	sld [smem:$0x3FBA]  }
0x39: {  	_ = 	snop;
	(pc) =	sbr.ind lr, $3  }
0x3a: {  	_ = 	snop  }
0x3b: {  	_ = 	snop  }
0x3c: {  	p2 =	seq.s32 s10, $0x1;
	s10 =	sld [smem:$0x3FB9]  }
0x3d: {  	_ =	shalt  }
0x3e: {  	_ =	shalt  }
0x3f: {  	_ =	shalt  }
0x40: {  	_ =	shalt  }
0x41: {  	_ =	shalt  }
0x42: {  	_ =	shalt  }
0x43: {  	_ =	shalt  }
0x44: {  	_ =	shalt  }
0x45: {  	_ =	shalt  }
0x46: {  	_ =	shalt  }
0x47: {  	_ =	shalt  }
0x48: {  	_ =	shalt  }
0x49: {  	_ =	shalt  }
0x4a: {  	_ =	shalt  }
0x4b: {  	_ =	shalt  }
0x4c: {  	_ =	shalt  }
0x4d: {  	_ =	shalt  }
0x4e: {  	_ =	shalt  }
0x4f: {  	_ =	shalt  }
0x50: {  	_ =	shalt  }
0x51: {  	_ =	shalt  }
0x52: {  	_ =	shalt  }
0x53: {  	_ =	shalt  }
0x54: {  	_ =	shalt  }
0x55: {  	_ =	shalt  }
0x56: {  	_ =	shalt  }
0x57: {  	_ =	shalt  }
0x58: {  	_ =	shalt  }
0x59: {  	_ =	shalt  }
0x5a: {  	_ =	shalt  }
0x5b: {  	_ =	shalt  }
0x5c: {  	_ =	shalt  }
0x5d: {  	_ =	shalt  }
0x5e: {  	_ =	shalt  }
0x5f: {  	_ =	shalt  }
0x60: {  	_ =	shalt  }
0x61: {  	_ =	shalt  }
0x62: {  	_ =	shalt  }
0x63: {  	_ =	shalt  }
0x64: {  	_ =	shalt  }
0x65: {  	_ =	shalt  }
0x66: {  	_ =	shalt  }
0x67: {  	_ =	shalt  }
0x68: {  	_ =	shalt  }
0x69: {  	_ =	shalt  }
0x6a: {  	_ =	shalt  }
0x6b: {  	_ =	shalt  }
0x6c: {  	_ =	shalt  }
0x6d: {  	_ =	shalt  }
0x6e: {  	_ =	shalt  }
0x6f: {  	_ =	shalt  }
0x70: {  	_ =	shalt  }
0x71: {  	_ =	shalt  }
0x72: {  	_ =	shalt  }
0x73: {  	_ =	shalt  }
0x74: {  	_ =	shalt  }
0x75: {  	_ =	shalt  }
0x76: {  	_ =	shalt  }
0x77: {  	_ =	shalt  }
0x78: {  	_ =	shalt  }
0x79: {  	_ =	shalt  }
0x7a: {  	_ =	shalt  }
0x7b: {  	_ =	shalt  }
0x7c: {  	_ =	shalt  }
0x7d: {  	_ =	shalt  }
0x7e: {  	_ =	shalt  }
0x7f: {  	_ =	shalt  }
0x80: {  	_ =	shalt  }
0x81: {  	_ =	shalt  }
0x82: {  	_ =	shalt  }
0x83: {  	_ =	shalt  }
0x84: {  	_ =	shalt  }
0x85: {  	_ =	shalt  }
0x86: {  	_ =	shalt  }
0x87: {  	_ =	shalt  }
.Lfunc_end0:
.L_simem_size_0:
called_computation_lowered:
.L_overlay_start_0:
0x88: {  	s2 =	sld [smem:$0x3FD9]  }
0x89: {  	s3 =	sld [smem:$0x3FFE];
	_ =	sdelay $0x1  }
0x8a: {  	s1 =	srdreg.scid  }
0x8b: {  	s0 =	sand.u32 $0x1, s1  }
0x8c: {  	s17 =	sshll.u32 s0, $0xA;
	s2 =	sadd.s32 s3, s2  }
0x8d: {  	s2 =	sadd.s32 s2, s17  }
0x8e: {  	[smem:$0x3FC5] =	sst s2  }
0x8f: {  	_ = 	snop  }
0x90: {  	s2 =	sld [smem:$0x3FC7]  }
0x91: {  	s18 =	sld [smem:$0x3FD0];
	(tm) =	ssettm $0x1  }
0x92: {  	s4 =	sld [smem:$0x3FFB];
	_ =	sdelay $0x3  }
0x93: {  	_ =	strace s4  }
0x94: {  	s4 =	sld [smem:$0x3FFC];
	_ =	sdelay $0x3  }
0x95: {  	_ =	strace s4  }
0x96: {  	s4 =	sld [smem:$0x3FFD];
	_ =	sdelay $0x3  }
0x97: {  	_ =	strace s4  }
0x98: {  	_ =	strace $0x8FFFFFFF  }
0x99: {  	s19 =	sld [smem:$0x3FDB];
	_ =	sdelay $0x1  }
0x9a: {  	s5 =	simm.s32 $_scs_section_size  }
0x9b: {  	s6 =	simm.s32 $_size__tile_overlayer_lowered;
	s7 =	simm.s32 $_tile_overlayer_lowered  }
0x9c: {  	s22 =	simm.s32 $0x1BFF;
	s21 =	sshll.u32 s7, $0x1;
	s4 =	sadd.s32 s5, s19  }
0x9d: {  	s8 =	simm.s32 $0x0;
	s20 =	sshll.u32 s6, $0x1;
	s6 =	sadd.s32 s21, s4  }
0x9e: {  	[timem:s8], [sflag:s22] =	dma.local [hbm:s6], s20  }
0x9f: {  	_ =	swait.ge [sflag:s22], s20  }
0xa0: {  	s5 =	ssub.s32 $0x0, s20;
	[sflag:s22] =	ssyncset.done $0x0  }
0xa1: {  	[sflag:s22] =	ssyncadd.s32 s5;
	_ =	sdelay $0x1  }
0xa2: {  	s23 =	simm.s32 $0x1B8B  }
0xa3: {  	_ =	swait.ge [sflag:s23], $0x1  }
0xa4: {  	[sflag:s23] =	ssyncset.done $0x0  }
0xa5: {  	s25 =	simm.s32 $0x1B8E;
	s24 =	sld [smem:$0x3FFE];
	[sflag:s23] =	ssyncadd.s32 $0xFFFFFFFF  }
0xa6: {  	s26 =	simm.s32 $execute0_lowered;
	[smem:$0x3FD2] =	sst s25  }
0xa7: {  	s6 =	sshll.u32 s26, $0x1;
	_ =	strace $0x80000046;
	[dreg:$0x1] =	wrdreg $0xFFFFFFFF  }
0xa8: {  	s28 =	simm.s32 $_size_execute0_lowered;
	s4 =	sadd.s32 s4, s6;
	[dreg:$0x0] =	wrdreg $0x0  }
0xa9: {  	s6 =	sshll.u32 s28, $0x1;
	[dreg:$0x2] =	wrdreg s4  }
0xaa: {  	[dreg:$0x3] =	wrdreg s6  }
0xab: {  	[dreg:$0x4] =	wrdreg $0xC0  }
0xac: {  	_ =	task [dreg:s8], $0x5FFFF  }
0xad: {  	[dreg:$0x1] =	wrdreg $0xFFFFFFFF  }
0xae: {  	[dreg:$0x0] =	wrdreg $0x60  }
0xaf: {  	[dreg:$0x2] =	wrdreg s2  }
0xb0: {  	[dreg:$0x3] =	wrdreg s24  }
0xb1: {  	[dreg:$0x4] =	wrdreg s18  }
0xb2: {  	[dreg:$0x5] =	wrdreg $0x152400  }
0xb3: {  	[dreg:$0x6] =	wrdreg $0xB6000  }
0xb4: {  	[dreg:$0x7] =	wrdreg $0x9  }
0xb5: {  	_ =	task.clear_ibuf [dreg:s8], $0x8FFFF;
	_ =	strace $0x90000046  }
0xb6: {  	s29 =	simm.s32 $0x9;
	_ =	strace $0x80000048  }
0xb7: {  	_ =	swait.ge [sflag:s29], $0x1  }
0xb8: {  	[sflag:s29] =	ssyncadd.s32 $0xFFFFFFFF  }
0xb9: {  	_ =	strace $0x90000048  }
0xba: {  	_ =	sfence  }
0xbb: {  	s30 =	sld [smem:$0x0];
	_ =	sdelay $0x2  }
0xbc: {  	s31 =	sshll.u32 s1, $0xD;
	s1 =	sshrl.u32 s1, $0x2  }
0xbd: {  	s3 =	sand.u32 $0x4000, s31;
	s1 =	sadd.s32 s1, s30  }
0xbe: {  	s0 =	sor.u32 s3, s0;
	s1 =	sshll.u32 s1, $0x11  }
0xbf: {  	s0 =	sor.u32 s1, s0  }
0xc0: {  	s0 =	sadd.s32 $0x8F2B, s0  }
0xc1: {  	[sflag:s0] =	ssyncadd.remote.s32 $0x1  }
0xc2: {  	_ =	sfence.sel $0xFFFF  }
0xc3: {  	[dreg:$0x0] =	wrdreg $0xFFFFFFFF;
	(pc) =	sbr.abs _section_cstart, $3  }
0xc4: {  	[dreg:$0x1] =	wrdreg $0xFFFFFFFF  }
0xc5: {  	_ =	task.clear_ibuf [dreg:s8], $0x2FFFF;
	_ =	strace $0x9FFFFFFF  }
0xc6: {  	(tm) =	ssettm $0x7FFFFFFF  }
0xc7: {  	_ =	shalt  }
tec
execute0_lowered:
.L_overlay_start_1:
0x0: {  	(tag) =	ssettag $0x1  }
0x1: {  	s0 =	rddreg [dreg:$0x0]  }
0x2: {  	s1 =	rddreg [dreg:$0x1]  }
0x3: {  	s5 =	rddreg [dreg:$0x2]  }
0x4: {  	s2 =	rddreg [dreg:$0x3]  }
0x5: {  	s3 =	rddreg [dreg:$0x4]  }
0x6: {  	s4 =	simm.s32 $0x0;
	s8 =	srdreg.scid;
	s15 =	stileid.u32  }
0x7: {  	s30 =	simm.s32 $0x7600;
	s31 =	simm.s32 $0x80;
	s28 =	simm.s32 $0x2  }
0x8: {  	s29 =	simm.s32 $0x9600;
	[smem:$0x7FF] =	sst s4;
	s9 =	smul.u32 $0x13880, s15  }
0x9: {  	s6 =	sadd.s32 $0xA200, s1;
	s8 =	sand.u32 $0x1, s8;
	s11 =	smul.u32 $0x9C40, s15  }
0xa: {  	s7 =	sadd.s32 $0x14400, s1;
	s13 =	smul.u32 $0x27100, s15;
	s10 =	ssub.s32 $0x2, s8  }
0xb: {  	_ =	strace $0x80000047;
	s8 =	sshll.u32 s8, $0x6;
	s12 =	sshrl.u32 s10, $0x1  }
0xc: {  	s9 =	sor.u32 s8, s9;
	s8 =	smul.u32 $0x5100, s15;
	s14 =	sadd.s32 s11, s2  }
0xd: {  	s13 =	sshrl.u32 s13, $0x2;
	s12 =	ssub.s32 s10, s12;
	s9 =	sshrl.u32 s9, $0x3  }
0xe: {  	s10 =	sshll.u32 s15, $0x6;
	s13 =	sadd.s32 s13, s3;
	s0 =	sadd.s32 s0, s9  }
0xf: {  	s15 =	sadd.s32 s11, s3;
	s17 =	sor.u32 $0x1C01, s10;
	[dreg:$0x6] =	wrdreg s0  }
0x10: {  	s18 =	sshrl.u32 s8, $0x3;
	s21 =	sadd.s32 $0x2000, s13;
	[dreg:$0x7] =	wrdreg s17  }
0x11: {  	s22 =	sadd.s32 $0x4000, s13;
	s23 =	sadd.s32 $0x6000, s13;
	[dreg:$0xb] =	wrdreg s21  }
0x12: {  	s24 =	sadd.s32 $0x8000, s13;
	s25 =	sadd.s32 s5, s9;
	[dreg:$0xc] =	wrdreg s22  }
0x13: {  	s26 =	smax.u32 s12, $0x1;
	s12 =	simm.s32 $0x8;
	[dreg:$0xd] =	wrdreg s23  }
0x14: {  	s13 =	simm.s32 $0x10;
	s5 =	simm.s32 $0x5600;
	[dreg:$0xe] =	wrdreg s24  }
.Ltmp0:
0x15: {  	s19 =	sadd.s32 s6, s18;
	[dreg:$0xf] =	wrdreg s25;
	(pc) =	sbr.rel .LBB2_1-.Ltmp0, $4  }
0x16: {  	s20 =	sadd.s32 s1, s18;
	s0 =	sadd.s32 s7, s18;
	[dreg:$0x10] =	wrdreg s26  }
0x17: {  	s22 =	sshrl.u32 s14, $0x3;
	s23 =	simm.s32 $0x1;
	[dreg:$0x8] =	wrdreg s19  }
0x18: {  	s26 =	simm.s32 $0x6;
	s24 =	simm.s32 $0x4;
	[dreg:$0x9] =	wrdreg s20  }
0x19: {  	v0 =	vimm.f32 $0.0e+00;
	s25 =	simm.s32 $0x0;
	[dreg:$0xa] =	wrdreg s0;
	s0 =	simm.s32 $0x3  }
.LBB2_13:
0x1a: {  	_ =	swait.ge [sflag:s0], $0x2000  }
0x1b: {  	[sflag:s0] =	ssyncset.done $0x0  }
0x1c: {  	[sflag:s0] =	ssyncadd.s32 $0xFFFFE000  }
0x1d: {  	_ =	swait.ge [sflag:s24], $0x2000  }
0x1e: {  	[sflag:s24] =	ssyncset.done $0x0  }
0x1f: {  	[sflag:s24] =	ssyncadd.s32 $0xFFFFE000  }
0x20: {  	s9 =	sor.u32 $0x1C06, s10;
	s11 =	sshrl.u32 s15, $0x3;
	[bflag:$0x0] =	sbarrier.arrive $0xFFFF  }
0x21: {  	s13 =	simm.s32 $0x8;
	s14 =	simm.s32 $0x10;
	s12 =	rddreg [dreg:$0xf]  }
0x22: {  	[hbm:s12@s14], [sflag:s9] =	dma.strided [spmem:s11@s13], $0x1388, s23, $0x8   }
0x23: {  	_ =	swait.ge [sflag:s26], $0x1388  }
0x24: {  	s25 =	sadd.s32 $0x1, s25;
	s21 =	rddreg [dreg:$0x10]  }
0x25: {  	p0 =	sne.s32 s25, s21  }
.Ltmp1:
0x26: {  	_ = 	snop;
	(pc) =	sbr.rel @!p0 .LBB2_14-.Ltmp1, $3  }
0x27: {  	_ =	sdelay $0x1  }
0x28: {  	[sflag:s26] =	ssyncset.done $0x0  }
0x29: {  	s13 =	simm.s32 $0x10;
	s12 =	simm.s32 $0x8;
	[sflag:s26] =	ssyncadd.s32 $0xFFFFEC78  }
.LBB2_1:
0x2a: {  	s9 =	rddreg [dreg:$0x6]  }
0x2b: {  	s11 =	rddreg [dreg:$0x7]  }
0x2c: {  	[spmem:s22@s12], [sflag:s11] =	dma.strided [hbm:s9@s13], $0x1388, s23, $0x8   }
0x2d: {  	s9 =	rddreg [dreg:$0x8]  }
0x2e: {  	[tilespmem:s4], [sflag:$0x6] =	stream.linear.gather [hbm4b:s9+s4], $0x1200, $0x38;
	[tilespmem:$0x1EE80] =	vst v63  }
0x2f: {  	_ =	swait.ge [sflag:s26], $0x1200  }
0x30: {  	[sflag:s26] =	ssyncset.done $0x0  }
0x31: {  	s19 =	simm.s32 $0x1200;
	s18 =	rddreg [dreg:$0x9];
	[sflag:s26] =	ssyncadd.s32 $0xFFFFEE00  }
0x32: {  	[tilespmem:s19], [sflag:$0x6] =	stream.linear.gather [hbm4b:s18+s4], $0x1200, $0x38;
	[tilespmem:$0x1EE80] =	vst v63  }
0x33: {  	_ =	swait.ge [sflag:s26], $0x1200  }
0x34: {  	[sflag:s26] =	ssyncset.done $0x0  }
0x35: {  	s21 =	simm.s32 $0x2400;
	s20 =	rddreg [dreg:$0xa];
	[sflag:s26] =	ssyncadd.s32 $0xFFFFEE00  }
0x36: {  	[tilespmem:s21], [sflag:$0x6] =	stream.linear.gather [hbm4b:s20+s4], $0x1200, $0x38;
	[tilespmem:$0x1EE80] =	vst v63  }
0x37: {  	_ =	swait.ge [sflag:s26], $0x1200  }
0x38: {  	[sflag:s26] =	ssyncset.done $0x0  }
0x39: {  	s11 =	simm.s32 $0x100;
	s9 =	simm.s32 $0x0;
	[sflag:s26] =	ssyncadd.s32 $0xFFFFEE00  }
.LBB2_2:
0x3a: {  	p0 =	sne.s32 s11, $0x7F00;
	[tilespmem:s9+$0x7630] =	vst v0;
	s12 =	smov.u32 s11;
	s11 =	sadd.s32 $0x100, s11  }
.Ltmp2:
0x3b: {  	[tilespmem:s9+$0x7620] =	vst v0;
	(pc) =	sbr.rel @p0 .LBB2_2-.Ltmp2, $3  }
0x3c: {  	[tilespmem:s9+$0x7600] =	vst v0  }
0x3d: {  	[tilespmem:s9+$0x7610] =	vst v0;
	_ =	sdelay $0x1  }
0x3e: {  	s9 =	sshra.s32 s12, $0x2  }
0x3f: {  	[tilespmem:s9+$0x7630] =	vst v0  }
0x40: {  	[tilespmem:s9+$0x7620] =	vst v0  }
0x41: {  	[tilespmem:s9+$0x7600] =	vst v0  }
0x42: {  	[tilespmem:s9+$0x7610] =	vst v0  }
0x43: {  	[spmem:s15] =	stream.linear.scatter [tilespmem:s30], [sflag:$0x6], $0x2000, $0x38;
	[tilespmem:$0x1EE80] =	vst v63  }
0x44: {  	_ =	swait.ge [sflag:s26], $0x2000  }
0x45: {  	[sflag:s26] =	ssyncset.done $0x0  }
0x46: {  	s18 =	rddreg [dreg:$0xb];
	[sflag:s26] =	ssyncadd.s32 $0xFFFFE000  }
0x47: {  	[spmem:s18] =	stream.linear.scatter [tilespmem:s30], [sflag:$0x6], $0x2000, $0x38;
	[tilespmem:$0x1EE80] =	vst v63  }
0x48: {  	_ =	swait.ge [sflag:s26], $0x2000  }
0x49: {  	[sflag:s26] =	ssyncset.done $0x0  }
0x4a: {  	s19 =	rddreg [dreg:$0xc];
	[sflag:s26] =	ssyncadd.s32 $0xFFFFE000  }
0x4b: {  	[spmem:s19] =	stream.linear.scatter [tilespmem:s30], [sflag:$0x6], $0x2000, $0x38;
	[tilespmem:$0x1EE80] =	vst v63  }
0x4c: {  	_ =	swait.ge [sflag:s26], $0x2000  }
0x4d: {  	[sflag:s26] =	ssyncset.done $0x0  }
0x4e: {  	s20 =	rddreg [dreg:$0xd];
	[sflag:s26] =	ssyncadd.s32 $0xFFFFE000  }
0x4f: {  	[spmem:s20] =	stream.linear.scatter [tilespmem:s30], [sflag:$0x6], $0x2000, $0x38;
	[tilespmem:$0x1EE80] =	vst v63  }
0x50: {  	_ =	swait.ge [sflag:s26], $0x2000  }
0x51: {  	[sflag:s26] =	ssyncset.done $0x0  }
0x52: {  	s21 =	rddreg [dreg:$0xe];
	[sflag:s26] =	ssyncadd.s32 $0xFFFFE000  }
0x53: {  	[spmem:s21] =	stream.linear.scatter [tilespmem:s30], [sflag:$0x6], $0x1C40, $0x38;
	[tilespmem:$0x1EE80] =	vst v63  }
0x54: {  	_ =	swait.ge [sflag:s26], $0x1C40  }
0x55: {  	[sflag:s26] =	ssyncset.done $0x0  }
0x56: {  	[sflag:s26] =	ssyncadd.s32 $0xFFFFE3C0  }
0x57: {  	_ =	swait.ge [sflag:s23], $0x1388  }
0x58: {  	[sflag:s23] =	ssyncset.done $0x0  }
0x59: {  	[sflag:s23] =	ssyncadd.s32 $0xFFFFEC78  }
0x5a: {  	s9 =	simm.s32 $0x0;
	s11 =	simm.s32 $0x3600;
	[bflag:$0x0] =	sbarrier.arrive $0xFFFF  }
0x5b: {  	[tilespmem:s11], [sflag:$0x1] =	stream.indirect.gather [spmem:s2], $0x40, s9, s31, $0xb8;
	[tilespmem:$0x1EE80] =	vst v63  }
0x5c: {  	s12 =	simm.s32 $0x2480;
	s13 =	simm.s32 $0x0;
	s11 =	simm.s32 $0x2400  }
0x5d: {  	[tilespmem:s5], [sflag:$0x2] =	stream.indirect.gather [spmem:s2], $0x40, s31, s31, $0xb8;
	[tilespmem:$0x1EE80] =	vst v63  }
.LBB2_4:
0x5e: {  	s14 =	smul.u32 $0x72, s13;
	_ =	sdelay $0x1  }
0x5f: {  	s14 =	sshrl.u32 s14, $0xA  }
0x60: {  	s16 =	sand.u32 $0x3F, s14  }
0x61: {  	s14 =	sshll.u32 s13, $0x1;
	s16 =	smul.u32 $0x12, s16  }
0x62: {  	s17 =	sadd.s32 $0xFFFFFFFD, s14  }
0x63: {  	p0 =	sgt.u32 s17, $0x8E;
	s16 =	ssub.s32 s14, s16  }
0x64: {  	s17 =	sand.u32 @!p0 $0xFF, s16  }
0x65: {  	p1 =	sne.s32 @!p0 s17, $0x2  }
0x66: {  	p0 =	por p0, p1  }
.Ltmp3:
0x67: {  	_ = 	snop;
	(pc) =	sbr.rel @p0 .LBB2_6-.Ltmp3, $1  }
0x68: {  	_ =	sdelay $0x3  }
0x69: {  	s16 =	smul.u32 $0x39, s13;
	_ =	sdelay $0x1  }
0x6a: {  	s16 =	sshrl.u32 s16, $0x9  }
0x6b: {  	s16 =	sand.u32 $0x7F, s16  }
0x6c: {  	s16 =	sadd.s32 $0x1, s16  }
0x6d: {  	s17 =	smul.u32 $0x900, s16;
	_ =	sdelay $0x1  }
0x6e: {  	s16 =	sand.u32 $0x1, s16;
	s17 =	sadd.s32 s8, s17  }
0x6f: {  	p0 =	seq.s32 s16, $0x1;
	s16 =	simm.s32 $0x900;
	s17 =	sshrl.u32 s17, $0x3  }
0x70: {  	s16 =	simm.s32 @!p0 $0x0;
	s18 =	sadd.s32 s6, s17  }
0x71: {  	[tilespmem:s16], [sflag:$0x5] =	stream.linear.gather [hbm4b:s18+s4], $0x900, $0x38;
	[tilespmem:$0x1EE80] =	vst v63  }
.Ltmp4:
0x72: {  	_ = 	snop;
	(pc) =	sbr.rel .LBB2_7-.Ltmp4, $4  }
0x73: {  	s21 =	sor.u32 $0x1200, s16;
	s19 =	sadd.s32 s1, s17  }
0x74: {  	[tilespmem:s21], [sflag:$0x5] =	stream.linear.gather [hbm4b:s19+s4], $0x900, $0x38;
	[tilespmem:$0x1EE80] =	vst v63  }
0x75: {  	s17 =	sadd.s32 s7, s17;
	s16 =	sor.u32 $0x2400, s16  }
0x76: {  	[tilespmem:s16], [sflag:$0x5] =	stream.linear.gather [hbm4b:s17+s4], $0x900, $0x38;
	[tilespmem:$0x1EE80] =	vst v63  }
.LBB2_6:
0x77: {  	s17 =	sadd.s32 $0xFFFFFFF5, s14  }
0x78: {  	p0 =	sgt.u32 s17, $0x8E  }
0x79: {  	s16 =	sand.u32 @!p0 $0xFF, s16  }
0x7a: {  	p1 =	sne.s32 @!p0 s16, $0xA  }
0x7b: {  	p0 =	por p1, p0  }
0x7c: {  	s16 =	simm.s32 @!p0 $0x5  }
0x7d: {  	_ =	swait.ge @!p0 [sflag:s16], $0x900  }
0x7e: {  	[sflag:s16] =	ssyncset.done @!p0 $0x0  }
0x7f: {  	[sflag:s16] =	ssyncadd.s32 @!p0 $0xFFFFF700  }
0x80: {  	_ =	swait.ge @!p0 [sflag:s16], $0x900  }
0x81: {  	[sflag:s16] =	ssyncset.done @!p0 $0x0  }
0x82: {  	[sflag:s16] =	ssyncadd.s32 @!p0 $0xFFFFF700  }
0x83: {  	_ =	swait.ge @!p0 [sflag:s16], $0x900  }
0x84: {  	[sflag:s16] =	ssyncset.done @!p0 $0x0  }
0x85: {  	[sflag:s16] =	ssyncadd.s32 @!p0 $0xFFFFF700  }
.LBB2_7:
0x86: {  	_ =	swait.ge [sflag:s23], $0x2000  }
0x87: {  	p0 =	seq.s32 s13, $0x0;
	[sflag:s23] =	ssyncset.done $0x0  }
0x88: {  	s16 =	simm.s32 @!p0 $0x3;
	[sflag:s23] =	ssyncadd.s32 $0xFFFFE000  }
0x89: {  	_ =	swait.ge @!p0 [sflag:s16], $0x2000  }
0x8a: {  	[sflag:s16] =	ssyncset.done @!p0 $0x0  }
0x8b: {  	s17 =	simm.s32 $0x0;
	[sflag:s16] =	ssyncadd.s32 @!p0 $0xFFFFE000  }
0x8c: {  	v25 =	vld [tilespmem:s17+$0x3600]  }
0x8d: {  	v26 =	vld [tilespmem:s17+$0x3610]  }
0x8e: {  	v24 =	vld [tilespmem:s17+$0x3620]  }
0x8f: {  	v23 =	vld [tilespmem:s17+$0x3630]  }
0x90: {  	v21 =	vld [tilespmem:s17+$0x3640]  }
0x91: {  	v22 =	vld [tilespmem:s17+$0x3650]  }
0x92: {  	v20 =	vld [tilespmem:s17+$0x3660]  }
0x93: {  	v19 =	vld [tilespmem:s17+$0x3670]  }
0x94: {  	v17 =	vld [tilespmem:s17+$0x3680]  }
0x95: {  	v18 =	vld [tilespmem:s17+$0x3690]  }
0x96: {  	v16 =	vld [tilespmem:s17+$0x36A0]  }
0x97: {  	v15 =	vld [tilespmem:s17+$0x36B0]  }
0x98: {  	v13 =	vld [tilespmem:s17+$0x36C0]  }
0x99: {  	v14 =	vld [tilespmem:s17+$0x36D0]  }
0x9a: {  	v11 =	vld [tilespmem:s17+$0x36E0]  }
0x9b: {  	v12 =	vld [tilespmem:s17+$0x36F0]  }
0x9c: {  	s18 =	smul.u32 $0x39, s14;
	v9 =	vld [tilespmem:s17+$0x3700]  }
0x9d: {  	v10 =	vld [tilespmem:s17+$0x3710]  }
0x9e: {  	s21 =	smulhi.u32 $0x38E38E39, s9;
	s18 =	sshrl.u32 s18, $0xB;
	v5 =	vld [tilespmem:s17+$0x3720]  }
0x9f: {  	s18 =	sand.u32 $0x1F, s18;
	v7 =	vld [tilespmem:s17+$0x3730]  }
0xa0: {  	s18 =	smul.u32 $0x24, s18;
	s16 =	sshrl.u32 s21, $0x3;
	v6 =	vld [tilespmem:s17+$0x3740]  }
0xa1: {  	s16 =	smul.u32 $0xFFFFB800, s16;
	v8 =	vld [tilespmem:s17+$0x3750]  }
0xa2: {  	v2 =	vld [tilespmem:s17+$0x3760]  }
0xa3: {  	s18 =	ssub.s32 s14, s18;
	v4 =	vld [tilespmem:s17+$0x3770];
	s16 =	sshra.s32 s16, $0x2  }
0xa4: {  	v3 =	vld [tilespmem:s17+$0x3780];
	s18 =	sand.u32 $0xFF, s18;
	s19 =	sadd.s32 s16, s11  }
0xa5: {  	s20 =	simm.s32 $0x1000;
	s18 =	sshll.u32 s18, $0x9;
	s16 =	sadd.s32 s16, s12;
	v1 =	vld [tilespmem:s19+$0x0]  }
.LBB2_8:
0xa6: {  	p1 =	sne.s32 s20, $0x7000;
	v27 =	vld [tilespmem:s17+$0x3790]  }
0xa7: {  	v28 =	vld [tilespmem:s17+$0x37A0]  }
0xa8: {  	v29 =	vld [tilespmem:s17+$0x37B0]  }
0xa9: {  	v30 =	vld [tilespmem:s17+$0x37C0]  }
0xaa: {  	v31 =	vbroadcast v1, $0x0;
	v32 =	vbroadcast v1, $0x1;
	v33 =	vld [tilespmem:s17+$0x37D0]  }
0xab: {  	v34 =	vbroadcast v1, $0x2;
	v35 =	vbroadcast v1, $0x3;
	v36 =	vld [tilespmem:s17+$0x37E0]  }
0xac: {  	v25 =	vmul.f32 v31, v25;
	v26 =	vmul.f32 v26, v31;
	v37 =	vld [tilespmem:s17+$0x37F0]  }
0xad: {  	v24 =	vmul.f32 v24, v31;
	v23 =	vmul.f32 v23, v31;
	v31 =	vld [tilespmem:s17+$0x3800]  }
0xae: {  	v21 =	vmul.f32 v21, v32;
	v22 =	vmul.f32 v22, v32;
	[tilespmem:s17+$0x7600] =	vst v25;
	v25 =	vld [tilespmem:s17+$0x3810]  }
0xaf: {  	v20 =	vmul.f32 v20, v32;
	v19 =	vmul.f32 v19, v32;
	[tilespmem:s17+$0x7610] =	vst v26;
	v26 =	vld [tilespmem:s17+$0x3820]  }
0xb0: {  	v17 =	vmul.f32 v17, v34;
	v18 =	vmul.f32 v18, v34;
	[tilespmem:s17+$0x7620] =	vst v24;
	v24 =	vld [tilespmem:s17+$0x3830]  }
0xb1: {  	v16 =	vmul.f32 v16, v34;
	v15 =	vmul.f32 v15, v34;
	[tilespmem:s17+$0x7630] =	vst v23;
	v23 =	vld [tilespmem:s17+$0x3840]  }
0xb2: {  	v13 =	vmul.f32 v13, v35;
	v14 =	vmul.f32 v14, v35;
	[tilespmem:s17+$0x7640] =	vst v21;
	v21 =	vld [tilespmem:s17+$0x3850]  }
0xb3: {  	v11 =	vmul.f32 v11, v35;
	v12 =	vmul.f32 v12, v35;
	[tilespmem:s17+$0x7650] =	vst v22;
	v22 =	vld [tilespmem:s17+$0x3860]  }
0xb4: {  	v32 =	vbroadcast v1, $0x5;
	[tilespmem:s17+$0x7660] =	vst v20;
	v20 =	vbroadcast v1, $0x4;
	v34 =	vld [tilespmem:s17+$0x3870]  }
0xb5: {  	v35 =	vbroadcast v1, $0x7;
	[tilespmem:s17+$0x7670] =	vst v19;
	v19 =	vbroadcast v1, $0x6;
	v38 =	vld [tilespmem:s17+$0x3880]  }
0xb6: {  	[tilespmem:s17+$0x7680] =	vst v17;
	v9 =	vmul.f32 v9, v20;
	v10 =	vmul.f32 v10, v20;
	v17 =	vld [tilespmem:s17+$0x3890]  }
0xb7: {  	v5 =	vmul.f32 v5, v20;
	v7 =	vmul.f32 v7, v20;
	[tilespmem:s17+$0x7690] =	vst v18;
	v18 =	vld [tilespmem:s17+$0x38A0]  }
0xb8: {  	v6 =	vmul.f32 v6, v32;
	v8 =	vmul.f32 v8, v32;
	[tilespmem:s17+$0x76A0] =	vst v16;
	v16 =	vld [tilespmem:s17+$0x38B0]  }
0xb9: {  	v2 =	vmul.f32 v2, v32;
	v4 =	vmul.f32 v4, v32;
	[tilespmem:s17+$0x76B0] =	vst v15;
	v15 =	vld [tilespmem:s17+$0x38C0]  }
0xba: {  	v3 =	vmul.f32 v3, v19;
	[tilespmem:s17+$0x76C0] =	vst v13;
	v13 =	vmul.f32 v27, v19;
	v20 =	vld [tilespmem:s17+$0x38D0]  }
0xbb: {  	[tilespmem:s17+$0x76D0] =	vst v14;
	v14 =	vmul.f32 v28, v19;
	v19 =	vmul.f32 v29, v19;
	v27 =	vld [tilespmem:s17+$0x38E0]  }
0xbc: {  	v28 =	vmul.f32 v33, v35;
	[tilespmem:s17+$0x76E0] =	vst v11;
	v11 =	vmul.f32 v30, v35;
	v29 =	vld [tilespmem:s17+$0x38F0]  }
0xbd: {  	v30 =	vmul.f32 v37, v35;
	[tilespmem:s17+$0x76F0] =	vst v12;
	v12 =	vmul.f32 v36, v35;
	v32 =	vld [tilespmem:s17+$0x3900]  }
0xbe: {  	v33 =	vbroadcast v1, $0x9;
	[tilespmem:s17+$0x7700] =	vst v9;
	v9 =	vbroadcast v1, $0x8;
	v35 =	vld [tilespmem:s17+$0x3910]  }
0xbf: {  	v36 =	vbroadcast v1, $0xB;
	[tilespmem:s17+$0x7710] =	vst v10;
	v10 =	vbroadcast v1, $0xA;
	v37 =	vld [tilespmem:s17+$0x3920]  }
0xc0: {  	[tilespmem:s17+$0x7720] =	vst v5;
	v5 =	vmul.f32 v31, v9;
	v25 =	vmul.f32 v25, v9;
	v31 =	vld [tilespmem:s17+$0x3930]  }
0xc1: {  	[tilespmem:s17+$0x7730] =	vst v7;
	v7 =	vmul.f32 v26, v9;
	v9 =	vmul.f32 v24, v9;
	v24 =	vld [tilespmem:s17+$0x3940]  }
0xc2: {  	v21 =	vmul.f32 v21, v33;
	[tilespmem:s17+$0x7740] =	vst v6;
	v6 =	vmul.f32 v23, v33;
	v23 =	vld [tilespmem:s17+$0x3950]  }
0xc3: {  	[tilespmem:s17+$0x7750] =	vst v8;
	v8 =	vmul.f32 v22, v33;
	v22 =	vmul.f32 v34, v33;
	v26 =	vld [tilespmem:s17+$0x3960]  }
0xc4: {  	v17 =	vmul.f32 v17, v10;
	[tilespmem:s17+$0x7760] =	vst v2;
	v2 =	vmul.f32 v38, v10;
	v33 =	vld [tilespmem:s17+$0x3970]  }
0xc5: {  	[tilespmem:s17+$0x7770] =	vst v4;
	v4 =	vmul.f32 v18, v10;
	v10 =	vmul.f32 v16, v10;
	v16 =	vld [tilespmem:s17+$0x3980]  }
0xc6: {  	[tilespmem:s17+$0x7780] =	vst v3;
	v3 =	vmul.f32 v15, v36;
	v15 =	vmul.f32 v20, v36;
	v18 =	vld [tilespmem:s17+$0x3990]  }
0xc7: {  	[tilespmem:s17+$0x7790] =	vst v13;
	v13 =	vmul.f32 v27, v36;
	v27 =	vmul.f32 v29, v36;
	v20 =	vld [tilespmem:s17+$0x39A0]  }
0xc8: {  	v29 =	vbroadcast v1, $0xD;
	[tilespmem:s17+$0x77A0] =	vst v14;
	v14 =	vbroadcast v1, $0xC;
	v34 =	vld [tilespmem:s17+$0x39B0]  }
0xc9: {  	[tilespmem:s17+$0x77B0] =	vst v19;
	v19 =	vbroadcast v1, $0xE;
	v36 =	vld [tilespmem:s17+$0x39C0];
	v1 =	vbroadcast v1, $0xF  }
0xca: {  	[tilespmem:s17+$0x77C0] =	vst v11;
	v11 =	vmul.f32 v32, v14;
	v32 =	vmul.f32 v35, v14;
	v35 =	vld [tilespmem:s17+$0x39D0]  }
0xcb: {  	[tilespmem:s17+$0x77D0] =	vst v28;
	v28 =	vmul.f32 v37, v14;
	v14 =	vmul.f32 v31, v14;
	v31 =	vld [tilespmem:s17+$0x39E0]  }
0xcc: {  	v37 =	vmul.f32 v23, v29;
	[tilespmem:s17+$0x77E0] =	vst v12;
	v12 =	vmul.f32 v24, v29;
	v23 =	vld [tilespmem:s17+$0x39F0]  }
0xcd: {  	[tilespmem:s17+$0x77F0] =	vst v30;
	v30 =	vmul.f32 v26, v29;
	v29 =	vmul.f32 v33, v29  }
0xce: {  	v33 =	vmul.f32 v18, v19;
	[tilespmem:s17+$0x7800] =	vst v5;
	v5 =	vmul.f32 v16, v19  }
0xcf: {  	v38 =	vmul.f32 v20, v19;
	v34 =	vmul.f32 v34, v19;
	[tilespmem:s17+$0x7810] =	vst v25  }
0xd0: {  	v36 =	vmul.f32 v36, v1;
	v35 =	vmul.f32 v35, v1;
	[tilespmem:s17+$0x7820] =	vst v7  }
0xd1: {  	v31 =	vmul.f32 v31, v1;
	[tilespmem:s17+$0x7830] =	vst v9;
	v1 =	vmul.f32 v23, v1  }
0xd2: {  	[tilespmem:s17+$0x7840] =	vst v6  }
0xd3: {  	[tilespmem:s17+$0x7850] =	vst v21  }
0xd4: {  	s21 =	sshra.s32 s20, $0x2;
	[tilespmem:s17+$0x7860] =	vst v8  }
0xd5: {  	v25 =	vld [tilespmem:s21+$0x3600];
	[tilespmem:s17+$0x7870] =	vst v22  }
0xd6: {  	v26 =	vld [tilespmem:s21+$0x3610];
	[tilespmem:s17+$0x7880] =	vst v2  }
0xd7: {  	v24 =	vld [tilespmem:s21+$0x3620];
	[tilespmem:s17+$0x7890] =	vst v17  }
0xd8: {  	v23 =	vld [tilespmem:s21+$0x3630];
	[tilespmem:s17+$0x78A0] =	vst v4  }
0xd9: {  	v21 =	vld [tilespmem:s21+$0x3640];
	[tilespmem:s17+$0x78B0] =	vst v10  }
0xda: {  	v22 =	vld [tilespmem:s21+$0x3650];
	[tilespmem:s17+$0x78C0] =	vst v3  }
0xdb: {  	v20 =	vld [tilespmem:s21+$0x3660];
	[tilespmem:s17+$0x78D0] =	vst v15  }
0xdc: {  	v19 =	vld [tilespmem:s21+$0x3670];
	[tilespmem:s17+$0x78E0] =	vst v13  }
0xdd: {  	v17 =	vld [tilespmem:s21+$0x3680];
	[tilespmem:s17+$0x78F0] =	vst v27  }
0xde: {  	v18 =	vld [tilespmem:s21+$0x3690];
	[tilespmem:s17+$0x7900] =	vst v11  }
0xdf: {  	v16 =	vld [tilespmem:s21+$0x36A0];
	[tilespmem:s17+$0x7910] =	vst v32  }
0xe0: {  	v15 =	vld [tilespmem:s21+$0x36B0];
	[tilespmem:s17+$0x7920] =	vst v28  }
0xe1: {  	v13 =	vld [tilespmem:s21+$0x36C0];
	[tilespmem:s17+$0x7930] =	vst v14  }
0xe2: {  	v14 =	vld [tilespmem:s21+$0x36D0];
	[tilespmem:s17+$0x7940] =	vst v12  }
0xe3: {  	v11 =	vld [tilespmem:s21+$0x36E0];
	[tilespmem:s17+$0x7950] =	vst v37  }
0xe4: {  	v12 =	vld [tilespmem:s21+$0x36F0];
	[tilespmem:s17+$0x7960] =	vst v30  }
0xe5: {  	v9 =	vld [tilespmem:s21+$0x3700];
	[tilespmem:s17+$0x7970] =	vst v29  }
0xe6: {  	v10 =	vld [tilespmem:s21+$0x3710];
	[tilespmem:s17+$0x7980] =	vst v5  }
0xe7: {  	v5 =	vld [tilespmem:s21+$0x3720];
	[tilespmem:s17+$0x7990] =	vst v33  }
0xe8: {  	v7 =	vld [tilespmem:s21+$0x3730];
	[tilespmem:s17+$0x79A0] =	vst v38  }
0xe9: {  	v6 =	vld [tilespmem:s21+$0x3740];
	[tilespmem:s17+$0x79B0] =	vst v34  }
.Ltmp5:
0xea: {  	v8 =	vld [tilespmem:s21+$0x3750];
	[tilespmem:s17+$0x79C0] =	vst v36;
	(pc) =	sbr.rel @p1 .LBB2_8-.Ltmp5, $4  }
0xeb: {  	v2 =	vld [tilespmem:s21+$0x3760];
	[tilespmem:s17+$0x79D0] =	vst v35  }
0xec: {  	v4 =	vld [tilespmem:s21+$0x3770];
	[tilespmem:s17+$0x79E0] =	vst v31  }
0xed: {  	s19 =	sadd.s32 $0x10, s19;
	v3 =	vld [tilespmem:s21+$0x3780];
	[tilespmem:s17+$0x79F0] =	vst v1;
	s17 =	smov.u32 s21  }
0xee: {  	s20 =	sadd.s32 $0x1000, s20;
	v1 =	vld [tilespmem:s19+$0x0]  }
0xef: {  	_ =	sdelay $0x3  }
0xf0: {  	v31 =	vbroadcast v1, $0x0;
	_ =	sdelay $0x1  }
0xf1: {  	v25 =	vmul.f32 v31, v25  }
0xf2: {  	v26 =	vmul.f32 v26, v31  }
0xf3: {  	v36 =	vbroadcast v1, $0x1;
	v24 =	vmul.f32 v24, v31;
	[tilespmem:s17+$0x7600] =	vst v25  }
0xf4: {  	v23 =	vmul.f32 v23, v31;
	[tilespmem:s17+$0x7610] =	vst v26  }
0xf5: {  	v21 =	vmul.f32 v21, v36;
	[tilespmem:s17+$0x7620] =	vst v24  }
0xf6: {  	v22 =	vmul.f32 v22, v36;
	[tilespmem:s17+$0x7630] =	vst v23  }
0xf7: {  	v48 =	vbroadcast v1, $0x2;
	v20 =	vmul.f32 v20, v36;
	[tilespmem:s17+$0x7640] =	vst v21  }
0xf8: {  	v19 =	vmul.f32 v19, v36;
	[tilespmem:s17+$0x7650] =	vst v22  }
0xf9: {  	v17 =	vmul.f32 v17, v48;
	[tilespmem:s17+$0x7660] =	vst v20  }
0xfa: {  	v18 =	vmul.f32 v18, v48;
	[tilespmem:s17+$0x7670] =	vst v19  }
0xfb: {  	v49 =	vbroadcast v1, $0x3;
	v16 =	vmul.f32 v16, v48;
	[tilespmem:s17+$0x7680] =	vst v17  }
0xfc: {  	v15 =	vmul.f32 v15, v48;
	[tilespmem:s17+$0x7690] =	vst v18  }
0xfd: {  	v13 =	vmul.f32 v13, v49;
	[tilespmem:s17+$0x76A0] =	vst v16  }
0xfe: {  	v14 =	vmul.f32 v14, v49;
	[tilespmem:s17+$0x76B0] =	vst v15  }
0xff: {  	v50 =	vbroadcast v1, $0x4;
	v11 =	vmul.f32 v11, v49;
	[tilespmem:s17+$0x76C0] =	vst v13  }
0x100: {  	v12 =	vmul.f32 v12, v49;
	[tilespmem:s17+$0x76D0] =	vst v14  }
0x101: {  	v9 =	vmul.f32 v9, v50;
	[tilespmem:s17+$0x76E0] =	vst v11  }
0x102: {  	v10 =	vmul.f32 v10, v50;
	[tilespmem:s17+$0x76F0] =	vst v12  }
0x103: {  	v51 =	vbroadcast v1, $0x5;
	v5 =	vmul.f32 v5, v50;
	[tilespmem:s17+$0x7700] =	vst v9  }
0x104: {  	v7 =	vmul.f32 v7, v50;
	[tilespmem:s17+$0x7710] =	vst v10  }
0x105: {  	v27 =	vld [tilespmem:s17+$0x3790];
	v6 =	vmul.f32 v6, v51;
	[tilespmem:s17+$0x7720] =	vst v5  }
0x106: {  	v28 =	vld [tilespmem:s17+$0x37A0];
	v8 =	vmul.f32 v8, v51;
	[tilespmem:s17+$0x7730] =	vst v7  }
0x107: {  	v29 =	vld [tilespmem:s17+$0x37B0];
	v52 =	vbroadcast v1, $0x6;
	v2 =	vmul.f32 v2, v51;
	[tilespmem:s17+$0x7740] =	vst v6  }
0x108: {  	v30 =	vld [tilespmem:s17+$0x37C0];
	v4 =	vmul.f32 v4, v51;
	[tilespmem:s17+$0x7750] =	vst v8  }
0x109: {  	v32 =	vld [tilespmem:s17+$0x37D0];
	v3 =	vmul.f32 v3, v52;
	[tilespmem:s17+$0x7760] =	vst v2  }
0x10a: {  	v33 =	vld [tilespmem:s17+$0x37E0];
	v27 =	vmul.f32 v27, v52;
	[tilespmem:s17+$0x7770] =	vst v4  }
0x10b: {  	v34 =	vld [tilespmem:s17+$0x37F0];
	v53 =	vbroadcast v1, $0x7;
	v28 =	vmul.f32 v28, v52;
	[tilespmem:s17+$0x7780] =	vst v3  }
0x10c: {  	v35 =	vld [tilespmem:s17+$0x3800];
	v29 =	vmul.f32 v29, v52;
	[tilespmem:s17+$0x7790] =	vst v27  }
0x10d: {  	v30 =	vmul.f32 v30, v53;
	v25 =	vld [tilespmem:s17+$0x3810];
	[tilespmem:s17+$0x77A0] =	vst v28  }
0x10e: {  	v56 =	vmul.f32 v32, v53;
	v26 =	vld [tilespmem:s17+$0x3820];
	[tilespmem:s17+$0x77B0] =	vst v29  }
0x10f: {  	v59 =	vbroadcast v1, $0x8;
	v58 =	vmul.f32 v33, v53;
	v24 =	vld [tilespmem:s17+$0x3830];
	[tilespmem:s17+$0x77C0] =	vst v30  }
0x110: {  	v34 =	vmul.f32 v34, v53;
	v23 =	vld [tilespmem:s17+$0x3840];
	[tilespmem:s17+$0x77D0] =	vst v56  }
0x111: {  	v61 =	vmul.f32 v35, v59;
	v21 =	vld [tilespmem:s17+$0x3850];
	[tilespmem:s17+$0x77E0] =	vst v58  }
0x112: {  	v22 =	vld [tilespmem:s17+$0x3860];
	[tilespmem:s17+$0x77F0] =	vst v34;
	v25 =	vmul.f32 v25, v59  }
0x113: {  	v63 =	vbroadcast v1, $0x9;
	v20 =	vld [tilespmem:s17+$0x3870];
	[tilespmem:s17+$0x7800] =	vst v61;
	v26 =	vmul.f32 v26, v59  }
0x114: {  	v19 =	vld [tilespmem:s17+$0x3880];
	v24 =	vmul.f32 v24, v59;
	[tilespmem:s17+$0x7810] =	vst v25  }
0x115: {  	v17 =	vld [tilespmem:s17+$0x3890];
	v23 =	vmul.f32 v23, v63;
	[tilespmem:s17+$0x7820] =	vst v26  }
0x116: {  	v18 =	vld [tilespmem:s17+$0x38A0];
	v21 =	vmul.f32 v21, v63;
	[tilespmem:s17+$0x7830] =	vst v24  }
0x117: {  	v16 =	vld [tilespmem:s17+$0x38B0];
	v22 =	vmul.f32 v22, v63;
	v24 =	vbroadcast v1, $0xA;
	[tilespmem:s17+$0x7840] =	vst v23  }
0x118: {  	v15 =	vld [tilespmem:s17+$0x38C0];
	v20 =	vmul.f32 v20, v63;
	[tilespmem:s17+$0x7850] =	vst v21  }
0x119: {  	v13 =	vld [tilespmem:s17+$0x38D0];
	[tilespmem:s17+$0x7860] =	vst v22;
	v19 =	vmul.f32 v19, v24  }
0x11a: {  	v14 =	vld [tilespmem:s17+$0x38E0];
	[tilespmem:s17+$0x7870] =	vst v20;
	v17 =	vmul.f32 v17, v24  }
0x11b: {  	v11 =	vld [tilespmem:s17+$0x38F0];
	v20 =	vbroadcast v1, $0xB;
	v18 =	vmul.f32 v18, v24;
	[tilespmem:s17+$0x7880] =	vst v19  }
0x11c: {  	v12 =	vld [tilespmem:s17+$0x3900];
	v16 =	vmul.f32 v16, v24;
	[tilespmem:s17+$0x7890] =	vst v17  }
0x11d: {  	v9 =	vld [tilespmem:s17+$0x3910];
	v15 =	vmul.f32 v15, v20;
	[tilespmem:s17+$0x78A0] =	vst v18  }
0x11e: {  	v10 =	vld [tilespmem:s17+$0x3920];
	v13 =	vmul.f32 v13, v20;
	[tilespmem:s17+$0x78B0] =	vst v16  }
0x11f: {  	v5 =	vld [tilespmem:s17+$0x3930];
	v14 =	vmul.f32 v14, v20;
	v16 =	vbroadcast v1, $0xC;
	[tilespmem:s17+$0x78C0] =	vst v15  }
0x120: {  	v7 =	vld [tilespmem:s17+$0x3940];
	v11 =	vmul.f32 v11, v20;
	[tilespmem:s17+$0x78D0] =	vst v13  }
0x121: {  	v6 =	vld [tilespmem:s17+$0x3950];
	[tilespmem:s17+$0x78E0] =	vst v14;
	v12 =	vmul.f32 v12, v16  }
0x122: {  	v8 =	vld [tilespmem:s17+$0x3960];
	[tilespmem:s17+$0x78F0] =	vst v11;
	v9 =	vmul.f32 v9, v16  }
0x123: {  	v2 =	vld [tilespmem:s17+$0x3970];
	v11 =	vbroadcast v1, $0xD;
	v10 =	vmul.f32 v10, v16;
	[tilespmem:s17+$0x7900] =	vst v12  }
0x124: {  	v4 =	vld [tilespmem:s17+$0x3980];
	v5 =	vmul.f32 v5, v16;
	[tilespmem:s17+$0x7910] =	vst v9  }
0x125: {  	v3 =	vld [tilespmem:s17+$0x3990];
	v7 =	vmul.f32 v7, v11;
	[tilespmem:s17+$0x7920] =	vst v10  }
0x126: {  	v27 =	vld [tilespmem:s17+$0x39A0];
	v6 =	vmul.f32 v6, v11;
	[tilespmem:s17+$0x7930] =	vst v5  }
0x127: {  	v54 =	vld [tilespmem:s17+$0x39B0];
	v8 =	vmul.f32 v8, v11;
	v5 =	vbroadcast v1, $0xE;
	[tilespmem:s17+$0x7940] =	vst v7  }
0x128: {  	v55 =	vld [tilespmem:s17+$0x39C0];
	v2 =	vmul.f32 v2, v11;
	[tilespmem:s17+$0x7950] =	vst v6  }
0x129: {  	v57 =	vld [tilespmem:s17+$0x39D0];
	[tilespmem:s17+$0x7960] =	vst v8;
	v4 =	vmul.f32 v4, v5  }
0x12a: {  	v60 =	vld [tilespmem:s17+$0x39E0];
	[tilespmem:s17+$0x7970] =	vst v2;
	v3 =	vmul.f32 v3, v5  }
0x12b: {  	v62 =	vld [tilespmem:s17+$0x39F0];
	p1 =	seq.s32 s13, $0x50;
	v1 =	vbroadcast v1, $0xF;
	v2 =	vmul.f32 v27, v5;
	[tilespmem:s17+$0x7980] =	vst v4  }
0x12c: {  	s19 =	sadd.s32 @!p1 $0x2, s14;
	v4 =	vmul.f32 v54, v5;
	[tilespmem:s17+$0x7990] =	vst v3  }
0x12d: {  	s20 =	smulhi.u32 @!p1 $0x38E38E39, s19;
	v3 =	vmul.f32 v55, v1;
	[tilespmem:s17+$0x79A0] =	vst v2  }
0x12e: {  	v2 =	vmul.f32 v57, v1;
	[tilespmem:s17+$0x79B0] =	vst v4  }
0x12f: {  	s18 =	sshrl.u32 s18, $0x2;
	s20 =	sshrl.u32 @!p1 s20, $0x3;
	v4 =	vmul.f32 v60, v1;
	[tilespmem:s17+$0x79C0] =	vst v3  }
0x130: {  	s21 =	sadd.s32 $0x1200, s18;
	s18 =	smul.u32 @!p1 $0x24, s20;
	v1 =	vmul.f32 v62, v1;
	[tilespmem:s17+$0x79D0] =	vst v2  }
0x131: {  	[tilespmem:s17+$0x79E0] =	vst v4  }
0x132: {  	[tilespmem:s17+$0x79F0] =	vst v1;
	s17 =	ssub.s32 @!p1 s19, s18  }
0x133: {  	[spmem:s3] =	stream.indirect.scatter.add.f32 [tilespmem:s30], [sflag:$0x3], $0x40, s21, s31, $0xb8;
	[tilespmem:$0x1EE80] =	vst v63  }
0x134: {  	s18 =	simm.s32 @!p1 $0x80;
	s19 =	simm.s32 @!p1 $0x3600;
	s17 =	sshll.u32 @!p1 s17, $0x7  }
0x135: {  	[tilespmem:s19], [sflag:$0x1] =	stream.indirect.gather @!p1 [spmem:s2], $0x40, s17, s18, $0xb8;
	[tilespmem:$0x1EE80] =	vst v63  }
0x136: {  	_ =	swait.ge [sflag:s28], $0x2000  }
0x137: {  	[sflag:s28] =	ssyncset.done $0x0  }
0x138: {  	s17 =	simm.s32 @!p0 $0x4;
	[sflag:s28] =	ssyncadd.s32 $0xFFFFE000  }
0x139: {  	_ =	swait.ge @!p0 [sflag:s17], $0x2000  }
0x13a: {  	[sflag:s17] =	ssyncset.done @!p0 $0x0  }
0x13b: {  	[sflag:s17] =	ssyncadd.s32 @!p0 $0xFFFFE000;
	s17 =	simm.s32 $0x0  }
0x13c: {  	v25 =	vld [tilespmem:s17+$0x5600]  }
0x13d: {  	v26 =	vld [tilespmem:s17+$0x5610]  }
0x13e: {  	v24 =	vld [tilespmem:s17+$0x5620]  }
0x13f: {  	v23 =	vld [tilespmem:s17+$0x5630]  }
0x140: {  	v21 =	vld [tilespmem:s17+$0x5640]  }
0x141: {  	v22 =	vld [tilespmem:s17+$0x5650]  }
0x142: {  	v20 =	vld [tilespmem:s17+$0x5660]  }
0x143: {  	v19 =	vld [tilespmem:s17+$0x5670]  }
0x144: {  	v17 =	vld [tilespmem:s17+$0x5680]  }
0x145: {  	v18 =	vld [tilespmem:s17+$0x5690]  }
0x146: {  	v16 =	vld [tilespmem:s17+$0x56A0]  }
0x147: {  	v15 =	vld [tilespmem:s17+$0x56B0]  }
0x148: {  	v13 =	vld [tilespmem:s17+$0x56C0]  }
0x149: {  	v14 =	vld [tilespmem:s17+$0x56D0]  }
0x14a: {  	v11 =	vld [tilespmem:s17+$0x56E0]  }
0x14b: {  	v12 =	vld [tilespmem:s17+$0x56F0]  }
0x14c: {  	v9 =	vld [tilespmem:s17+$0x5700]  }
0x14d: {  	v10 =	vld [tilespmem:s17+$0x5710]  }
0x14e: {  	s20 =	sor.u32 $0x1, s14;
	v7 =	vld [tilespmem:s17+$0x5720]  }
0x14f: {  	s21 =	smulhi.u32 $0x38E38E39, s20;
	v8 =	vld [tilespmem:s17+$0x5730]  }
0x150: {  	v5 =	vld [tilespmem:s17+$0x5740]  }
0x151: {  	s19 =	sshrl.u32 s21, $0x3;
	v6 =	vld [tilespmem:s17+$0x5750]  }
0x152: {  	s19 =	smul.u32 $0x24, s19;
	v4 =	vld [tilespmem:s17+$0x5760]  }
0x153: {  	v3 =	vld [tilespmem:s17+$0x5770]  }
0x154: {  	s18 =	ssub.s32 s20, s19;
	v2 =	vld [tilespmem:s17+$0x5780]  }
0x155: {  	s19 =	simm.s32 $0x1000;
	s18 =	sshll.u32 s18, $0x9;
	v1 =	vld [tilespmem:s16+$0x0]  }
.LBB2_10:
0x156: {  	p0 =	sne.s32 s19, $0x7000;
	v27 =	vld [tilespmem:s17+$0x5790]  }
0x157: {  	v28 =	vld [tilespmem:s17+$0x57A0]  }
0x158: {  	v29 =	vld [tilespmem:s17+$0x57B0]  }
0x159: {  	v30 =	vld [tilespmem:s17+$0x57C0]  }
0x15a: {  	v31 =	vbroadcast v1, $0x0;
	v32 =	vbroadcast v1, $0x1;
	v33 =	vld [tilespmem:s17+$0x57D0]  }
0x15b: {  	v34 =	vbroadcast v1, $0x2;
	v35 =	vbroadcast v1, $0x3;
	v36 =	vld [tilespmem:s17+$0x57E0]  }
0x15c: {  	v25 =	vmul.f32 v31, v25;
	v26 =	vmul.f32 v26, v31;
	v37 =	vld [tilespmem:s17+$0x57F0]  }
0x15d: {  	v24 =	vmul.f32 v24, v31;
	v23 =	vmul.f32 v23, v31;
	v31 =	vld [tilespmem:s17+$0x5800]  }
0x15e: {  	v21 =	vmul.f32 v21, v32;
	v22 =	vmul.f32 v22, v32;
	[tilespmem:s17+$0x9600] =	vst v25;
	v25 =	vld [tilespmem:s17+$0x5810]  }
0x15f: {  	v20 =	vmul.f32 v20, v32;
	v19 =	vmul.f32 v19, v32;
	[tilespmem:s17+$0x9610] =	vst v26;
	v26 =	vld [tilespmem:s17+$0x5820]  }
0x160: {  	v17 =	vmul.f32 v17, v34;
	v18 =	vmul.f32 v18, v34;
	[tilespmem:s17+$0x9620] =	vst v24;
	v24 =	vld [tilespmem:s17+$0x5830]  }
0x161: {  	v16 =	vmul.f32 v16, v34;
	v15 =	vmul.f32 v15, v34;
	[tilespmem:s17+$0x9630] =	vst v23;
	v23 =	vld [tilespmem:s17+$0x5840]  }
0x162: {  	v13 =	vmul.f32 v13, v35;
	v14 =	vmul.f32 v14, v35;
	[tilespmem:s17+$0x9640] =	vst v21;
	v21 =	vld [tilespmem:s17+$0x5850]  }
0x163: {  	v11 =	vmul.f32 v11, v35;
	v12 =	vmul.f32 v12, v35;
	[tilespmem:s17+$0x9650] =	vst v22;
	v22 =	vld [tilespmem:s17+$0x5860]  }
0x164: {  	v32 =	vbroadcast v1, $0x5;
	[tilespmem:s17+$0x9660] =	vst v20;
	v20 =	vbroadcast v1, $0x4;
	v34 =	vld [tilespmem:s17+$0x5870]  }
0x165: {  	v35 =	vbroadcast v1, $0x7;
	[tilespmem:s17+$0x9670] =	vst v19;
	v19 =	vbroadcast v1, $0x6;
	v38 =	vld [tilespmem:s17+$0x5880]  }
0x166: {  	[tilespmem:s17+$0x9680] =	vst v17;
	v9 =	vmul.f32 v9, v20;
	v10 =	vmul.f32 v10, v20;
	v17 =	vld [tilespmem:s17+$0x5890]  }
0x167: {  	v7 =	vmul.f32 v7, v20;
	v8 =	vmul.f32 v8, v20;
	[tilespmem:s17+$0x9690] =	vst v18;
	v18 =	vld [tilespmem:s17+$0x58A0]  }
0x168: {  	v5 =	vmul.f32 v5, v32;
	v6 =	vmul.f32 v6, v32;
	[tilespmem:s17+$0x96A0] =	vst v16;
	v16 =	vld [tilespmem:s17+$0x58B0]  }
0x169: {  	v4 =	vmul.f32 v4, v32;
	v3 =	vmul.f32 v3, v32;
	[tilespmem:s17+$0x96B0] =	vst v15;
	v15 =	vld [tilespmem:s17+$0x58C0]  }
0x16a: {  	v2 =	vmul.f32 v2, v19;
	[tilespmem:s17+$0x96C0] =	vst v13;
	v13 =	vmul.f32 v27, v19;
	v20 =	vld [tilespmem:s17+$0x58D0]  }
0x16b: {  	[tilespmem:s17+$0x96D0] =	vst v14;
	v14 =	vmul.f32 v28, v19;
	v19 =	vmul.f32 v29, v19;
	v27 =	vld [tilespmem:s17+$0x58E0]  }
0x16c: {  	v28 =	vmul.f32 v33, v35;
	[tilespmem:s17+$0x96E0] =	vst v11;
	v11 =	vmul.f32 v30, v35;
	v29 =	vld [tilespmem:s17+$0x58F0]  }
0x16d: {  	v30 =	vmul.f32 v37, v35;
	[tilespmem:s17+$0x96F0] =	vst v12;
	v12 =	vmul.f32 v36, v35;
	v32 =	vld [tilespmem:s17+$0x5900]  }
0x16e: {  	v33 =	vbroadcast v1, $0x9;
	[tilespmem:s17+$0x9700] =	vst v9;
	v9 =	vbroadcast v1, $0x8;
	v35 =	vld [tilespmem:s17+$0x5910]  }
0x16f: {  	v36 =	vbroadcast v1, $0xB;
	[tilespmem:s17+$0x9710] =	vst v10;
	v10 =	vbroadcast v1, $0xA;
	v37 =	vld [tilespmem:s17+$0x5920]  }
0x170: {  	[tilespmem:s17+$0x9720] =	vst v7;
	v7 =	vmul.f32 v31, v9;
	v25 =	vmul.f32 v25, v9;
	v31 =	vld [tilespmem:s17+$0x5930]  }
0x171: {  	[tilespmem:s17+$0x9730] =	vst v8;
	v8 =	vmul.f32 v26, v9;
	v9 =	vmul.f32 v24, v9;
	v24 =	vld [tilespmem:s17+$0x5940]  }
0x172: {  	v21 =	vmul.f32 v21, v33;
	[tilespmem:s17+$0x9740] =	vst v5;
	v5 =	vmul.f32 v23, v33;
	v23 =	vld [tilespmem:s17+$0x5950]  }
0x173: {  	[tilespmem:s17+$0x9750] =	vst v6;
	v6 =	vmul.f32 v22, v33;
	v22 =	vmul.f32 v34, v33;
	v26 =	vld [tilespmem:s17+$0x5960]  }
0x174: {  	v17 =	vmul.f32 v17, v10;
	[tilespmem:s17+$0x9760] =	vst v4;
	v4 =	vmul.f32 v38, v10;
	v33 =	vld [tilespmem:s17+$0x5970]  }
0x175: {  	[tilespmem:s17+$0x9770] =	vst v3;
	v3 =	vmul.f32 v18, v10;
	v10 =	vmul.f32 v16, v10;
	v16 =	vld [tilespmem:s17+$0x5980]  }
0x176: {  	[tilespmem:s17+$0x9780] =	vst v2;
	v2 =	vmul.f32 v15, v36;
	v15 =	vmul.f32 v20, v36;
	v18 =	vld [tilespmem:s17+$0x5990]  }
0x177: {  	[tilespmem:s17+$0x9790] =	vst v13;
	v13 =	vmul.f32 v27, v36;
	v27 =	vmul.f32 v29, v36;
	v20 =	vld [tilespmem:s17+$0x59A0]  }
0x178: {  	v29 =	vbroadcast v1, $0xD;
	[tilespmem:s17+$0x97A0] =	vst v14;
	v14 =	vbroadcast v1, $0xC;
	v34 =	vld [tilespmem:s17+$0x59B0]  }
0x179: {  	[tilespmem:s17+$0x97B0] =	vst v19;
	v19 =	vbroadcast v1, $0xE;
	v36 =	vld [tilespmem:s17+$0x59C0];
	v1 =	vbroadcast v1, $0xF  }
0x17a: {  	[tilespmem:s17+$0x97C0] =	vst v11;
	v11 =	vmul.f32 v32, v14;
	v32 =	vmul.f32 v35, v14;
	v35 =	vld [tilespmem:s17+$0x59D0]  }
0x17b: {  	[tilespmem:s17+$0x97D0] =	vst v28;
	v28 =	vmul.f32 v37, v14;
	v14 =	vmul.f32 v31, v14;
	v31 =	vld [tilespmem:s17+$0x59E0]  }
0x17c: {  	v37 =	vmul.f32 v23, v29;
	[tilespmem:s17+$0x97E0] =	vst v12;
	v12 =	vmul.f32 v24, v29;
	v23 =	vld [tilespmem:s17+$0x59F0]  }
0x17d: {  	[tilespmem:s17+$0x97F0] =	vst v30;
	v30 =	vmul.f32 v26, v29;
	v29 =	vmul.f32 v33, v29  }
0x17e: {  	v33 =	vmul.f32 v18, v19;
	[tilespmem:s17+$0x9800] =	vst v7;
	v7 =	vmul.f32 v16, v19  }
0x17f: {  	v38 =	vmul.f32 v20, v19;
	v34 =	vmul.f32 v34, v19;
	[tilespmem:s17+$0x9810] =	vst v25  }
0x180: {  	v36 =	vmul.f32 v36, v1;
	v35 =	vmul.f32 v35, v1;
	[tilespmem:s17+$0x9820] =	vst v8  }
0x181: {  	v31 =	vmul.f32 v31, v1;
	[tilespmem:s17+$0x9830] =	vst v9;
	v1 =	vmul.f32 v23, v1  }
0x182: {  	[tilespmem:s17+$0x9840] =	vst v5  }
0x183: {  	[tilespmem:s17+$0x9850] =	vst v21  }
0x184: {  	s20 =	sshra.s32 s19, $0x2;
	[tilespmem:s17+$0x9860] =	vst v6  }
0x185: {  	v25 =	vld [tilespmem:s20+$0x5600];
	[tilespmem:s17+$0x9870] =	vst v22  }
0x186: {  	v26 =	vld [tilespmem:s20+$0x5610];
	[tilespmem:s17+$0x9880] =	vst v4  }
0x187: {  	v24 =	vld [tilespmem:s20+$0x5620];
	[tilespmem:s17+$0x9890] =	vst v17  }
0x188: {  	v23 =	vld [tilespmem:s20+$0x5630];
	[tilespmem:s17+$0x98A0] =	vst v3  }
0x189: {  	v21 =	vld [tilespmem:s20+$0x5640];
	[tilespmem:s17+$0x98B0] =	vst v10  }
0x18a: {  	v22 =	vld [tilespmem:s20+$0x5650];
	[tilespmem:s17+$0x98C0] =	vst v2  }
0x18b: {  	v20 =	vld [tilespmem:s20+$0x5660];
	[tilespmem:s17+$0x98D0] =	vst v15  }
0x18c: {  	v19 =	vld [tilespmem:s20+$0x5670];
	[tilespmem:s17+$0x98E0] =	vst v13  }
0x18d: {  	v17 =	vld [tilespmem:s20+$0x5680];
	[tilespmem:s17+$0x98F0] =	vst v27  }
0x18e: {  	v18 =	vld [tilespmem:s20+$0x5690];
	[tilespmem:s17+$0x9900] =	vst v11  }
0x18f: {  	v16 =	vld [tilespmem:s20+$0x56A0];
	[tilespmem:s17+$0x9910] =	vst v32  }
0x190: {  	v15 =	vld [tilespmem:s20+$0x56B0];
	[tilespmem:s17+$0x9920] =	vst v28  }
0x191: {  	v13 =	vld [tilespmem:s20+$0x56C0];
	[tilespmem:s17+$0x9930] =	vst v14  }
0x192: {  	v14 =	vld [tilespmem:s20+$0x56D0];
	[tilespmem:s17+$0x9940] =	vst v12  }
0x193: {  	v11 =	vld [tilespmem:s20+$0x56E0];
	[tilespmem:s17+$0x9950] =	vst v37  }
0x194: {  	v12 =	vld [tilespmem:s20+$0x56F0];
	[tilespmem:s17+$0x9960] =	vst v30  }
0x195: {  	v9 =	vld [tilespmem:s20+$0x5700];
	[tilespmem:s17+$0x9970] =	vst v29  }
0x196: {  	v10 =	vld [tilespmem:s20+$0x5710];
	[tilespmem:s17+$0x9980] =	vst v7  }
0x197: {  	v7 =	vld [tilespmem:s20+$0x5720];
	[tilespmem:s17+$0x9990] =	vst v33  }
0x198: {  	v8 =	vld [tilespmem:s20+$0x5730];
	[tilespmem:s17+$0x99A0] =	vst v38  }
0x199: {  	v5 =	vld [tilespmem:s20+$0x5740];
	[tilespmem:s17+$0x99B0] =	vst v34  }
.Ltmp6:
0x19a: {  	v6 =	vld [tilespmem:s20+$0x5750];
	[tilespmem:s17+$0x99C0] =	vst v36;
	(pc) =	sbr.rel @p0 .LBB2_10-.Ltmp6, $4  }
0x19b: {  	v4 =	vld [tilespmem:s20+$0x5760];
	[tilespmem:s17+$0x99D0] =	vst v35  }
0x19c: {  	v3 =	vld [tilespmem:s20+$0x5770];
	[tilespmem:s17+$0x99E0] =	vst v31  }
0x19d: {  	s16 =	sadd.s32 $0x10, s16;
	v2 =	vld [tilespmem:s20+$0x5780];
	[tilespmem:s17+$0x99F0] =	vst v1;
	s17 =	smov.u32 s20  }
0x19e: {  	s19 =	sadd.s32 $0x1000, s19;
	v1 =	vld [tilespmem:s16+$0x0]  }
0x19f: {  	_ =	sdelay $0x3  }
0x1a0: {  	v31 =	vbroadcast v1, $0x0;
	_ =	sdelay $0x1  }
0x1a1: {  	v25 =	vmul.f32 v31, v25  }
0x1a2: {  	v26 =	vmul.f32 v26, v31  }
0x1a3: {  	v36 =	vbroadcast v1, $0x1;
	v24 =	vmul.f32 v24, v31;
	[tilespmem:s17+$0x9600] =	vst v25  }
0x1a4: {  	v23 =	vmul.f32 v23, v31;
	[tilespmem:s17+$0x9610] =	vst v26  }
0x1a5: {  	v21 =	vmul.f32 v21, v36;
	[tilespmem:s17+$0x9620] =	vst v24  }
0x1a6: {  	v22 =	vmul.f32 v22, v36;
	[tilespmem:s17+$0x9630] =	vst v23  }
0x1a7: {  	v57 =	vbroadcast v1, $0x2;
	v20 =	vmul.f32 v20, v36;
	[tilespmem:s17+$0x9640] =	vst v21  }
0x1a8: {  	v19 =	vmul.f32 v19, v36;
	[tilespmem:s17+$0x9650] =	vst v22  }
0x1a9: {  	v17 =	vmul.f32 v17, v57;
	[tilespmem:s17+$0x9660] =	vst v20  }
0x1aa: {  	v18 =	vmul.f32 v18, v57;
	[tilespmem:s17+$0x9670] =	vst v19  }
0x1ab: {  	v58 =	vbroadcast v1, $0x3;
	v16 =	vmul.f32 v16, v57;
	[tilespmem:s17+$0x9680] =	vst v17  }
0x1ac: {  	v15 =	vmul.f32 v15, v57;
	[tilespmem:s17+$0x9690] =	vst v18  }
0x1ad: {  	v13 =	vmul.f32 v13, v58;
	[tilespmem:s17+$0x96A0] =	vst v16  }
0x1ae: {  	v14 =	vmul.f32 v14, v58;
	[tilespmem:s17+$0x96B0] =	vst v15  }
0x1af: {  	v59 =	vbroadcast v1, $0x4;
	v11 =	vmul.f32 v11, v58;
	[tilespmem:s17+$0x96C0] =	vst v13  }
0x1b0: {  	v12 =	vmul.f32 v12, v58;
	[tilespmem:s17+$0x96D0] =	vst v14  }
0x1b1: {  	v9 =	vmul.f32 v9, v59;
	[tilespmem:s17+$0x96E0] =	vst v11  }
0x1b2: {  	v10 =	vmul.f32 v10, v59;
	[tilespmem:s17+$0x96F0] =	vst v12  }
0x1b3: {  	v62 =	vbroadcast v1, $0x5;
	v7 =	vmul.f32 v7, v59;
	[tilespmem:s17+$0x9700] =	vst v9  }
0x1b4: {  	v8 =	vmul.f32 v8, v59;
	[tilespmem:s17+$0x9710] =	vst v10  }
0x1b5: {  	v27 =	vld [tilespmem:s17+$0x5790];
	v5 =	vmul.f32 v5, v62;
	[tilespmem:s17+$0x9720] =	vst v7  }
0x1b6: {  	v28 =	vld [tilespmem:s17+$0x57A0];
	v6 =	vmul.f32 v6, v62;
	[tilespmem:s17+$0x9730] =	vst v8  }
0x1b7: {  	v29 =	vld [tilespmem:s17+$0x57B0];
	v43 =	vbroadcast v1, $0x6;
	v4 =	vmul.f32 v4, v62;
	[tilespmem:s17+$0x9740] =	vst v5  }
0x1b8: {  	v30 =	vld [tilespmem:s17+$0x57C0];
	v3 =	vmul.f32 v3, v62;
	[tilespmem:s17+$0x9750] =	vst v6  }
0x1b9: {  	v32 =	vld [tilespmem:s17+$0x57D0];
	v2 =	vmul.f32 v2, v43;
	[tilespmem:s17+$0x9760] =	vst v4  }
0x1ba: {  	v33 =	vld [tilespmem:s17+$0x57E0];
	v27 =	vmul.f32 v27, v43;
	[tilespmem:s17+$0x9770] =	vst v3  }
0x1bb: {  	v34 =	vld [tilespmem:s17+$0x57F0];
	v46 =	vbroadcast v1, $0x7;
	v28 =	vmul.f32 v28, v43;
	[tilespmem:s17+$0x9780] =	vst v2  }
0x1bc: {  	v35 =	vld [tilespmem:s17+$0x5800];
	v29 =	vmul.f32 v29, v43;
	[tilespmem:s17+$0x9790] =	vst v27  }
0x1bd: {  	v56 =	vld [tilespmem:s17+$0x5810];
	v30 =	vmul.f32 v30, v46;
	[tilespmem:s17+$0x97A0] =	vst v28  }
0x1be: {  	v60 =	vld [tilespmem:s17+$0x5910];
	v49 =	vmul.f32 v32, v46;
	[tilespmem:s17+$0x97B0] =	vst v29  }
0x1bf: {  	v61 =	vld [tilespmem:s17+$0x5920];
	v52 =	vbroadcast v1, $0x8;
	v51 =	vmul.f32 v33, v46;
	[tilespmem:s17+$0x97C0] =	vst v30  }
0x1c0: {  	v63 =	vld [tilespmem:s17+$0x5930];
	v34 =	vmul.f32 v34, v46;
	[tilespmem:s17+$0x97D0] =	vst v49  }
0x1c1: {  	v40 =	vld [tilespmem:s17+$0x5940];
	v54 =	vmul.f32 v35, v52;
	v59 =	vbroadcast v1, $0xC;
	[tilespmem:s17+$0x97E0] =	vst v51  }
0x1c2: {  	v41 =	vld [tilespmem:s17+$0x5950];
	v25 =	vmul.f32 v56, v52;
	[tilespmem:s17+$0x97F0] =	vst v34  }
0x1c3: {  	v42 =	vld [tilespmem:s17+$0x5960];
	[tilespmem:s17+$0x9800] =	vst v54;
	v9 =	vmul.f32 v60, v59  }
0x1c4: {  	v44 =	vld [tilespmem:s17+$0x5970];
	v60 =	vbroadcast v1, $0xD;
	v10 =	vmul.f32 v61, v59;
	[tilespmem:s17+$0x9810] =	vst v25  }
0x1c5: {  	v45 =	vld [tilespmem:s17+$0x59A0];
	v57 =	vbroadcast v1, $0xA;
	v7 =	vmul.f32 v63, v59;
	[tilespmem:s17+$0x9910] =	vst v9  }
0x1c6: {  	v50 =	vld [tilespmem:s17+$0x59D0];
	v58 =	vbroadcast v1, $0xB;
	v8 =	vmul.f32 v40, v60;
	[tilespmem:s17+$0x9920] =	vst v10  }
0x1c7: {  	v26 =	vld [tilespmem:s17+$0x5820];
	v56 =	vbroadcast v1, $0x9;
	v5 =	vmul.f32 v41, v60;
	[tilespmem:s17+$0x9930] =	vst v7  }
0x1c8: {  	v24 =	vld [tilespmem:s17+$0x5830];
	v61 =	vbroadcast v1, $0xE;
	v6 =	vmul.f32 v42, v60;
	[tilespmem:s17+$0x9940] =	vst v8  }
0x1c9: {  	v23 =	vld [tilespmem:s17+$0x5840];
	v1 =	vbroadcast v1, $0xF;
	v4 =	vmul.f32 v44, v60;
	[tilespmem:s17+$0x9950] =	vst v5  }
0x1ca: {  	v21 =	vld [tilespmem:s17+$0x5850];
	v62 =	vmul.f32 v45, v61;
	[tilespmem:s17+$0x9960] =	vst v6  }
0x1cb: {  	v22 =	vld [tilespmem:s17+$0x5860];
	v63 =	vmul.f32 v50, v1;
	[tilespmem:s17+$0x9970] =	vst v4  }
0x1cc: {  	v20 =	vld [tilespmem:s17+$0x5870];
	[tilespmem:s17+$0x99A0] =	vst v62;
	v26 =	vmul.f32 v26, v52  }
0x1cd: {  	v19 =	vld [tilespmem:s17+$0x5880];
	[tilespmem:s17+$0x99D0] =	vst v63;
	v24 =	vmul.f32 v24, v52  }
0x1ce: {  	v17 =	vld [tilespmem:s17+$0x5890];
	v23 =	vmul.f32 v23, v56;
	[tilespmem:s17+$0x9820] =	vst v26  }
0x1cf: {  	v18 =	vld [tilespmem:s17+$0x58A0];
	v21 =	vmul.f32 v21, v56;
	[tilespmem:s17+$0x9830] =	vst v24  }
0x1d0: {  	v16 =	vld [tilespmem:s17+$0x58B0];
	v22 =	vmul.f32 v22, v56;
	[tilespmem:s17+$0x9840] =	vst v23  }
0x1d1: {  	v15 =	vld [tilespmem:s17+$0x58C0];
	v20 =	vmul.f32 v20, v56;
	[tilespmem:s17+$0x9850] =	vst v21  }
0x1d2: {  	v13 =	vld [tilespmem:s17+$0x58D0];
	v19 =	vmul.f32 v19, v57;
	[tilespmem:s17+$0x9860] =	vst v22  }
0x1d3: {  	v14 =	vld [tilespmem:s17+$0x58E0];
	v17 =	vmul.f32 v17, v57;
	[tilespmem:s17+$0x9870] =	vst v20  }
0x1d4: {  	v11 =	vld [tilespmem:s17+$0x58F0];
	v18 =	vmul.f32 v18, v57;
	[tilespmem:s17+$0x9880] =	vst v19  }
0x1d5: {  	v12 =	vld [tilespmem:s17+$0x5900];
	v16 =	vmul.f32 v16, v57;
	[tilespmem:s17+$0x9890] =	vst v17  }
0x1d6: {  	v3 =	vld [tilespmem:s17+$0x5980];
	v15 =	vmul.f32 v15, v58;
	[tilespmem:s17+$0x98A0] =	vst v18  }
0x1d7: {  	v2 =	vld [tilespmem:s17+$0x5990];
	v13 =	vmul.f32 v13, v58;
	[tilespmem:s17+$0x98B0] =	vst v16  }
0x1d8: {  	v47 =	vld [tilespmem:s17+$0x59B0];
	v14 =	vmul.f32 v14, v58;
	[tilespmem:s17+$0x98C0] =	vst v15  }
0x1d9: {  	v48 =	vld [tilespmem:s17+$0x59C0];
	v11 =	vmul.f32 v11, v58;
	[tilespmem:s17+$0x98D0] =	vst v13  }
0x1da: {  	v53 =	vld [tilespmem:s17+$0x59E0];
	v12 =	vmul.f32 v12, v59;
	[tilespmem:s17+$0x98E0] =	vst v14  }
0x1db: {  	v55 =	vld [tilespmem:s17+$0x59F0];
	v3 =	vmul.f32 v3, v61;
	[tilespmem:s17+$0x98F0] =	vst v11  }
0x1dc: {  	v2 =	vmul.f32 v2, v61;
	[tilespmem:s17+$0x9900] =	vst v12  }
0x1dd: {  	[tilespmem:s17+$0x9980] =	vst v3;
	v3 =	vmul.f32 v47, v61  }
0x1de: {  	[tilespmem:s17+$0x9990] =	vst v2;
	v2 =	vmul.f32 v48, v1  }
.Ltmp7:
0x1df: {  	[tilespmem:s17+$0x99B0] =	vst v3;
	v3 =	vmul.f32 v53, v1;
	(pc) =	sbr.rel @p1 .LBB2_13-.Ltmp7, $4  }
0x1e0: {  	[tilespmem:s17+$0x99C0] =	vst v2;
	v1 =	vmul.f32 v55, v1  }
0x1e1: {  	s16 =	sshrl.u32 s18, $0x2;
	[tilespmem:s17+$0x99E0] =	vst v3  }
0x1e2: {  	s16 =	sadd.s32 $0x1200, s16;
	[tilespmem:s17+$0x99F0] =	vst v1  }
0x1e3: {  	[spmem:s3] =	stream.indirect.scatter.add.f32 [tilespmem:s29], [sflag:$0x4], $0x40, s16, s31, $0xb8;
	[tilespmem:$0x1EE80] =	vst v63  }
0x1e4: {  	s14 =	sadd.s32 $0x3, s14  }
0x1e5: {  	s16 =	smulhi.u32 $0x38E38E39, s14;
	_ =	sdelay $0x1  }
0x1e6: {  	s16 =	sshrl.u32 s16, $0x3  }
0x1e7: {  	s16 =	smul.u32 $0x24, s16  }
.Ltmp8:
0x1e8: {  	_ = 	snop;
	(pc) =	sbr.rel .LBB2_4-.Ltmp8, $4  }
0x1e9: {  	_ = 	snop  }
0x1ea: {  	s13 =	sadd.s32 $0x1, s13;
	s11 =	sadd.s32 $0x100, s11;
	s14 =	ssub.s32 s14, s16  }
0x1eb: {  	s9 =	sadd.s32 $0x2, s9;
	s12 =	sadd.s32 $0x100, s12;
	s14 =	sshll.u32 s14, $0x7  }
0x1ec: {  	[tilespmem:s5], [sflag:$0x2] =	stream.indirect.gather [spmem:s2], $0x40, s14, s31, $0xb8;
	[tilespmem:$0x1EE80] =	vst v63  }
.LBB2_14:
0x1ed: {  	_ =	sfence.sel $0x180000  }
0x1ee: {  	[bflag:$0x0] =	sbarrier.arrive $0xFFFF  }
0x1ef: {  	_ =	strace $0x90000047  }
0x1f0: {  	s0 =	stileid.u32;
	[bflag:$0x2] =	sbarrier.arrive $0xFFFF  }
0x1f1: {  	p0 =	sne.s32 s0, $0x0;
	s0 =	rddreg [dreg:$0x5]  }
0x1f2: {  	s0 =	sadd.s32 @!p0 $0x100000, s0  }
0x1f3: {  	[sflag:s0] =	ssyncadd.tile.s32 @!p0 $0x1;
	_ =	shalt  }
.Lfunc_end2:
_tile_overlayer_lowered:
.L_overlay_start_2:
0x1f4: {  	(tag) =	ssettag $0x2  }
0x1f5: {  	s0 =	rddreg [dreg:$0x0];
	s2 =	stileid.u32  }
0x1f6: {  	s1 =	rddreg [dreg:$0x1];
	p0 =	sne.s32 s2, $0x0  }
0x1f7: {  	s3 =	rddreg [dreg:$0x2];
	[bflag:$0x3] =	sbarrier.arrive $0xFFFF;
	s2 =	simm.s32 @!p0 $0x1C06  }
0x1f8: {  	[timem:s3], [sflag:s2] =	dma.local @!p0 [hbm:s0], s1  }
0x1f9: {  	s0 =	simm.s32 @!p0 $0x6  }
0x1fa: {  	_ =	swait.ge @!p0 [sflag:s0], s1  }
0x1fb: {  	s1 =	ssub.s32 @!p0 $0x0, s1;
	[sflag:s0] =	ssyncset.done @!p0 $0x0  }
0x1fc: {  	[sflag:s0] =	ssyncadd.s32 @!p0 s1  }
0x1fd: {  	[bflag:$0x3] =	sbarrier.arrive $0xFFFF  }
0x1fe: {  	_ =	shalt  }

</sc_bundles>
